<compile_context>
chip_gen: v7x
topology: tpu7x:2x2x1
jax: 0.10.2.dev20260603
libtpu: 0.0.44.dev20260713+nightly
codegen_flags: <defaults>
</compile_context>

<pallas_src>
import functools

import jax
import jax.numpy as jnp
from jax import lax
from jax.experimental import pallas as pl
from jax.experimental.pallas import tpu as pltpu
from jax.experimental.pallas import tpu_sc as plsc

N_NODES = 10000
N_EDGES = 320000
D = 128

NC = 2
NS = 16
NW = NC * NS
K = 80
EPT = N_EDGES // NW
NCH = EPT // K
NB = 3
NP = 2
RPT = N_NODES // NS
ZRD = 125

_mesh = plsc.VectorSubcoreMesh(
    core_axis_name="c", subcore_axis_name="s", num_cores=NC, num_subcores=NS
)
_sc_params = pltpu.CompilerParams(use_tc_tiling_on_sc=False)


def _zero_fill(ref, rows, width):
    zero16 = jnp.zeros((16,), jnp.float32)

    @pl.loop(0, rows)
    def _(i):
        for l in range(width // 16):
            ref[i, pl.ds(l * 16, 16)] = zero16


@functools.partial(
    pl.kernel,
    out_type=jax.ShapeDtypeStruct((NC, N_NODES, 16), jnp.float32),
    mesh=_mesh,
    compiler_params=_sc_params,
    scratch_types=[
        pltpu.VMEM((NCH, K), jnp.int32),
        pltpu.VMEM((K, 16), jnp.float32),
        pltpu.VMEM((ZRD, 16), jnp.float32),
        pltpu.VMEM_SHARED((N_NODES, 16), jnp.float32),
        pltpu.SemaphoreType.DMA,
    ],
)
def _sc_degree(dst_hbm, out_hbm, dstb, ones_v, zero_v, acc_s, sem):
    cid = lax.axis_index("c")
    sid = lax.axis_index("s")
    wid = cid * NS + sid

    one16 = jnp.ones((16,), jnp.float32)

    @pl.loop(0, K)
    def _(i):
        ones_v[i, :] = one16

    _zero_fill(zero_v, ZRD, 16)

    pltpu.sync_copy(dst_hbm.at[wid], dstb)

    @pl.loop(0, RPT // ZRD)
    def _(i):
        pltpu.sync_copy(zero_v, acc_s.at[pl.ds(sid * RPT + i * ZRD, ZRD)])

    plsc.subcore_barrier()

    @pl.loop(0, NCH // 25)
    def _(b):
        @pl.loop(0, 25)
        def _(j):
            pltpu.async_copy(ones_v, acc_s.at[dstb.at[b * 25 + j]], sem,
                             add=True)

        @pl.loop(0, 25)
        def _(j):
            pltpu.make_async_copy(ones_v, acc_s.at[dstb.at[0]], sem).wait()

    plsc.subcore_barrier()
    pltpu.sync_copy(
        acc_s.at[pl.ds(sid * RPT, RPT)], out_hbm.at[cid, pl.ds(sid * RPT, RPT)]
    )


@functools.partial(
    pl.kernel,
    out_type=jax.ShapeDtypeStruct((NC, N_NODES, D), jnp.float32),
    mesh=_mesh,
    compiler_params=_sc_params,
    scratch_types=[
        pltpu.VMEM((NCH, K), jnp.int32),
        pltpu.VMEM((NCH, K), jnp.int32),
        pltpu.VMEM((NB, K, D), jnp.float32),
        pltpu.VMEM_SHARED((N_NODES, D), jnp.float32),
        [pltpu.SemaphoreType.DMA] * NB,
        [pltpu.SemaphoreType.DMA] * NB,
    ],
)
def _sc_aggregate(g_hbm, src_hbm, dst_hbm, out_hbm,
                  srcb, dstb, rows_v, acc_s, gsems, ssems):
    cid = lax.axis_index("c")
    sid = lax.axis_index("s")
    wid = cid * NS + sid

    pltpu.sync_copy(src_hbm.at[wid], srcb)
    pltpu.sync_copy(dst_hbm.at[wid], dstb)

    _zero_fill(rows_v.at[0], K, D)

    @pl.loop(0, 7)
    def _(i):
        pltpu.sync_copy(rows_v.at[0], acc_s.at[pl.ds(sid * RPT + i * K, K)])

    pltpu.sync_copy(
        rows_v.at[0, pl.ds(0, RPT - 7 * K)],
        acc_s.at[pl.ds(sid * RPT + 7 * K, RPT - 7 * K)],
    )

    plsc.subcore_barrier()

    def _start_gather(j, s):
        pltpu.async_copy(g_hbm.at[srcb.at[j]], rows_v.at[s], gsems[s])

    def _wait_gather(j, s):
        pltpu.make_async_copy(
            g_hbm.at[srcb.at[j]], rows_v.at[s], gsems[s]
        ).wait()

    def _start_scatter(j, s):
        pltpu.async_copy(rows_v.at[s], acc_s.at[dstb.at[j]], ssems[s],
                         add=True)

    def _wait_scatter(j, s):
        pltpu.make_async_copy(
            rows_v.at[s], acc_s.at[dstb.at[j]], ssems[s]
        ).wait()

    for s in range(NP):
        _start_gather(s, s)

    def _step(j, s):
        _wait_gather(j, s)
        _start_scatter(j, s)
        jn = j + NP

        @pl.when(jn < NCH)
        def _():
            sn = (s + NP) % NB

            @pl.when(jn >= NB)
            def _():
                _wait_scatter(jn - NB, sn)

            _start_gather(jn, sn)

    NGRP = NCH // NB
    NTAIL = NCH - NGRP * NB

    @pl.loop(0, NGRP)
    def _(g):
        for s in range(NB):
            _step(g * NB + s, s)

    for s in range(NTAIL):
        _step(NGRP * NB + s, s)

    for m in range(NCH - NB, NCH):
        _wait_scatter(m, m % NB)

    plsc.subcore_barrier()
    pltpu.sync_copy(
        acc_s.at[pl.ds(sid * RPT, RPT)], out_hbm.at[cid, pl.ds(sid * RPT, RPT)]
    )


_BLK = 2000
_GRID = N_NODES // _BLK


def _dis_block(degp):
    deg = degp[0] + degp[1] + 1.0
    return lax.rsqrt(deg)[:, 0:1]


def _tc_stage1(x_ref, w_ref, degp_ref, g_ref):
    h = jnp.dot(x_ref[...], w_ref[...], preferred_element_type=jnp.float32)
    g_ref[...] = h * _dis_block(degp_ref[...])


def _tc_stage2(acc_ref, g_ref, degp_ref, b_ref, w_ref, out_ref):
    dis = _dis_block(degp_ref[...])
    agg = acc_ref[0] + acc_ref[1] + g_ref[...]
    h = jnp.maximum(agg * dis + b_ref[...], 0.0)
    out_ref[...] = (
        jnp.dot(h, w_ref[...], preferred_element_type=jnp.float32) * dis
    )


def _tc_stage3(acc_ref, g_ref, degp_ref, b_ref, out_ref):
    dis = _dis_block(degp_ref[...])
    agg = acc_ref[0] + acc_ref[1] + g_ref[...]
    out_ref[...] = agg * dis + b_ref[...]


def _row_spec(width):
    return pl.BlockSpec((_BLK, width), lambda i: (i, 0))


def _full_spec(shape):
    return pl.BlockSpec(shape, lambda i: tuple(0 for _ in shape))


def _pair_spec(width):
    return pl.BlockSpec((NC, _BLK, width), lambda i: (0, i, 0))


def kernel(x, edge_index, W1, b1, W2, b2):
    src = edge_index[0].astype(jnp.int32).reshape(NW, NCH, K)
    dst = edge_index[1].astype(jnp.int32).reshape(NW, NCH, K)
    b1r = b1.reshape(1, D)
    b2r = b2.reshape(1, D)

    degp = _sc_degree(dst)

    g1 = pl.pallas_call(
        _tc_stage1,
        grid=(_GRID,),
        in_specs=[_row_spec(D), _full_spec((D, D)), _pair_spec(16)],
        out_specs=_row_spec(D),
        out_shape=jax.ShapeDtypeStruct((N_NODES, D), jnp.float32),
    )(x, W1, degp)

    acc1 = _sc_aggregate(g1, src, dst)

    g2 = pl.pallas_call(
        _tc_stage2,
        grid=(_GRID,),
        in_specs=[
            _pair_spec(D),
            _row_spec(D),
            _pair_spec(16),
            _full_spec((1, D)),
            _full_spec((D, D)),
        ],
        out_specs=_row_spec(D),
        out_shape=jax.ShapeDtypeStruct((N_NODES, D), jnp.float32),
    )(acc1, g1, degp, b1r, W2)

    acc2 = _sc_aggregate(g2, src, dst)

    out = pl.pallas_call(
        _tc_stage3,
        grid=(_GRID,),
        in_specs=[
            _pair_spec(D),
            _row_spec(D),
            _pair_spec(16),
            _full_spec((1, D)),
        ],
        out_specs=_row_spec(D),
        out_shape=jax.ShapeDtypeStruct((N_NODES, D), jnp.float32),
    )(acc2, g2, degp, b2r)

    return out

# --- scband reference (transcript-rebuilt; emitter-appended) ---
"""Pipeline reference for scband-threat-detector-gnn-58961311040081 (READ-ONLY COPY).

The authoritative reference and input builder live on the scoring server;
editing this copy changes nothing except your own understanding.
"""

import jax, jax.numpy as jnp
import numpy as np

N_NODES = 10000
N_EDGES = 320000
D_IN = 128
D_HID = 128
D_OUT = 128


def setup_inputs(seed: int = 0) -> dict:
    key = jax.random.key(seed)
    k1, k2, k3, k4, k5, k6 = jax.random.split(key, 6)
    x = jax.random.normal(k1, (N_NODES, D_IN), dtype=jnp.float32)
    edge_index = jax.random.randint(k2, (2, N_EDGES), 0, N_NODES, dtype=jnp.int64)
    # Glorot-style init for GCNConv linear weights, zeros for biases (PyG default)
    s1 = (6.0 / (D_IN + D_HID)) ** 0.5
    W1 = jax.random.uniform(k3, (D_IN, D_HID), dtype=jnp.float32, minval=-s1, maxval=s1)
    b1 = jnp.zeros((D_HID,), dtype=jnp.float32)
    s2 = (6.0 / (D_HID + D_OUT)) ** 0.5
    W2 = jax.random.uniform(k4, (D_HID, D_OUT), dtype=jnp.float32, minval=-s2, maxval=s2)
    b2 = jnp.zeros((D_OUT,), dtype=jnp.float32)
    return {"x": x, "edge_index": edge_index, "W1": W1, "b1": b1, "W2": W2, "b2": b2}


def _gcn_conv(x, src, dst, norm, W, b, n_nodes):
    # PyG GCNConv: linear transform, then normalized scatter-add aggregation, then bias
    h = x @ W
    msg = h[src] * norm[:, None]
    out = jnp.zeros((n_nodes, h.shape[1]), dtype=h.dtype).at[dst].add(msg)
    return out + b


def _build_norm(edge_index, n_nodes):
    # add self-loops (PyG default add_self_loops=True)
    loop = jnp.arange(n_nodes, dtype=edge_index.dtype)
    src = jnp.concatenate([edge_index[0], loop])
    dst = jnp.concatenate([edge_index[1], loop])
    ones = jnp.ones(src.shape[0], dtype=jnp.float32)
    deg = jnp.zeros((n_nodes,), dtype=jnp.float32).at[dst].add(ones)
    deg_inv_sqrt = jnp.where(deg > 0, jax.lax.rsqrt(jnp.maximum(deg, 1e-12)), 0.0)
    norm = deg_inv_sqrt[src] * deg_inv_sqrt[dst]
    return src, dst, norm


def reference(x, edge_index, W1, b1, W2, b2):
    n_nodes = x.shape[0]
    src, dst, norm = _build_norm(edge_index, n_nodes)
    h = _gcn_conv(x, src, dst, norm, W1, b1, n_nodes)
    h = jax.nn.relu(h)
    out = _gcn_conv(h, src, dst, norm, W2, b2, n_nodes)
    return out

if __name__ == "__main__":
    import jax
    _d = setup_inputs()
    print(jax.jit(kernel)(*tuple(_d.values())))

</pallas_src>

<mosaic_0001>
#map = affine_map<(d0, d1) -> (0, 0)>
#map1 = affine_map<(d0, d1) -> (0, 0, 0)>
module attributes {stable_mosaic.version = 14 : i64} {
  func.func @_sc_aggregate(%arg0: i32, %arg1: i32, %arg2: memref<10000x128xf32, #tpu.memory_space<hbm>>, %arg3: memref<32x125x80xi32, #tpu.memory_space<hbm>>, %arg4: memref<32x125x80xi32, #tpu.memory_space<hbm>>, %arg5: memref<2x10000x128xf32, #tpu.memory_space<hbm>>, %arg6: memref<125x80xi32, #tpu.memory_space<vmem>>, %arg7: memref<125x80xi32, #tpu.memory_space<vmem>>, %arg8: memref<3x80x128xf32, #tpu.memory_space<vmem>>, %arg9: memref<10000x128xf32, #tpu.memory_space<vmem_shared>>, %arg10: memref<!tpu.dma_semaphore, #tpu.memory_space<semaphore_mem>>, %arg11: memref<!tpu.dma_semaphore, #tpu.memory_space<semaphore_mem>>, %arg12: memref<!tpu.dma_semaphore, #tpu.memory_space<semaphore_mem>>, %arg13: memref<!tpu.dma_semaphore, #tpu.memory_space<semaphore_mem>>, %arg14: memref<!tpu.dma_semaphore, #tpu.memory_space<semaphore_mem>>, %arg15: memref<!tpu.dma_semaphore, #tpu.memory_space<semaphore_mem>>) attributes {dimension_semantics = [#tpu.dimension_semantics<core_parallel>, #tpu.dimension_semantics<subcore_parallel>], iteration_bounds = array<i64: 2, 16>, scalar_prefetch = 0 : i64, scratch_operands = 10 : i64, tpu.core_type = #tpu.core_type<sc_vector_subcore>, window_params = [{transform_indices = #map}, {transform_indices = #map1}, {transform_indices = #map1}, {transform_indices = #map1}]} {
    %mul3A = arith.constant 16 : i32
    %mul3A_0 = arith.muli %arg0, %mul3A : i32
    %add3A = arith.addi %mul3A_0, %arg1 : i32
    "tpu.region"() ({
      %run_scoped3A_132 = tpu.sem_alloc : memref<!tpu.dma_semaphore, #tpu.memory_space<semaphore_mem>>
      %dma_start3A_133 = arith.constant 0 : i32
      %dma_start3A_134 = arith.constant 0 : i32
      %dma_start3A_135 = tpu.memref_slice %arg3[%add3A, %dma_start3A_133, %dma_start3A_134] : memref<32x125x80xi32, #tpu.memory_space<hbm>> -> memref<1x125x80xi32, #tpu.memory_space<hbm>>
      %dma_start3A_136 = tpu.memref_squeeze %dma_start3A_135 : memref<1x125x80xi32, #tpu.memory_space<hbm>> -> memref<125x80xi32, #tpu.memory_space<hbm>>
      %dma_start3A_137 = arith.constant 0 : i32
      %dma_start3A_138 = arith.constant 0 : i32
      %dma_start3A_139 = tpu.memref_slice %arg3[%add3A, %dma_start3A_137, %dma_start3A_138] : memref<32x125x80xi32, #tpu.memory_space<hbm>> -> memref<1x125x80xi32, #tpu.memory_space<hbm>>
      %dma_start3A_140 = tpu.memref_squeeze %dma_start3A_139 : memref<1x125x80xi32, #tpu.memory_space<hbm>> -> memref<125x80xi32, #tpu.memory_space<hbm>>
      tpu.enqueue_dma source(%dma_start3A_140 : memref<125x80xi32, #tpu.memory_space<hbm>>) target(%arg6 : memref<125x80xi32, #tpu.memory_space<vmem>>) target_semaphore(%run_scoped3A_132 : memref<!tpu.dma_semaphore, #tpu.memory_space<semaphore_mem>>)
      %dma_wait3A_141 = arith.constant 0 : i32
      %dma_wait3A_142 = arith.constant 0 : i32
      %dma_wait3A_143 = tpu.memref_slice %arg3[%add3A, %dma_wait3A_141, %dma_wait3A_142] : memref<32x125x80xi32, #tpu.memory_space<hbm>> -> memref<1x125x80xi32, #tpu.memory_space<hbm>>
      %dma_wait3A_144 = tpu.memref_squeeze %dma_wait3A_143 : memref<1x125x80xi32, #tpu.memory_space<hbm>> -> memref<125x80xi32, #tpu.memory_space<hbm>>
      %dma_wait3A_145 = arith.constant 0 : i32
      %dma_wait3A_146 = arith.constant 0 : i32
      %dma_wait3A_147 = tpu.memref_slice %arg3[%add3A, %dma_wait3A_145, %dma_wait3A_146] : memref<32x125x80xi32, #tpu.memory_space<hbm>> -> memref<1x125x80xi32, #tpu.memory_space<hbm>>
      %dma_wait3A_148 = tpu.memref_squeeze %dma_wait3A_147 : memref<1x125x80xi32, #tpu.memory_space<hbm>> -> memref<125x80xi32, #tpu.memory_space<hbm>>
      tpu.wait_dma2 semaphore(%run_scoped3A_132 : memref<!tpu.dma_semaphore, #tpu.memory_space<semaphore_mem>>) src(%dma_wait3A_148 : memref<125x80xi32, #tpu.memory_space<hbm>>) dst(%arg6 : memref<125x80xi32, #tpu.memory_space<vmem>>)
      tpu.yield
    }) : () -> ()
    "tpu.region"() ({
      %run_scoped3A_132 = tpu.sem_alloc : memref<!tpu.dma_semaphore, #tpu.memory_space<semaphore_mem>>
      %dma_start3A_133 = arith.constant 0 : i32
      %dma_start3A_134 = arith.constant 0 : i32
      %dma_start3A_135 = tpu.memref_slice %arg4[%add3A, %dma_start3A_133, %dma_start3A_134] : memref<32x125x80xi32, #tpu.memory_space<hbm>> -> memref<1x125x80xi32, #tpu.memory_space<hbm>>
      %dma_start3A_136 = tpu.memref_squeeze %dma_start3A_135 : memref<1x125x80xi32, #tpu.memory_space<hbm>> -> memref<125x80xi32, #tpu.memory_space<hbm>>
      %dma_start3A_137 = arith.constant 0 : i32
      %dma_start3A_138 = arith.constant 0 : i32
      %dma_start3A_139 = tpu.memref_slice %arg4[%add3A, %dma_start3A_137, %dma_start3A_138] : memref<32x125x80xi32, #tpu.memory_space<hbm>> -> memref<1x125x80xi32, #tpu.memory_space<hbm>>
      %dma_start3A_140 = tpu.memref_squeeze %dma_start3A_139 : memref<1x125x80xi32, #tpu.memory_space<hbm>> -> memref<125x80xi32, #tpu.memory_space<hbm>>
      tpu.enqueue_dma source(%dma_start3A_140 : memref<125x80xi32, #tpu.memory_space<hbm>>) target(%arg7 : memref<125x80xi32, #tpu.memory_space<vmem>>) target_semaphore(%run_scoped3A_132 : memref<!tpu.dma_semaphore, #tpu.memory_space<semaphore_mem>>)
      %dma_wait3A_141 = arith.constant 0 : i32
      %dma_wait3A_142 = arith.constant 0 : i32
      %dma_wait3A_143 = tpu.memref_slice %arg4[%add3A, %dma_wait3A_141, %dma_wait3A_142] : memref<32x125x80xi32, #tpu.memory_space<hbm>> -> memref<1x125x80xi32, #tpu.memory_space<hbm>>
      %dma_wait3A_144 = tpu.memref_squeeze %dma_wait3A_143 : memref<1x125x80xi32, #tpu.memory_space<hbm>> -> memref<125x80xi32, #tpu.memory_space<hbm>>
      %dma_wait3A_145 = arith.constant 0 : i32
      %dma_wait3A_146 = arith.constant 0 : i32
      %dma_wait3A_147 = tpu.memref_slice %arg4[%add3A, %dma_wait3A_145, %dma_wait3A_146] : memref<32x125x80xi32, #tpu.memory_space<hbm>> -> memref<1x125x80xi32, #tpu.memory_space<hbm>>
      %dma_wait3A_148 = tpu.memref_squeeze %dma_wait3A_147 : memref<1x125x80xi32, #tpu.memory_space<hbm>> -> memref<125x80xi32, #tpu.memory_space<hbm>>
      tpu.wait_dma2 semaphore(%run_scoped3A_132 : memref<!tpu.dma_semaphore, #tpu.memory_space<semaphore_mem>>) src(%dma_wait3A_148 : memref<125x80xi32, #tpu.memory_space<hbm>>) dst(%arg7 : memref<125x80xi32, #tpu.memory_space<vmem>>)
      tpu.yield
    }) : () -> ()
    %broadcast_in_dim3A = arith.constant 0.000000e+00 : f32
    %broadcast_in_dim3A_1 = vector.broadcast %broadcast_in_dim3A : f32 to vector<16xf32>
    %scan3A = arith.constant 0 : i32
    %scan3A_2 = arith.constant 0 : i32
    %scan3A_3 = arith.constant 80 : i32
    %scan3A_4 = arith.addi %scan3A_2, %scan3A_3 : i32
    %scan3A_5 = arith.constant 1 : i32
    scf.for %scan3A_132 = %scan3A_2 to %scan3A_4 step %scan3A_5  : i32 {
      %mul3A_133 = arith.constant 1 : i32
      %mul3A_134 = arith.muli %scan3A_132, %mul3A_133 : i32
      %add3A_135 = arith.constant 0 : i32
      %add3A_136 = arith.addi %add3A_135, %mul3A_134 : i32
      %swap3A = arith.constant 0 : i32
      %swap3A_137 = arith.constant 0 : i32
      %swap3A_138 = tpu.memref_slice %arg8[%scan3A, %swap3A, %swap3A_137] : memref<3x80x128xf32, #tpu.memory_space<vmem>> -> memref<1x80x128xf32, #tpu.memory_space<vmem>>
      %swap3A_139 = tpu.memref_squeeze %swap3A_138 : memref<1x80x128xf32, #tpu.memory_space<vmem>> -> memref<80x128xf32, #tpu.memory_space<vmem>>
      %swap3A_140 = arith.index_cast %add3A_136 : i32 to index
      %swap3A_141 = arith.constant 0 : index
      %swap3A_142 = tpu.vector_load %swap3A_139[%swap3A_140, %swap3A_141] {strides = array<i32>} : memref<80x128xf32, #tpu.memory_space<vmem>>, vector<1x16xf32>,
      %swap3A_143 = vector.shape_cast %swap3A_142 : vector<1x16xf32> to vector<16xf32>
      %swap3A_144 = vector.shape_cast %broadcast_in_dim3A_1 : vector<16xf32> to vector<1x16xf32>
      tpu.vector_store %swap3A_139[%swap3A_140, %swap3A_141], %swap3A_144 {strides = array<i32>} : memref<80x128xf32, #tpu.memory_space<vmem>>, vector<1x16xf32>,
      %swap3A_145 = arith.constant 0 : i32
      %swap3A_146 = arith.constant 0 : i32
      %swap3A_147 = tpu.memref_slice %arg8[%scan3A, %swap3A_145, %swap3A_146] : memref<3x80x128xf32, #tpu.memory_space<vmem>> -> memref<1x80x128xf32, #tpu.memory_space<vmem>>
      %swap3A_148 = tpu.memref_squeeze %swap3A_147 : memref<1x80x128xf32, #tpu.memory_space<vmem>> -> memref<80x128xf32, #tpu.memory_space<vmem>>
      %swap3A_149 = arith.index_cast %add3A_136 : i32 to index
      %swap3A_150 = arith.constant 16 : index
      %swap3A_151 = tpu.vector_load %swap3A_148[%swap3A_149, %swap3A_150] {strides = array<i32>} : memref<80x128xf32, #tpu.memory_space<vmem>>, vector<1x16xf32>,
      %swap3A_152 = vector.shape_cast %swap3A_151 : vector<1x16xf32> to vector<16xf32>
      %swap3A_153 = vector.shape_cast %broadcast_in_dim3A_1 : vector<16xf32> to vector<1x16xf32>
      tpu.vector_store %swap3A_148[%swap3A_149, %swap3A_150], %swap3A_153 {strides = array<i32>} : memref<80x128xf32, #tpu.memory_space<vmem>>, vector<1x16xf32>,
      %swap3A_154 = arith.constant 0 : i32
      %swap3A_155 = arith.constant 0 : i32
      %swap3A_156 = tpu.memref_slice %arg8[%scan3A, %swap3A_154, %swap3A_155] : memref<3x80x128xf32, #tpu.memory_space<vmem>> -> memref<1x80x128xf32, #tpu.memory_space<vmem>>
      %swap3A_157 = tpu.memref_squeeze %swap3A_156 : memref<1x80x128xf32, #tpu.memory_space<vmem>> -> memref<80x128xf32, #tpu.memory_space<vmem>>
      %swap3A_158 = arith.index_cast %add3A_136 : i32 to index
      %swap3A_159 = arith.constant 32 : index
      %swap3A_160 = tpu.vector_load %swap3A_157[%swap3A_158, %swap3A_159] {strides = array<i32>} : memref<80x128xf32, #tpu.memory_space<vmem>>, vector<1x16xf32>,
      %swap3A_161 = vector.shape_cast %swap3A_160 : vector<1x16xf32> to vector<16xf32>
      %swap3A_162 = vector.shape_cast %broadcast_in_dim3A_1 : vector<16xf32> to vector<1x16xf32>
      tpu.vector_store %swap3A_157[%swap3A_158, %swap3A_159], %swap3A_162 {strides = array<i32>} : memref<80x128xf32, #tpu.memory_space<vmem>>, vector<1x16xf32>,
      %swap3A_163 = arith.constant 0 : i32
      %swap3A_164 = arith.constant 0 : i32
      %swap3A_165 = tpu.memref_slice %arg8[%scan3A, %swap3A_163, %swap3A_164] : memref<3x80x128xf32, #tpu.memory_space<vmem>> -> memref<1x80x128xf32, #tpu.memory_space<vmem>>
      %swap3A_166 = tpu.memref_squeeze %swap3A_165 : memref<1x80x128xf32, #tpu.memory_space<vmem>> -> memref<80x128xf32, #tpu.memory_space<vmem>>
      %swap3A_167 = arith.index_cast %add3A_136 : i32 to index
      %swap3A_168 = arith.constant 48 : index
      %swap3A_169 = tpu.vector_load %swap3A_166[%swap3A_167, %swap3A_168] {strides = array<i32>} : memref<80x128xf32, #tpu.memory_space<vmem>>, vector<1x16xf32>,
      %swap3A_170 = vector.shape_cast %swap3A_169 : vector<1x16xf32> to vector<16xf32>
      %swap3A_171 = vector.shape_cast %broadcast_in_dim3A_1 : vector<16xf32> to vector<1x16xf32>
      tpu.vector_store %swap3A_166[%swap3A_167, %swap3A_168], %swap3A_171 {strides = array<i32>} : memref<80x128xf32, #tpu.memory_space<vmem>>, vector<1x16xf32>,
      %swap3A_172 = arith.constant 0 : i32
      %swap3A_173 = arith.constant 0 : i32
      %swap3A_174 = tpu.memref_slice %arg8[%scan3A, %swap3A_172, %swap3A_173] : memref<3x80x128xf32, #tpu.memory_space<vmem>> -> memref<1x80x128xf32, #tpu.memory_space<vmem>>
      %swap3A_175 = tpu.memref_squeeze %swap3A_174 : memref<1x80x128xf32, #tpu.memory_space<vmem>> -> memref<80x128xf32, #tpu.memory_space<vmem>>
      %swap3A_176 = arith.index_cast %add3A_136 : i32 to index
      %swap3A_177 = arith.constant 64 : index
      %swap3A_178 = tpu.vector_load %swap3A_175[%swap3A_176, %swap3A_177] {strides = array<i32>} : memref<80x128xf32, #tpu.memory_space<vmem>>, vector<1x16xf32>,
      %swap3A_179 = vector.shape_cast %swap3A_178 : vector<1x16xf32> to vector<16xf32>
      %swap3A_180 = vector.shape_cast %broadcast_in_dim3A_1 : vector<16xf32> to vector<1x16xf32>
      tpu.vector_store %swap3A_175[%swap3A_176, %swap3A_177], %swap3A_180 {strides = array<i32>} : memref<80x128xf32, #tpu.memory_space<vmem>>, vector<1x16xf32>,
      %swap3A_181 = arith.constant 0 : i32
      %swap3A_182 = arith.constant 0 : i32
      %swap3A_183 = tpu.memref_slice %arg8[%scan3A, %swap3A_181, %swap3A_182] : memref<3x80x128xf32, #tpu.memory_space<vmem>> -> memref<1x80x128xf32, #tpu.memory_space<vmem>>
      %swap3A_184 = tpu.memref_squeeze %swap3A_183 : memref<1x80x128xf32, #tpu.memory_space<vmem>> -> memref<80x128xf32, #tpu.memory_space<vmem>>
      %swap3A_185 = arith.index_cast %add3A_136 : i32 to index
      %swap3A_186 = arith.constant 80 : index
      %swap3A_187 = tpu.vector_load %swap3A_184[%swap3A_185, %swap3A_186] {strides = array<i32>} : memref<80x128xf32, #tpu.memory_space<vmem>>, vector<1x16xf32>,
      %swap3A_188 = vector.shape_cast %swap3A_187 : vector<1x16xf32> to vector<16xf32>
      %swap3A_189 = vector.shape_cast %broadcast_in_dim3A_1 : vector<16xf32> to vector<1x16xf32>
      tpu.vector_store %swap3A_184[%swap3A_185, %swap3A_186], %swap3A_189 {strides = array<i32>} : memref<80x128xf32, #tpu.memory_space<vmem>>, vector<1x16xf32>,
      %swap3A_190 = arith.constant 0 : i32
      %swap3A_191 = arith.constant 0 : i32
      %swap3A_192 = tpu.memref_slice %arg8[%scan3A, %swap3A_190, %swap3A_191] : memref<3x80x128xf32, #tpu.memory_space<vmem>> -> memref<1x80x128xf32, #tpu.memory_space<vmem>>
      %swap3A_193 = tpu.memref_squeeze %swap3A_192 : memref<1x80x128xf32, #tpu.memory_space<vmem>> -> memref<80x128xf32, #tpu.memory_space<vmem>>
      %swap3A_194 = arith.index_cast %add3A_136 : i32 to index
      %swap3A_195 = arith.constant 96 : index
      %swap3A_196 = tpu.vector_load %swap3A_193[%swap3A_194, %swap3A_195] {strides = array<i32>} : memref<80x128xf32, #tpu.memory_space<vmem>>, vector<1x16xf32>,
      %swap3A_197 = vector.shape_cast %swap3A_196 : vector<1x16xf32> to vector<16xf32>
      %swap3A_198 = vector.shape_cast %broadcast_in_dim3A_1 : vector<16xf32> to vector<1x16xf32>
      tpu.vector_store %swap3A_193[%swap3A_194, %swap3A_195], %swap3A_198 {strides = array<i32>} : memref<80x128xf32, #tpu.memory_space<vmem>>, vector<1x16xf32>,
      %swap3A_199 = arith.constant 0 : i32
      %swap3A_200 = arith.constant 0 : i32
      %swap3A_201 = tpu.memref_slice %arg8[%scan3A, %swap3A_199, %swap3A_200] : memref<3x80x128xf32, #tpu.memory_space<vmem>> -> memref<1x80x128xf32, #tpu.memory_space<vmem>>
      %swap3A_202 = tpu.memref_squeeze %swap3A_201 : memref<1x80x128xf32, #tpu.memory_space<vmem>> -> memref<80x128xf32, #tpu.memory_space<vmem>>
      %swap3A_203 = arith.index_cast %add3A_136 : i32 to index
      %swap3A_204 = arith.constant 112 : index
      %swap3A_205 = tpu.vector_load %swap3A_202[%swap3A_203, %swap3A_204] {strides = array<i32>} : memref<80x128xf32, #tpu.memory_space<vmem>>, vector<1x16xf32>,
      %swap3A_206 = vector.shape_cast %swap3A_205 : vector<1x16xf32> to vector<16xf32>
      %swap3A_207 = vector.shape_cast %broadcast_in_dim3A_1 : vector<16xf32> to vector<1x16xf32>
      tpu.vector_store %swap3A_202[%swap3A_203, %swap3A_204], %swap3A_207 {strides = array<i32>} : memref<80x128xf32, #tpu.memory_space<vmem>>, vector<1x16xf32>,
    }
    %scan3A_6 = arith.constant 80 : i32
    %scan3A_7 = arith.constant 0 : i32
    %scan3A_8 = arith.constant 7 : i32
    %scan3A_9 = arith.addi %scan3A_7, %scan3A_8 : i32
    %scan3A_10 = arith.constant 1 : i32
    scf.for %scan3A_132 = %scan3A_7 to %scan3A_9 step %scan3A_10  : i32 {
      %mul3A_133 = arith.constant 1 : i32
      %mul3A_134 = arith.muli %scan3A_132, %mul3A_133 : i32
      %add3A_135 = arith.constant 0 : i32
      %add3A_136 = arith.addi %add3A_135, %mul3A_134 : i32
      %mul3A_137 = arith.constant 625 : i32
      %mul3A_138 = arith.muli %arg1, %mul3A_137 : i32
      %mul3A_139 = arith.constant 80 : i32
      %mul3A_140 = arith.muli %add3A_136, %mul3A_139 : i32
      %add3A_141 = arith.addi %mul3A_138, %mul3A_140 : i32
      %run_scoped3A_142 = arith.constant 0 : i32
      "tpu.region"() ({
        %run_scoped3A_143 = tpu.sem_alloc : memref<!tpu.dma_semaphore, #tpu.memory_space<semaphore_mem>>
        %dma_start3A_144 = arith.constant 0 : i32
        %dma_start3A_145 = arith.constant 0 : i32
        %dma_start3A_146 = tpu.memref_slice %arg8[%run_scoped3A_142, %dma_start3A_144, %dma_start3A_145] : memref<3x80x128xf32, #tpu.memory_space<vmem>> -> memref<1x80x128xf32, #tpu.memory_space<vmem>>
        %dma_start3A_147 = tpu.memref_squeeze %dma_start3A_146 : memref<1x80x128xf32, #tpu.memory_space<vmem>> -> memref<80x128xf32, #tpu.memory_space<vmem>>
        %dma_start3A_148 = arith.constant 0 : i32
        %dma_start3A_149 = tpu.memref_slice %arg9[%add3A_141, %dma_start3A_148] : memref<10000x128xf32, #tpu.memory_space<vmem_shared>> -> memref<80x128xf32, #tpu.memory_space<vmem_shared>>
        %dma_start3A_150 = arith.constant 0 : i32
        %dma_start3A_151 = tpu.memref_slice %arg9[%add3A_141, %dma_start3A_150] : memref<10000x128xf32, #tpu.memory_space<vmem_shared>> -> memref<80x128xf32, #tpu.memory_space<vmem_shared>>
        %dma_start3A_152 = arith.constant 0 : i32
        %dma_start3A_153 = arith.constant 0 : i32
        %dma_start3A_154 = tpu.memref_slice %arg8[%run_scoped3A_142, %dma_start3A_152, %dma_start3A_153] : memref<3x80x128xf32, #tpu.memory_space<vmem>> -> memref<1x80x128xf32, #tpu.memory_space<vmem>>
        %dma_start3A_155 = tpu.memref_squeeze %dma_start3A_154 : memref<1x80x128xf32, #tpu.memory_space<vmem>> -> memref<80x128xf32, #tpu.memory_space<vmem>>
        tpu.enqueue_dma source(%dma_start3A_155 : memref<80x128xf32, #tpu.memory_space<vmem>>) target(%dma_start3A_151 : memref<80x128xf32, #tpu.memory_space<vmem_shared>>) target_semaphore(%run_scoped3A_143 : memref<!tpu.dma_semaphore, #tpu.memory_space<semaphore_mem>>)
        %dma_wait3A_156 = arith.constant 0 : i32
        %dma_wait3A_157 = arith.constant 0 : i32
        %dma_wait3A_158 = tpu.memref_slice %arg8[%run_scoped3A_142, %dma_wait3A_156, %dma_wait3A_157] : memref<3x80x128xf32, #tpu.memory_space<vmem>> -> memref<1x80x128xf32, #tpu.memory_space<vmem>>
        %dma_wait3A_159 = tpu.memref_squeeze %dma_wait3A_158 : memref<1x80x128xf32, #tpu.memory_space<vmem>> -> memref<80x128xf32, #tpu.memory_space<vmem>>
        %dma_wait3A_160 = arith.constant 0 : i32
        %dma_wait3A_161 = tpu.memref_slice %arg9[%add3A_141, %dma_wait3A_160] : memref<10000x128xf32, #tpu.memory_space<vmem_shared>> -> memref<80x128xf32, #tpu.memory_space<vmem_shared>>
        %dma_wait3A_162 = arith.constant 0 : i32
        %dma_wait3A_163 = tpu.memref_slice %arg9[%add3A_141, %dma_wait3A_162] : memref<10000x128xf32, #tpu.memory_space<vmem_shared>> -> memref<80x128xf32, #tpu.memory_space<vmem_shared>>
        %dma_wait3A_164 = arith.constant 0 : i32
        %dma_wait3A_165 = arith.constant 0 : i32
        %dma_wait3A_166 = tpu.memref_slice %arg8[%run_scoped3A_142, %dma_wait3A_164, %dma_wait3A_165] : memref<3x80x128xf32, #tpu.memory_space<vmem>> -> memref<1x80x128xf32, #tpu.memory_space<vmem>>
        %dma_wait3A_167 = tpu.memref_squeeze %dma_wait3A_166 : memref<1x80x128xf32, #tpu.memory_space<vmem>> -> memref<80x128xf32, #tpu.memory_space<vmem>>
        tpu.wait_dma2 semaphore(%run_scoped3A_143 : memref<!tpu.dma_semaphore, #tpu.memory_space<semaphore_mem>>) src(%dma_wait3A_167 : memref<80x128xf32, #tpu.memory_space<vmem>>) dst(%dma_wait3A_163 : memref<80x128xf32, #tpu.memory_space<vmem_shared>>)
        tpu.yield
      }) : () -> ()
    }
    %scan3A_11 = arith.constant 7 : i32
    %mul3A_12 = arith.constant 625 : i32
    %mul3A_13 = arith.muli %arg1, %mul3A_12 : i32
    %add3A_14 = arith.constant 560 : i32
    %add3A_15 = arith.addi %mul3A_13, %add3A_14 : i32
    %run_scoped3A = arith.constant 0 : i32
    "tpu.region"() ({
      %run_scoped3A_132 = tpu.sem_alloc : memref<!tpu.dma_semaphore, #tpu.memory_space<semaphore_mem>>
      %dma_start3A_133 = arith.constant 0 : i32
      %dma_start3A_134 = arith.constant 0 : i32
      %dma_start3A_135 = tpu.memref_slice %arg8[%run_scoped3A, %dma_start3A_133, %dma_start3A_134] : memref<3x80x128xf32, #tpu.memory_space<vmem>> -> memref<1x65x128xf32, #tpu.memory_space<vmem>>
      %dma_start3A_136 = tpu.memref_squeeze %dma_start3A_135 : memref<1x65x128xf32, #tpu.memory_space<vmem>> -> memref<65x128xf32, #tpu.memory_space<vmem>>
      %dma_start3A_137 = arith.constant 0 : i32
      %dma_start3A_138 = tpu.memref_slice %arg9[%add3A_15, %dma_start3A_137] : memref<10000x128xf32, #tpu.memory_space<vmem_shared>> -> memref<65x128xf32, #tpu.memory_space<vmem_shared>>
      %dma_start3A_139 = arith.constant 0 : i32
      %dma_start3A_140 = tpu.memref_slice %arg9[%add3A_15, %dma_start3A_139] : memref<10000x128xf32, #tpu.memory_space<vmem_shared>> -> memref<65x128xf32, #tpu.memory_space<vmem_shared>>
      %dma_start3A_141 = arith.constant 0 : i32
      %dma_start3A_142 = arith.constant 0 : i32
      %dma_start3A_143 = tpu.memref_slice %arg8[%run_scoped3A, %dma_start3A_141, %dma_start3A_142] : memref<3x80x128xf32, #tpu.memory_space<vmem>> -> memref<1x65x128xf32, #tpu.memory_space<vmem>>
      %dma_start3A_144 = tpu.memref_squeeze %dma_start3A_143 : memref<1x65x128xf32, #tpu.memory_space<vmem>> -> memref<65x128xf32, #tpu.memory_space<vmem>>
      tpu.enqueue_dma source(%dma_start3A_144 : memref<65x128xf32, #tpu.memory_space<vmem>>) target(%dma_start3A_140 : memref<65x128xf32, #tpu.memory_space<vmem_shared>>) target_semaphore(%run_scoped3A_132 : memref<!tpu.dma_semaphore, #tpu.memory_space<semaphore_mem>>)
      %dma_wait3A_145 = arith.constant 0 : i32
      %dma_wait3A_146 = arith.constant 0 : i32
      %dma_wait3A_147 = tpu.memref_slice %arg8[%run_scoped3A, %dma_wait3A_145, %dma_wait3A_146] : memref<3x80x128xf32, #tpu.memory_space<vmem>> -> memref<1x65x128xf32, #tpu.memory_space<vmem>>
      %dma_wait3A_148 = tpu.memref_squeeze %dma_wait3A_147 : memref<1x65x128xf32, #tpu.memory_space<vmem>> -> memref<65x128xf32, #tpu.memory_space<vmem>>
      %dma_wait3A_149 = arith.constant 0 : i32
      %dma_wait3A_150 = tpu.memref_slice %arg9[%add3A_15, %dma_wait3A_149] : memref<10000x128xf32, #tpu.memory_space<vmem_shared>> -> memref<65x128xf32, #tpu.memory_space<vmem_shared>>
      %dma_wait3A_151 = arith.constant 0 : i32
      %dma_wait3A_152 = tpu.memref_slice %arg9[%add3A_15, %dma_wait3A_151] : memref<10000x128xf32, #tpu.memory_space<vmem_shared>> -> memref<65x128xf32, #tpu.memory_space<vmem_shared>>
      %dma_wait3A_153 = arith.constant 0 : i32
      %dma_wait3A_154 = arith.constant 0 : i32
      %dma_wait3A_155 = tpu.memref_slice %arg8[%run_scoped3A, %dma_wait3A_153, %dma_wait3A_154] : memref<3x80x128xf32, #tpu.memory_space<vmem>> -> memref<1x65x128xf32, #tpu.memory_space<vmem>>
      %dma_wait3A_156 = tpu.memref_squeeze %dma_wait3A_155 : memref<1x65x128xf32, #tpu.memory_space<vmem>> -> memref<65x128xf32, #tpu.memory_space<vmem>>
      tpu.wait_dma2 semaphore(%run_scoped3A_132 : memref<!tpu.dma_semaphore, #tpu.memory_space<semaphore_mem>>) src(%dma_wait3A_156 : memref<65x128xf32, #tpu.memory_space<vmem>>) dst(%dma_wait3A_152 : memref<65x128xf32, #tpu.memory_space<vmem_shared>>)
      tpu.yield
    }) : () -> ()
    %barrier3A = arith.constant 0 : index
    tpu.barrier barrier_id(%barrier3A)
    %dma_start3A = arith.constant 0 : i32
    %dma_start3A_16 = arith.constant 0 : i32
    %dma_start3A_17 = arith.constant 0 : i32
    %dma_start3A_18 = arith.constant 0 : i32
    %dma_start3A_19 = tpu.memref_slice %arg8[%dma_start3A_16, %dma_start3A_17, %dma_start3A_18] : memref<3x80x128xf32, #tpu.memory_space<vmem>> -> memref<1x80x128xf32, #tpu.memory_space<vmem>>
    %dma_start3A_20 = tpu.memref_squeeze %dma_start3A_19 : memref<1x80x128xf32, #tpu.memory_space<vmem>> -> memref<80x128xf32, #tpu.memory_space<vmem>>
    %dma_start3A_21 = arith.constant 0 : i32
    %dma_start3A_22 = tpu.memref_slice %arg6[%dma_start3A, %dma_start3A_21] : memref<125x80xi32, #tpu.memory_space<vmem>> -> memref<1x80xi32, #tpu.memory_space<vmem>>
    %dma_start3A_23 = tpu.memref_squeeze %dma_start3A_22 : memref<1x80xi32, #tpu.memory_space<vmem>> -> memref<80xi32, #tpu.memory_space<vmem>>
    %dma_start3A_24 = arith.constant 0 : i32
    %dma_start3A_25 = arith.constant 0 : i32
    %dma_start3A_26 = tpu.memref_slice %arg2[%dma_start3A_24, %dma_start3A_25] : memref<10000x128xf32, #tpu.memory_space<hbm>> -> memref<10000x128xf32, #tpu.memory_space<hbm>>
    tpu.enqueue_indirect_dma source(%dma_start3A_26 : memref<10000x128xf32, #tpu.memory_space<hbm>>) target(%dma_start3A_20 : memref<80x128xf32, #tpu.memory_space<vmem>>) offsets(%dma_start3A_23 : memref<80xi32, #tpu.memory_space<vmem>>) semaphore(%arg10 : memref<!tpu.dma_semaphore, #tpu.memory_space<semaphore_mem>>)
    %dma_start3A_27 = arith.constant 1 : i32
    %dma_start3A_28 = arith.constant 1 : i32
    %dma_start3A_29 = arith.constant 0 : i32
    %dma_start3A_30 = arith.constant 0 : i32
    %dma_start3A_31 = tpu.memref_slice %arg8[%dma_start3A_28, %dma_start3A_29, %dma_start3A_30] : memref<3x80x128xf32, #tpu.memory_space<vmem>> -> memref<1x80x128xf32, #tpu.memory_space<vmem>>
    %dma_start3A_32 = tpu.memref_squeeze %dma_start3A_31 : memref<1x80x128xf32, #tpu.memory_space<vmem>> -> memref<80x128xf32, #tpu.memory_space<vmem>>
    %dma_start3A_33 = arith.constant 0 : i32
    %dma_start3A_34 = tpu.memref_slice %arg6[%dma_start3A_27, %dma_start3A_33] : memref<125x80xi32, #tpu.memory_space<vmem>> -> memref<1x80xi32, #tpu.memory_space<vmem>>
    %dma_start3A_35 = tpu.memref_squeeze %dma_start3A_34 : memref<1x80xi32, #tpu.memory_space<vmem>> -> memref<80xi32, #tpu.memory_space<vmem>>
    %dma_start3A_36 = arith.constant 0 : i32
    %dma_start3A_37 = arith.constant 0 : i32
    %dma_start3A_38 = tpu.memref_slice %arg2[%dma_start3A_36, %dma_start3A_37] : memref<10000x128xf32, #tpu.memory_space<hbm>> -> memref<10000x128xf32, #tpu.memory_space<hbm>>
    tpu.enqueue_indirect_dma source(%dma_start3A_38 : memref<10000x128xf32, #tpu.memory_space<hbm>>) target(%dma_start3A_32 : memref<80x128xf32, #tpu.memory_space<vmem>>) offsets(%dma_start3A_35 : memref<80xi32, #tpu.memory_space<vmem>>) semaphore(%arg11 : memref<!tpu.dma_semaphore, #tpu.memory_space<semaphore_mem>>)
    %scan3A_39 = arith.constant 0 : i32
    %scan3A_40 = arith.constant 41 : i32
    %scan3A_41 = arith.addi %scan3A_39, %scan3A_40 : i32
    %scan3A_42 = arith.constant 1 : i32
    scf.for %scan3A_132 = %scan3A_39 to %scan3A_41 step %scan3A_42  : i32 {
      %mul3A_133 = arith.constant 1 : i32
      %mul3A_134 = arith.muli %scan3A_132, %mul3A_133 : i32
      %add3A_135 = arith.constant 0 : i32
      %add3A_136 = arith.addi %add3A_135, %mul3A_134 : i32
      %mul3A_137 = arith.constant 3 : i32
      %mul3A_138 = arith.muli %add3A_136, %mul3A_137 : i32
      %add3A_139 = arith.constant 0 : i32
      %add3A_140 = arith.addi %mul3A_138, %add3A_139 : i32
      %dma_wait3A_141 = arith.constant 0 : i32
      %dma_wait3A_142 = arith.constant 0 : i32
      %dma_wait3A_143 = arith.constant 0 : i32
      %dma_wait3A_144 = tpu.memref_slice %arg8[%dma_wait3A_141, %dma_wait3A_142, %dma_wait3A_143] : memref<3x80x128xf32, #tpu.memory_space<vmem>> -> memref<1x80x128xf32, #tpu.memory_space<vmem>>
      %dma_wait3A_145 = tpu.memref_squeeze %dma_wait3A_144 : memref<1x80x128xf32, #tpu.memory_space<vmem>> -> memref<80x128xf32, #tpu.memory_space<vmem>>
      %dma_wait3A_146 = arith.constant 0 : i32
      %dma_wait3A_147 = tpu.memref_slice %arg6[%add3A_140, %dma_wait3A_146] : memref<125x80xi32, #tpu.memory_space<vmem>> -> memref<1x80xi32, #tpu.memory_space<vmem>>
      %dma_wait3A_148 = tpu.memref_squeeze %dma_wait3A_147 : memref<1x80xi32, #tpu.memory_space<vmem>> -> memref<80xi32, #tpu.memory_space<vmem>>
      %dma_wait3A_149 = arith.constant 0 : i32
      %dma_wait3A_150 = arith.constant 0 : i32
      %dma_wait3A_151 = tpu.memref_slice %arg2[%dma_wait3A_149, %dma_wait3A_150] : memref<10000x128xf32, #tpu.memory_space<hbm>> -> memref<10000x128xf32, #tpu.memory_space<hbm>>
      tpu.wait_indirect_dma semaphore(%arg10 : memref<!tpu.dma_semaphore, #tpu.memory_space<semaphore_mem>>) src(%dma_wait3A_151 : memref<10000x128xf32, #tpu.memory_space<hbm>>) dst(%dma_wait3A_145 : memref<80x128xf32, #tpu.memory_space<vmem>>)
      %dma_start3A_152 = arith.constant 0 : i32
      %dma_start3A_153 = arith.constant 0 : i32
      %dma_start3A_154 = arith.constant 0 : i32
      %dma_start3A_155 = tpu.memref_slice %arg8[%dma_start3A_152, %dma_start3A_153, %dma_start3A_154] : memref<3x80x128xf32, #tpu.memory_space<vmem>> -> memref<1x80x128xf32, #tpu.memory_space<vmem>>
      %dma_start3A_156 = tpu.memref_squeeze %dma_start3A_155 : memref<1x80x128xf32, #tpu.memory_space<vmem>> -> memref<80x128xf32, #tpu.memory_space<vmem>>
      %dma_start3A_157 = arith.constant 0 : i32
      %dma_start3A_158 = tpu.memref_slice %arg7[%add3A_140, %dma_start3A_157] : memref<125x80xi32, #tpu.memory_space<vmem>> -> memref<1x80xi32, #tpu.memory_space<vmem>>
      %dma_start3A_159 = tpu.memref_squeeze %dma_start3A_158 : memref<1x80xi32, #tpu.memory_space<vmem>> -> memref<80xi32, #tpu.memory_space<vmem>>
      %dma_start3A_160 = arith.constant 0 : i32
      %dma_start3A_161 = arith.constant 0 : i32
      %dma_start3A_162 = tpu.memref_slice %arg9[%dma_start3A_160, %dma_start3A_161] : memref<10000x128xf32, #tpu.memory_space<vmem_shared>> -> memref<10000x128xf32, #tpu.memory_space<vmem_shared>>
      tpu.enqueue_indirect_dma source(%dma_start3A_156 : memref<80x128xf32, #tpu.memory_space<vmem>>) target(%dma_start3A_162 : memref<10000x128xf32, #tpu.memory_space<vmem_shared>>) offsets(%dma_start3A_159 : memref<80xi32, #tpu.memory_space<vmem>>) semaphore(%arg13 : memref<!tpu.dma_semaphore, #tpu.memory_space<semaphore_mem>>) {add = true}
      %add3A_163 = arith.constant 2 : i32
      %add3A_164 = arith.addi %add3A_140, %add3A_163 : i32
      %lt3A = arith.constant 125 : i32
      %lt3A_165 = arith.cmpi slt, %add3A_164, %lt3A : i32
      %convert_element_type3A = arith.extui %lt3A_165 : i1 to i32
      %cond3A = arith.constant 0 : i32
      %cond3A_166 = arith.cmpi ne, %convert_element_type3A, %cond3A : i32
      scf.if %cond3A_166 {
        %ge3A = arith.constant 3 : i32
        %ge3A_233 = arith.cmpi sge, %add3A_164, %ge3A : i32
        %convert_element_type3A_234 = arith.extui %ge3A_233 : i1 to i32
        %cond3A_235 = arith.constant 0 : i32
        %cond3A_236 = arith.cmpi ne, %convert_element_type3A_234, %cond3A_235 : i32
        scf.if %cond3A_236 {
          %sub3A = arith.constant 3 : i32
          %sub3A_248 = arith.subi %add3A_164, %sub3A : i32
          %dma_wait3A_249 = arith.constant 2 : i32
          %dma_wait3A_250 = arith.constant 0 : i32
          %dma_wait3A_251 = arith.constant 0 : i32
          %dma_wait3A_252 = tpu.memref_slice %arg8[%dma_wait3A_249, %dma_wait3A_250, %dma_wait3A_251] : memref<3x80x128xf32, #tpu.memory_space<vmem>> -> memref<1x80x128xf32, #tpu.memory_space<vmem>>
          %dma_wait3A_253 = tpu.memref_squeeze %dma_wait3A_252 : memref<1x80x128xf32, #tpu.memory_space<vmem>> -> memref<80x128xf32, #tpu.memory_space<vmem>>
          %dma_wait3A_254 = arith.constant 0 : i32
          %dma_wait3A_255 = tpu.memref_slice %arg7[%sub3A_248, %dma_wait3A_254] : memref<125x80xi32, #tpu.memory_space<vmem>> -> memref<1x80xi32, #tpu.memory_space<vmem>>
          %dma_wait3A_256 = tpu.memref_squeeze %dma_wait3A_255 : memref<1x80xi32, #tpu.memory_space<vmem>> -> memref<80xi32, #tpu.memory_space<vmem>>
          %dma_wait3A_257 = arith.constant 0 : i32
          %dma_wait3A_258 = arith.constant 0 : i32
          %dma_wait3A_259 = tpu.memref_slice %arg9[%dma_wait3A_257, %dma_wait3A_258] : memref<10000x128xf32, #tpu.memory_space<vmem_shared>> -> memref<10000x128xf32, #tpu.memory_space<vmem_shared>>
          tpu.wait_indirect_dma semaphore(%arg15 : memref<!tpu.dma_semaphore, #tpu.memory_space<semaphore_mem>>) src(%dma_wait3A_253 : memref<80x128xf32, #tpu.memory_space<vmem>>) dst(%dma_wait3A_259 : memref<10000x128xf32, #tpu.memory_space<vmem_shared>>)
        } else {
        }
        %dma_start3A_237 = arith.constant 2 : i32
        %dma_start3A_238 = arith.constant 0 : i32
        %dma_start3A_239 = arith.constant 0 : i32
        %dma_start3A_240 = tpu.memref_slice %arg8[%dma_start3A_237, %dma_start3A_238, %dma_start3A_239] : memref<3x80x128xf32, #tpu.memory_space<vmem>> -> memref<1x80x128xf32, #tpu.memory_space<vmem>>
        %dma_start3A_241 = tpu.memref_squeeze %dma_start3A_240 : memref<1x80x128xf32, #tpu.memory_space<vmem>> -> memref<80x128xf32, #tpu.memory_space<vmem>>
        %dma_start3A_242 = arith.constant 0 : i32
        %dma_start3A_243 = tpu.memref_slice %arg6[%add3A_164, %dma_start3A_242] : memref<125x80xi32, #tpu.memory_space<vmem>> -> memref<1x80xi32, #tpu.memory_space<vmem>>
        %dma_start3A_244 = tpu.memref_squeeze %dma_start3A_243 : memref<1x80xi32, #tpu.memory_space<vmem>> -> memref<80xi32, #tpu.memory_space<vmem>>
        %dma_start3A_245 = arith.constant 0 : i32
        %dma_start3A_246 = arith.constant 0 : i32
        %dma_start3A_247 = tpu.memref_slice %arg2[%dma_start3A_245, %dma_start3A_246] : memref<10000x128xf32, #tpu.memory_space<hbm>> -> memref<10000x128xf32, #tpu.memory_space<hbm>>
        tpu.enqueue_indirect_dma source(%dma_start3A_247 : memref<10000x128xf32, #tpu.memory_space<hbm>>) target(%dma_start3A_241 : memref<80x128xf32, #tpu.memory_space<vmem>>) offsets(%dma_start3A_244 : memref<80xi32, #tpu.memory_space<vmem>>) semaphore(%arg12 : memref<!tpu.dma_semaphore, #tpu.memory_space<semaphore_mem>>)
      } else {
      }
      %mul3A_167 = arith.constant 3 : i32
      %mul3A_168 = arith.muli %add3A_136, %mul3A_167 : i32
      %add3A_169 = arith.constant 1 : i32
      %add3A_170 = arith.addi %mul3A_168, %add3A_169 : i32
      %dma_wait3A_171 = arith.constant 1 : i32
      %dma_wait3A_172 = arith.constant 0 : i32
      %dma_wait3A_173 = arith.constant 0 : i32
      %dma_wait3A_174 = tpu.memref_slice %arg8[%dma_wait3A_171, %dma_wait3A_172, %dma_wait3A_173] : memref<3x80x128xf32, #tpu.memory_space<vmem>> -> memref<1x80x128xf32, #tpu.memory_space<vmem>>
      %dma_wait3A_175 = tpu.memref_squeeze %dma_wait3A_174 : memref<1x80x128xf32, #tpu.memory_space<vmem>> -> memref<80x128xf32, #tpu.memory_space<vmem>>
      %dma_wait3A_176 = arith.constant 0 : i32
      %dma_wait3A_177 = tpu.memref_slice %arg6[%add3A_170, %dma_wait3A_176] : memref<125x80xi32, #tpu.memory_space<vmem>> -> memref<1x80xi32, #tpu.memory_space<vmem>>
      %dma_wait3A_178 = tpu.memref_squeeze %dma_wait3A_177 : memref<1x80xi32, #tpu.memory_space<vmem>> -> memref<80xi32, #tpu.memory_space<vmem>>
      %dma_wait3A_179 = arith.constant 0 : i32
      %dma_wait3A_180 = arith.constant 0 : i32
      %dma_wait3A_181 = tpu.memref_slice %arg2[%dma_wait3A_179, %dma_wait3A_180] : memref<10000x128xf32, #tpu.memory_space<hbm>> -> memref<10000x128xf32, #tpu.memory_space<hbm>>
      tpu.wait_indirect_dma semaphore(%arg11 : memref<!tpu.dma_semaphore, #tpu.memory_space<semaphore_mem>>) src(%dma_wait3A_181 : memref<10000x128xf32, #tpu.memory_space<hbm>>) dst(%dma_wait3A_175 : memref<80x128xf32, #tpu.memory_space<vmem>>)
      %dma_start3A_182 = arith.constant 1 : i32
      %dma_start3A_183 = arith.constant 0 : i32
      %dma_start3A_184 = arith.constant 0 : i32
      %dma_start3A_185 = tpu.memref_slice %arg8[%dma_start3A_182, %dma_start3A_183, %dma_start3A_184] : memref<3x80x128xf32, #tpu.memory_space<vmem>> -> memref<1x80x128xf32, #tpu.memory_space<vmem>>
      %dma_start3A_186 = tpu.memref_squeeze %dma_start3A_185 : memref<1x80x128xf32, #tpu.memory_space<vmem>> -> memref<80x128xf32, #tpu.memory_space<vmem>>
      %dma_start3A_187 = arith.constant 0 : i32
      %dma_start3A_188 = tpu.memref_slice %arg7[%add3A_170, %dma_start3A_187] : memref<125x80xi32, #tpu.memory_space<vmem>> -> memref<1x80xi32, #tpu.memory_space<vmem>>
      %dma_start3A_189 = tpu.memref_squeeze %dma_start3A_188 : memref<1x80xi32, #tpu.memory_space<vmem>> -> memref<80xi32, #tpu.memory_space<vmem>>
      %dma_start3A_190 = arith.constant 0 : i32
      %dma_start3A_191 = arith.constant 0 : i32
      %dma_start3A_192 = tpu.memref_slice %arg9[%dma_start3A_190, %dma_start3A_191] : memref<10000x128xf32, #tpu.memory_space<vmem_shared>> -> memref<10000x128xf32, #tpu.memory_space<vmem_shared>>
      tpu.enqueue_indirect_dma source(%dma_start3A_186 : memref<80x128xf32, #tpu.memory_space<vmem>>) target(%dma_start3A_192 : memref<10000x128xf32, #tpu.memory_space<vmem_shared>>) offsets(%dma_start3A_189 : memref<80xi32, #tpu.memory_space<vmem>>) semaphore(%arg14 : memref<!tpu.dma_semaphore, #tpu.memory_space<semaphore_mem>>) {add = true}
      %add3A_193 = arith.constant 2 : i32
      %add3A_194 = arith.addi %add3A_170, %add3A_193 : i32
      %lt3A_195 = arith.constant 125 : i32
      %lt3A_196 = arith.cmpi slt, %add3A_194, %lt3A_195 : i32
      %convert_element_type3A_197 = arith.extui %lt3A_196 : i1 to i32
      %cond3A_198 = arith.constant 0 : i32
      %cond3A_199 = arith.cmpi ne, %convert_element_type3A_197, %cond3A_198 : i32
      scf.if %cond3A_199 {
        %ge3A = arith.constant 3 : i32
        %ge3A_233 = arith.cmpi sge, %add3A_194, %ge3A : i32
        %convert_element_type3A_234 = arith.extui %ge3A_233 : i1 to i32
        %cond3A_235 = arith.constant 0 : i32
        %cond3A_236 = arith.cmpi ne, %convert_element_type3A_234, %cond3A_235 : i32
        scf.if %cond3A_236 {
          %sub3A = arith.constant 3 : i32
          %sub3A_248 = arith.subi %add3A_194, %sub3A : i32
          %dma_wait3A_249 = arith.constant 0 : i32
          %dma_wait3A_250 = arith.constant 0 : i32
          %dma_wait3A_251 = arith.constant 0 : i32
          %dma_wait3A_252 = tpu.memref_slice %arg8[%dma_wait3A_249, %dma_wait3A_250, %dma_wait3A_251] : memref<3x80x128xf32, #tpu.memory_space<vmem>> -> memref<1x80x128xf32, #tpu.memory_space<vmem>>
          %dma_wait3A_253 = tpu.memref_squeeze %dma_wait3A_252 : memref<1x80x128xf32, #tpu.memory_space<vmem>> -> memref<80x128xf32, #tpu.memory_space<vmem>>
          %dma_wait3A_254 = arith.constant 0 : i32
          %dma_wait3A_255 = tpu.memref_slice %arg7[%sub3A_248, %dma_wait3A_254] : memref<125x80xi32, #tpu.memory_space<vmem>> -> memref<1x80xi32, #tpu.memory_space<vmem>>
          %dma_wait3A_256 = tpu.memref_squeeze %dma_wait3A_255 : memref<1x80xi32, #tpu.memory_space<vmem>> -> memref<80xi32, #tpu.memory_space<vmem>>
          %dma_wait3A_257 = arith.constant 0 : i32
          %dma_wait3A_258 = arith.constant 0 : i32
          %dma_wait3A_259 = tpu.memref_slice %arg9[%dma_wait3A_257, %dma_wait3A_258] : memref<10000x128xf32, #tpu.memory_space<vmem_shared>> -> memref<10000x128xf32, #tpu.memory_space<vmem_shared>>
          tpu.wait_indirect_dma semaphore(%arg13 : memref<!tpu.dma_semaphore, #tpu.memory_space<semaphore_mem>>) src(%dma_wait3A_253 : memref<80x128xf32, #tpu.memory_space<vmem>>) dst(%dma_wait3A_259 : memref<10000x128xf32, #tpu.memory_space<vmem_shared>>)
        } else {
        }
        %dma_start3A_237 = arith.constant 0 : i32
        %dma_start3A_238 = arith.constant 0 : i32
        %dma_start3A_239 = arith.constant 0 : i32
        %dma_start3A_240 = tpu.memref_slice %arg8[%dma_start3A_237, %dma_start3A_238, %dma_start3A_239] : memref<3x80x128xf32, #tpu.memory_space<vmem>> -> memref<1x80x128xf32, #tpu.memory_space<vmem>>
        %dma_start3A_241 = tpu.memref_squeeze %dma_start3A_240 : memref<1x80x128xf32, #tpu.memory_space<vmem>> -> memref<80x128xf32, #tpu.memory_space<vmem>>
        %dma_start3A_242 = arith.constant 0 : i32
        %dma_start3A_243 = tpu.memref_slice %arg6[%add3A_194, %dma_start3A_242] : memref<125x80xi32, #tpu.memory_space<vmem>> -> memref<1x80xi32, #tpu.memory_space<vmem>>
        %dma_start3A_244 = tpu.memref_squeeze %dma_start3A_243 : memref<1x80xi32, #tpu.memory_space<vmem>> -> memref<80xi32, #tpu.memory_space<vmem>>
        %dma_start3A_245 = arith.constant 0 : i32
        %dma_start3A_246 = arith.constant 0 : i32
        %dma_start3A_247 = tpu.memref_slice %arg2[%dma_start3A_245, %dma_start3A_246] : memref<10000x128xf32, #tpu.memory_space<hbm>> -> memref<10000x128xf32, #tpu.memory_space<hbm>>
        tpu.enqueue_indirect_dma source(%dma_start3A_247 : memref<10000x128xf32, #tpu.memory_space<hbm>>) target(%dma_start3A_241 : memref<80x128xf32, #tpu.memory_space<vmem>>) offsets(%dma_start3A_244 : memref<80xi32, #tpu.memory_space<vmem>>) semaphore(%arg10 : memref<!tpu.dma_semaphore, #tpu.memory_space<semaphore_mem>>)
      } else {
      }
      %mul3A_200 = arith.constant 3 : i32
      %mul3A_201 = arith.muli %add3A_136, %mul3A_200 : i32
      %add3A_202 = arith.constant 2 : i32
      %add3A_203 = arith.addi %mul3A_201, %add3A_202 : i32
      %dma_wait3A_204 = arith.constant 2 : i32
      %dma_wait3A_205 = arith.constant 0 : i32
      %dma_wait3A_206 = arith.constant 0 : i32
      %dma_wait3A_207 = tpu.memref_slice %arg8[%dma_wait3A_204, %dma_wait3A_205, %dma_wait3A_206] : memref<3x80x128xf32, #tpu.memory_space<vmem>> -> memref<1x80x128xf32, #tpu.memory_space<vmem>>
      %dma_wait3A_208 = tpu.memref_squeeze %dma_wait3A_207 : memref<1x80x128xf32, #tpu.memory_space<vmem>> -> memref<80x128xf32, #tpu.memory_space<vmem>>
      %dma_wait3A_209 = arith.constant 0 : i32
      %dma_wait3A_210 = tpu.memref_slice %arg6[%add3A_203, %dma_wait3A_209] : memref<125x80xi32, #tpu.memory_space<vmem>> -> memref<1x80xi32, #tpu.memory_space<vmem>>
      %dma_wait3A_211 = tpu.memref_squeeze %dma_wait3A_210 : memref<1x80xi32, #tpu.memory_space<vmem>> -> memref<80xi32, #tpu.memory_space<vmem>>
      %dma_wait3A_212 = arith.constant 0 : i32
      %dma_wait3A_213 = arith.constant 0 : i32
      %dma_wait3A_214 = tpu.memref_slice %arg2[%dma_wait3A_212, %dma_wait3A_213] : memref<10000x128xf32, #tpu.memory_space<hbm>> -> memref<10000x128xf32, #tpu.memory_space<hbm>>
      tpu.wait_indirect_dma semaphore(%arg12 : memref<!tpu.dma_semaphore, #tpu.memory_space<semaphore_mem>>) src(%dma_wait3A_214 : memref<10000x128xf32, #tpu.memory_space<hbm>>) dst(%dma_wait3A_208 : memref<80x128xf32, #tpu.memory_space<vmem>>)
      %dma_start3A_215 = arith.constant 2 : i32
      %dma_start3A_216 = arith.constant 0 : i32
      %dma_start3A_217 = arith.constant 0 : i32
      %dma_start3A_218 = tpu.memref_slice %arg8[%dma_start3A_215, %dma_start3A_216, %dma_start3A_217] : memref<3x80x128xf32, #tpu.memory_space<vmem>> -> memref<1x80x128xf32, #tpu.memory_space<vmem>>
      %dma_start3A_219 = tpu.memref_squeeze %dma_start3A_218 : memref<1x80x128xf32, #tpu.memory_space<vmem>> -> memref<80x128xf32, #tpu.memory_space<vmem>>
      %dma_start3A_220 = arith.constant 0 : i32
      %dma_start3A_221 = tpu.memref_slice %arg7[%add3A_203, %dma_start3A_220] : memref<125x80xi32, #tpu.memory_space<vmem>> -> memref<1x80xi32, #tpu.memory_space<vmem>>
      %dma_start3A_222 = tpu.memref_squeeze %dma_start3A_221 : memref<1x80xi32, #tpu.memory_space<vmem>> -> memref<80xi32, #tpu.memory_space<vmem>>
      %dma_start3A_223 = arith.constant 0 : i32
      %dma_start3A_224 = arith.constant 0 : i32
      %dma_start3A_225 = tpu.memref_slice %arg9[%dma_start3A_223, %dma_start3A_224] : memref<10000x128xf32, #tpu.memory_space<vmem_shared>> -> memref<10000x128xf32, #tpu.memory_space<vmem_shared>>
      tpu.enqueue_indirect_dma source(%dma_start3A_219 : memref<80x128xf32, #tpu.memory_space<vmem>>) target(%dma_start3A_225 : memref<10000x128xf32, #tpu.memory_space<vmem_shared>>) offsets(%dma_start3A_222 : memref<80xi32, #tpu.memory_space<vmem>>) semaphore(%arg15 : memref<!tpu.dma_semaphore, #tpu.memory_space<semaphore_mem>>) {add = true}
      %add3A_226 = arith.constant 2 : i32
      %add3A_227 = arith.addi %add3A_203, %add3A_226 : i32
      %lt3A_228 = arith.constant 125 : i32
      %lt3A_229 = arith.cmpi slt, %add3A_227, %lt3A_228 : i32
      %convert_element_type3A_230 = arith.extui %lt3A_229 : i1 to i32
      %cond3A_231 = arith.constant 0 : i32
      %cond3A_232 = arith.cmpi ne, %convert_element_type3A_230, %cond3A_231 : i32
      scf.if %cond3A_232 {
        %ge3A = arith.constant 3 : i32
        %ge3A_233 = arith.cmpi sge, %add3A_227, %ge3A : i32
        %convert_element_type3A_234 = arith.extui %ge3A_233 : i1 to i32
        %cond3A_235 = arith.constant 0 : i32
        %cond3A_236 = arith.cmpi ne, %convert_element_type3A_234, %cond3A_235 : i32
        scf.if %cond3A_236 {
          %sub3A = arith.constant 3 : i32
          %sub3A_248 = arith.subi %add3A_227, %sub3A : i32
          %dma_wait3A_249 = arith.constant 1 : i32
          %dma_wait3A_250 = arith.constant 0 : i32
          %dma_wait3A_251 = arith.constant 0 : i32
          %dma_wait3A_252 = tpu.memref_slice %arg8[%dma_wait3A_249, %dma_wait3A_250, %dma_wait3A_251] : memref<3x80x128xf32, #tpu.memory_space<vmem>> -> memref<1x80x128xf32, #tpu.memory_space<vmem>>
          %dma_wait3A_253 = tpu.memref_squeeze %dma_wait3A_252 : memref<1x80x128xf32, #tpu.memory_space<vmem>> -> memref<80x128xf32, #tpu.memory_space<vmem>>
          %dma_wait3A_254 = arith.constant 0 : i32
          %dma_wait3A_255 = tpu.memref_slice %arg7[%sub3A_248, %dma_wait3A_254] : memref<125x80xi32, #tpu.memory_space<vmem>> -> memref<1x80xi32, #tpu.memory_space<vmem>>
          %dma_wait3A_256 = tpu.memref_squeeze %dma_wait3A_255 : memref<1x80xi32, #tpu.memory_space<vmem>> -> memref<80xi32, #tpu.memory_space<vmem>>
          %dma_wait3A_257 = arith.constant 0 : i32
          %dma_wait3A_258 = arith.constant 0 : i32
          %dma_wait3A_259 = tpu.memref_slice %arg9[%dma_wait3A_257, %dma_wait3A_258] : memref<10000x128xf32, #tpu.memory_space<vmem_shared>> -> memref<10000x128xf32, #tpu.memory_space<vmem_shared>>
          tpu.wait_indirect_dma semaphore(%arg14 : memref<!tpu.dma_semaphore, #tpu.memory_space<semaphore_mem>>) src(%dma_wait3A_253 : memref<80x128xf32, #tpu.memory_space<vmem>>) dst(%dma_wait3A_259 : memref<10000x128xf32, #tpu.memory_space<vmem_shared>>)
        } else {
        }
        %dma_start3A_237 = arith.constant 1 : i32
        %dma_start3A_238 = arith.constant 0 : i32
        %dma_start3A_239 = arith.constant 0 : i32
        %dma_start3A_240 = tpu.memref_slice %arg8[%dma_start3A_237, %dma_start3A_238, %dma_start3A_239] : memref<3x80x128xf32, #tpu.memory_space<vmem>> -> memref<1x80x128xf32, #tpu.memory_space<vmem>>
        %dma_start3A_241 = tpu.memref_squeeze %dma_start3A_240 : memref<1x80x128xf32, #tpu.memory_space<vmem>> -> memref<80x128xf32, #tpu.memory_space<vmem>>
        %dma_start3A_242 = arith.constant 0 : i32
        %dma_start3A_243 = tpu.memref_slice %arg6[%add3A_227, %dma_start3A_242] : memref<125x80xi32, #tpu.memory_space<vmem>> -> memref<1x80xi32, #tpu.memory_space<vmem>>
        %dma_start3A_244 = tpu.memref_squeeze %dma_start3A_243 : memref<1x80xi32, #tpu.memory_space<vmem>> -> memref<80xi32, #tpu.memory_space<vmem>>
        %dma_start3A_245 = arith.constant 0 : i32
        %dma_start3A_246 = arith.constant 0 : i32
        %dma_start3A_247 = tpu.memref_slice %arg2[%dma_start3A_245, %dma_start3A_246] : memref<10000x128xf32, #tpu.memory_space<hbm>> -> memref<10000x128xf32, #tpu.memory_space<hbm>>
        tpu.enqueue_indirect_dma source(%dma_start3A_247 : memref<10000x128xf32, #tpu.memory_space<hbm>>) target(%dma_start3A_241 : memref<80x128xf32, #tpu.memory_space<vmem>>) offsets(%dma_start3A_244 : memref<80xi32, #tpu.memory_space<vmem>>) semaphore(%arg11 : memref<!tpu.dma_semaphore, #tpu.memory_space<semaphore_mem>>)
      } else {
      }
    }
    %scan3A_43 = arith.constant 41 : i32
    %dma_wait3A = arith.constant 123 : i32
    %dma_wait3A_44 = arith.constant 0 : i32
    %dma_wait3A_45 = arith.constant 0 : i32
    %dma_wait3A_46 = arith.constant 0 : i32
    %dma_wait3A_47 = tpu.memref_slice %arg8[%dma_wait3A_44, %dma_wait3A_45, %dma_wait3A_46] : memref<3x80x128xf32, #tpu.memory_space<vmem>> -> memref<1x80x128xf32, #tpu.memory_space<vmem>>
    %dma_wait3A_48 = tpu.memref_squeeze %dma_wait3A_47 : memref<1x80x128xf32, #tpu.memory_space<vmem>> -> memref<80x128xf32, #tpu.memory_space<vmem>>
    %dma_wait3A_49 = arith.constant 0 : i32
    %dma_wait3A_50 = tpu.memref_slice %arg6[%dma_wait3A, %dma_wait3A_49] : memref<125x80xi32, #tpu.memory_space<vmem>> -> memref<1x80xi32, #tpu.memory_space<vmem>>
    %dma_wait3A_51 = tpu.memref_squeeze %dma_wait3A_50 : memref<1x80xi32, #tpu.memory_space<vmem>> -> memref<80xi32, #tpu.memory_space<vmem>>
    %dma_wait3A_52 = arith.constant 0 : i32
    %dma_wait3A_53 = arith.constant 0 : i32
    %dma_wait3A_54 = tpu.memref_slice %arg2[%dma_wait3A_52, %dma_wait3A_53] : memref<10000x128xf32, #tpu.memory_space<hbm>> -> memref<10000x128xf32, #tpu.memory_space<hbm>>
    tpu.wait_indirect_dma semaphore(%arg10 : memref<!tpu.dma_semaphore, #tpu.memory_space<semaphore_mem>>) src(%dma_wait3A_54 : memref<10000x128xf32, #tpu.memory_space<hbm>>) dst(%dma_wait3A_48 : memref<80x128xf32, #tpu.memory_space<vmem>>)
    %dma_start3A_55 = arith.constant 0 : i32
    %dma_start3A_56 = arith.constant 123 : i32
    %dma_start3A_57 = arith.constant 0 : i32
    %dma_start3A_58 = arith.constant 0 : i32
    %dma_start3A_59 = tpu.memref_slice %arg8[%dma_start3A_55, %dma_start3A_57, %dma_start3A_58] : memref<3x80x128xf32, #tpu.memory_space<vmem>> -> memref<1x80x128xf32, #tpu.memory_space<vmem>>
    %dma_start3A_60 = tpu.memref_squeeze %dma_start3A_59 : memref<1x80x128xf32, #tpu.memory_space<vmem>> -> memref<80x128xf32, #tpu.memory_space<vmem>>
    %dma_start3A_61 = arith.constant 0 : i32
    %dma_start3A_62 = tpu.memref_slice %arg7[%dma_start3A_56, %dma_start3A_61] : memref<125x80xi32, #tpu.memory_space<vmem>> -> memref<1x80xi32, #tpu.memory_space<vmem>>
    %dma_start3A_63 = tpu.memref_squeeze %dma_start3A_62 : memref<1x80xi32, #tpu.memory_space<vmem>> -> memref<80xi32, #tpu.memory_space<vmem>>
    %dma_start3A_64 = arith.constant 0 : i32
    %dma_start3A_65 = arith.constant 0 : i32
    %dma_start3A_66 = tpu.memref_slice %arg9[%dma_start3A_64, %dma_start3A_65] : memref<10000x128xf32, #tpu.memory_space<vmem_shared>> -> memref<10000x128xf32, #tpu.memory_space<vmem_shared>>
    tpu.enqueue_indirect_dma source(%dma_start3A_60 : memref<80x128xf32, #tpu.memory_space<vmem>>) target(%dma_start3A_66 : memref<10000x128xf32, #tpu.memory_space<vmem_shared>>) offsets(%dma_start3A_63 : memref<80xi32, #tpu.memory_space<vmem>>) semaphore(%arg13 : memref<!tpu.dma_semaphore, #tpu.memory_space<semaphore_mem>>) {add = true}
    %dma_wait3A_67 = arith.constant 124 : i32
    %dma_wait3A_68 = arith.constant 1 : i32
    %dma_wait3A_69 = arith.constant 0 : i32
    %dma_wait3A_70 = arith.constant 0 : i32
    %dma_wait3A_71 = tpu.memref_slice %arg8[%dma_wait3A_68, %dma_wait3A_69, %dma_wait3A_70] : memref<3x80x128xf32, #tpu.memory_space<vmem>> -> memref<1x80x128xf32, #tpu.memory_space<vmem>>
    %dma_wait3A_72 = tpu.memref_squeeze %dma_wait3A_71 : memref<1x80x128xf32, #tpu.memory_space<vmem>> -> memref<80x128xf32, #tpu.memory_space<vmem>>
    %dma_wait3A_73 = arith.constant 0 : i32
    %dma_wait3A_74 = tpu.memref_slice %arg6[%dma_wait3A_67, %dma_wait3A_73] : memref<125x80xi32, #tpu.memory_space<vmem>> -> memref<1x80xi32, #tpu.memory_space<vmem>>
    %dma_wait3A_75 = tpu.memref_squeeze %dma_wait3A_74 : memref<1x80xi32, #tpu.memory_space<vmem>> -> memref<80xi32, #tpu.memory_space<vmem>>
    %dma_wait3A_76 = arith.constant 0 : i32
    %dma_wait3A_77 = arith.constant 0 : i32
    %dma_wait3A_78 = tpu.memref_slice %arg2[%dma_wait3A_76, %dma_wait3A_77] : memref<10000x128xf32, #tpu.memory_space<hbm>> -> memref<10000x128xf32, #tpu.memory_space<hbm>>
    tpu.wait_indirect_dma semaphore(%arg11 : memref<!tpu.dma_semaphore, #tpu.memory_space<semaphore_mem>>) src(%dma_wait3A_78 : memref<10000x128xf32, #tpu.memory_space<hbm>>) dst(%dma_wait3A_72 : memref<80x128xf32, #tpu.memory_space<vmem>>)
    %dma_start3A_79 = arith.constant 1 : i32
    %dma_start3A_80 = arith.constant 124 : i32
    %dma_start3A_81 = arith.constant 0 : i32
    %dma_start3A_82 = arith.constant 0 : i32
    %dma_start3A_83 = tpu.memref_slice %arg8[%dma_start3A_79, %dma_start3A_81, %dma_start3A_82] : memref<3x80x128xf32, #tpu.memory_space<vmem>> -> memref<1x80x128xf32, #tpu.memory_space<vmem>>
    %dma_start3A_84 = tpu.memref_squeeze %dma_start3A_83 : memref<1x80x128xf32, #tpu.memory_space<vmem>> -> memref<80x128xf32, #tpu.memory_space<vmem>>
    %dma_start3A_85 = arith.constant 0 : i32
    %dma_start3A_86 = tpu.memref_slice %arg7[%dma_start3A_80, %dma_start3A_85] : memref<125x80xi32, #tpu.memory_space<vmem>> -> memref<1x80xi32, #tpu.memory_space<vmem>>
    %dma_start3A_87 = tpu.memref_squeeze %dma_start3A_86 : memref<1x80xi32, #tpu.memory_space<vmem>> -> memref<80xi32, #tpu.memory_space<vmem>>
    %dma_start3A_88 = arith.constant 0 : i32
    %dma_start3A_89 = arith.constant 0 : i32
    %dma_start3A_90 = tpu.memref_slice %arg9[%dma_start3A_88, %dma_start3A_89] : memref<10000x128xf32, #tpu.memory_space<vmem_shared>> -> memref<10000x128xf32, #tpu.memory_space<vmem_shared>>
    tpu.enqueue_indirect_dma source(%dma_start3A_84 : memref<80x128xf32, #tpu.memory_space<vmem>>) target(%dma_start3A_90 : memref<10000x128xf32, #tpu.memory_space<vmem_shared>>) offsets(%dma_start3A_87 : memref<80xi32, #tpu.memory_space<vmem>>) semaphore(%arg14 : memref<!tpu.dma_semaphore, #tpu.memory_space<semaphore_mem>>) {add = true}
    %dma_wait3A_91 = arith.constant 2 : i32
    %dma_wait3A_92 = arith.constant 122 : i32
    %dma_wait3A_93 = arith.constant 0 : i32
    %dma_wait3A_94 = arith.constant 0 : i32
    %dma_wait3A_95 = tpu.memref_slice %arg8[%dma_wait3A_91, %dma_wait3A_93, %dma_wait3A_94] : memref<3x80x128xf32, #tpu.memory_space<vmem>> -> memref<1x80x128xf32, #tpu.memory_space<vmem>>
    %dma_wait3A_96 = tpu.memref_squeeze %dma_wait3A_95 : memref<1x80x128xf32, #tpu.memory_space<vmem>> -> memref<80x128xf32, #tpu.memory_space<vmem>>
    %dma_wait3A_97 = arith.constant 0 : i32
    %dma_wait3A_98 = tpu.memref_slice %arg7[%dma_wait3A_92, %dma_wait3A_97] : memref<125x80xi32, #tpu.memory_space<vmem>> -> memref<1x80xi32, #tpu.memory_space<vmem>>
    %dma_wait3A_99 = tpu.memref_squeeze %dma_wait3A_98 : memref<1x80xi32, #tpu.memory_space<vmem>> -> memref<80xi32, #tpu.memory_space<vmem>>
    %dma_wait3A_100 = arith.constant 0 : i32
    %dma_wait3A_101 = arith.constant 0 : i32
    %dma_wait3A_102 = tpu.memref_slice %arg9[%dma_wait3A_100, %dma_wait3A_101] : memref<10000x128xf32, #tpu.memory_space<vmem_shared>> -> memref<10000x128xf32, #tpu.memory_space<vmem_shared>>
    tpu.wait_indirect_dma semaphore(%arg15 : memref<!tpu.dma_semaphore, #tpu.memory_space<semaphore_mem>>) src(%dma_wait3A_96 : memref<80x128xf32, #tpu.memory_space<vmem>>) dst(%dma_wait3A_102 : memref<10000x128xf32, #tpu.memory_space<vmem_shared>>)
    %dma_wait3A_103 = arith.constant 0 : i32
    %dma_wait3A_104 = arith.constant 123 : i32
    %dma_wait3A_105 = arith.constant 0 : i32
    %dma_wait3A_106 = arith.constant 0 : i32
    %dma_wait3A_107 = tpu.memref_slice %arg8[%dma_wait3A_103, %dma_wait3A_105, %dma_wait3A_106] : memref<3x80x128xf32, #tpu.memory_space<vmem>> -> memref<1x80x128xf32, #tpu.memory_space<vmem>>
    %dma_wait3A_108 = tpu.memref_squeeze %dma_wait3A_107 : memref<1x80x128xf32, #tpu.memory_space<vmem>> -> memref<80x128xf32, #tpu.memory_space<vmem>>
    %dma_wait3A_109 = arith.constant 0 : i32
    %dma_wait3A_110 = tpu.memref_slice %arg7[%dma_wait3A_104, %dma_wait3A_109] : memref<125x80xi32, #tpu.memory_space<vmem>> -> memref<1x80xi32, #tpu.memory_space<vmem>>
    %dma_wait3A_111 = tpu.memref_squeeze %dma_wait3A_110 : memref<1x80xi32, #tpu.memory_space<vmem>> -> memref<80xi32, #tpu.memory_space<vmem>>
    %dma_wait3A_112 = arith.constant 0 : i32
    %dma_wait3A_113 = arith.constant 0 : i32
    %dma_wait3A_114 = tpu.memref_slice %arg9[%dma_wait3A_112, %dma_wait3A_113] : memref<10000x128xf32, #tpu.memory_space<vmem_shared>> -> memref<10000x128xf32, #tpu.memory_space<vmem_shared>>
    tpu.wait_indirect_dma semaphore(%arg13 : memref<!tpu.dma_semaphore, #tpu.memory_space<semaphore_mem>>) src(%dma_wait3A_108 : memref<80x128xf32, #tpu.memory_space<vmem>>) dst(%dma_wait3A_114 : memref<10000x128xf32, #tpu.memory_space<vmem_shared>>)
    %dma_wait3A_115 = arith.constant 1 : i32
    %dma_wait3A_116 = arith.constant 124 : i32
    %dma_wait3A_117 = arith.constant 0 : i32
    %dma_wait3A_118 = arith.constant 0 : i32
    %dma_wait3A_119 = tpu.memref_slice %arg8[%dma_wait3A_115, %dma_wait3A_117, %dma_wait3A_118] : memref<3x80x128xf32, #tpu.memory_space<vmem>> -> memref<1x80x128xf32, #tpu.memory_space<vmem>>
    %dma_wait3A_120 = tpu.memref_squeeze %dma_wait3A_119 : memref<1x80x128xf32, #tpu.memory_space<vmem>> -> memref<80x128xf32, #tpu.memory_space<vmem>>
    %dma_wait3A_121 = arith.constant 0 : i32
    %dma_wait3A_122 = tpu.memref_slice %arg7[%dma_wait3A_116, %dma_wait3A_121] : memref<125x80xi32, #tpu.memory_space<vmem>> -> memref<1x80xi32, #tpu.memory_space<vmem>>
    %dma_wait3A_123 = tpu.memref_squeeze %dma_wait3A_122 : memref<1x80xi32, #tpu.memory_space<vmem>> -> memref<80xi32, #tpu.memory_space<vmem>>
    %dma_wait3A_124 = arith.constant 0 : i32
    %dma_wait3A_125 = arith.constant 0 : i32
    %dma_wait3A_126 = tpu.memref_slice %arg9[%dma_wait3A_124, %dma_wait3A_125] : memref<10000x128xf32, #tpu.memory_space<vmem_shared>> -> memref<10000x128xf32, #tpu.memory_space<vmem_shared>>
    tpu.wait_indirect_dma semaphore(%arg14 : memref<!tpu.dma_semaphore, #tpu.memory_space<semaphore_mem>>) src(%dma_wait3A_120 : memref<80x128xf32, #tpu.memory_space<vmem>>) dst(%dma_wait3A_126 : memref<10000x128xf32, #tpu.memory_space<vmem_shared>>)
    %barrier3A_127 = arith.constant 0 : index
    tpu.barrier barrier_id(%barrier3A_127)
    %mul3A_128 = arith.constant 625 : i32
    %mul3A_129 = arith.muli %arg1, %mul3A_128 : i32
    %mul3A_130 = arith.constant 625 : i32
    %mul3A_131 = arith.muli %arg1, %mul3A_130 : i32
    "tpu.region"() ({
      %run_scoped3A_132 = tpu.sem_alloc : memref<!tpu.dma_semaphore, #tpu.memory_space<semaphore_mem>>
      %dma_start3A_133 = arith.constant 0 : i32
      %dma_start3A_134 = tpu.memref_slice %arg5[%arg0, %mul3A_131, %dma_start3A_133] : memref<2x10000x128xf32, #tpu.memory_space<hbm>> -> memref<1x625x128xf32, #tpu.memory_space<hbm>>
      %dma_start3A_135 = tpu.memref_squeeze %dma_start3A_134 : memref<1x625x128xf32, #tpu.memory_space<hbm>> -> memref<625x128xf32, #tpu.memory_space<hbm>>
      %dma_start3A_136 = arith.constant 0 : i32
      %dma_start3A_137 = tpu.memref_slice %arg9[%mul3A_129, %dma_start3A_136] : memref<10000x128xf32, #tpu.memory_space<vmem_shared>> -> memref<625x128xf32, #tpu.memory_space<vmem_shared>>
      tpu.enqueue_dma source(%dma_start3A_137 : memref<625x128xf32, #tpu.memory_space<vmem_shared>>) target(%dma_start3A_135 : memref<625x128xf32, #tpu.memory_space<hbm>>) target_semaphore(%run_scoped3A_132 : memref<!tpu.dma_semaphore, #tpu.memory_space<semaphore_mem>>)
      %dma_wait3A_138 = arith.constant 0 : i32
      %dma_wait3A_139 = tpu.memref_slice %arg5[%arg0, %mul3A_131, %dma_wait3A_138] : memref<2x10000x128xf32, #tpu.memory_space<hbm>> -> memref<1x625x128xf32, #tpu.memory_space<hbm>>
      %dma_wait3A_140 = tpu.memref_squeeze %dma_wait3A_139 : memref<1x625x128xf32, #tpu.memory_space<hbm>> -> memref<625x128xf32, #tpu.memory_space<hbm>>
      %dma_wait3A_141 = arith.constant 0 : i32
      %dma_wait3A_142 = tpu.memref_slice %arg9[%mul3A_129, %dma_wait3A_141] : memref<10000x128xf32, #tpu.memory_space<vmem_shared>> -> memref<625x128xf32, #tpu.memory_space<vmem_shared>>
      tpu.wait_dma2 semaphore(%run_scoped3A_132 : memref<!tpu.dma_semaphore, #tpu.memory_space<semaphore_mem>>) src(%dma_wait3A_142 : memref<625x128xf32, #tpu.memory_space<vmem_shared>>) dst(%dma_wait3A_140 : memref<625x128xf32, #tpu.memory_space<hbm>>)
      tpu.yield
    }) : () -> ()
    return
  }
}

#map = affine_map<(d0, d1) -> (0, 0, 0)>
module attributes {stable_mosaic.version = 14 : i64} {
  func.func @_sc_degree(%arg0: i32, %arg1: i32, %arg2: memref<32x125x80xi32, #tpu.memory_space<hbm>>, %arg3: memref<2x10000x16xf32, #tpu.memory_space<hbm>>, %arg4: memref<125x80xi32, #tpu.memory_space<vmem>>, %arg5: memref<80x16xf32, #tpu.memory_space<vmem>>, %arg6: memref<125x16xf32, #tpu.memory_space<vmem>>, %arg7: memref<10000x16xf32, #tpu.memory_space<vmem_shared>>, %arg8: memref<!tpu.dma_semaphore, #tpu.memory_space<semaphore_mem>>) attributes {dimension_semantics = [#tpu.dimension_semantics<core_parallel>, #tpu.dimension_semantics<subcore_parallel>], iteration_bounds = array<i64: 2, 16>, scalar_prefetch = 0 : i64, scratch_operands = 5 : i64, tpu.core_type = #tpu.core_type<sc_vector_subcore>, window_params = [{transform_indices = #map}, {transform_indices = #map}]} {
    %mul3A = arith.constant 16 : i32
    %mul3A_0 = arith.muli %arg0, %mul3A : i32
    %add3A = arith.addi %mul3A_0, %arg1 : i32
    %broadcast_in_dim3A = arith.constant 1.000000e+00 : f32
    %broadcast_in_dim3A_1 = vector.broadcast %broadcast_in_dim3A : f32 to vector<16xf32>
    %scan3A = arith.constant 0 : i32
    %scan3A_2 = arith.constant 80 : i32
    %scan3A_3 = arith.addi %scan3A, %scan3A_2 : i32
    %scan3A_4 = arith.constant 1 : i32
    scf.for %scan3A_28 = %scan3A to %scan3A_3 step %scan3A_4  : i32 {
      %mul3A_29 = arith.constant 1 : i32
      %mul3A_30 = arith.muli %scan3A_28, %mul3A_29 : i32
      %add3A_31 = arith.constant 0 : i32
      %add3A_32 = arith.addi %add3A_31, %mul3A_30 : i32
      %swap3A = arith.index_cast %add3A_32 : i32 to index
      %swap3A_33 = arith.constant 0 : index
      %swap3A_34 = tpu.vector_load %arg5[%swap3A, %swap3A_33] {strides = array<i32>} : memref<80x16xf32, #tpu.memory_space<vmem>>, vector<1x16xf32>,
      %swap3A_35 = vector.shape_cast %swap3A_34 : vector<1x16xf32> to vector<16xf32>
      %swap3A_36 = vector.shape_cast %broadcast_in_dim3A_1 : vector<16xf32> to vector<1x16xf32>
      tpu.vector_store %arg5[%swap3A, %swap3A_33], %swap3A_36 {strides = array<i32>} : memref<80x16xf32, #tpu.memory_space<vmem>>, vector<1x16xf32>,
    }
    %scan3A_5 = arith.constant 80 : i32
    %broadcast_in_dim3A_6 = arith.constant 0.000000e+00 : f32
    %broadcast_in_dim3A_7 = vector.broadcast %broadcast_in_dim3A_6 : f32 to vector<16xf32>
    %scan3A_8 = arith.constant 0 : i32
    %scan3A_9 = arith.constant 125 : i32
    %scan3A_10 = arith.addi %scan3A_8, %scan3A_9 : i32
    %scan3A_11 = arith.constant 1 : i32
    scf.for %scan3A_28 = %scan3A_8 to %scan3A_10 step %scan3A_11  : i32 {
      %mul3A_29 = arith.constant 1 : i32
      %mul3A_30 = arith.muli %scan3A_28, %mul3A_29 : i32
      %add3A_31 = arith.constant 0 : i32
      %add3A_32 = arith.addi %add3A_31, %mul3A_30 : i32
      %swap3A = arith.index_cast %add3A_32 : i32 to index
      %swap3A_33 = arith.constant 0 : index
      %swap3A_34 = tpu.vector_load %arg6[%swap3A, %swap3A_33] {strides = array<i32>} : memref<125x16xf32, #tpu.memory_space<vmem>>, vector<1x16xf32>,
      %swap3A_35 = vector.shape_cast %swap3A_34 : vector<1x16xf32> to vector<16xf32>
      %swap3A_36 = vector.shape_cast %broadcast_in_dim3A_7 : vector<16xf32> to vector<1x16xf32>
      tpu.vector_store %arg6[%swap3A, %swap3A_33], %swap3A_36 {strides = array<i32>} : memref<125x16xf32, #tpu.memory_space<vmem>>, vector<1x16xf32>,
    }
    %scan3A_12 = arith.constant 125 : i32
    "tpu.region"() ({
      %run_scoped3A = tpu.sem_alloc : memref<!tpu.dma_semaphore, #tpu.memory_space<semaphore_mem>>
      %dma_start3A = arith.constant 0 : i32
      %dma_start3A_28 = arith.constant 0 : i32
      %dma_start3A_29 = tpu.memref_slice %arg2[%add3A, %dma_start3A, %dma_start3A_28] : memref<32x125x80xi32, #tpu.memory_space<hbm>> -> memref<1x125x80xi32, #tpu.memory_space<hbm>>
      %dma_start3A_30 = tpu.memref_squeeze %dma_start3A_29 : memref<1x125x80xi32, #tpu.memory_space<hbm>> -> memref<125x80xi32, #tpu.memory_space<hbm>>
      %dma_start3A_31 = arith.constant 0 : i32
      %dma_start3A_32 = arith.constant 0 : i32
      %dma_start3A_33 = tpu.memref_slice %arg2[%add3A, %dma_start3A_31, %dma_start3A_32] : memref<32x125x80xi32, #tpu.memory_space<hbm>> -> memref<1x125x80xi32, #tpu.memory_space<hbm>>
      %dma_start3A_34 = tpu.memref_squeeze %dma_start3A_33 : memref<1x125x80xi32, #tpu.memory_space<hbm>> -> memref<125x80xi32, #tpu.memory_space<hbm>>
      tpu.enqueue_dma source(%dma_start3A_34 : memref<125x80xi32, #tpu.memory_space<hbm>>) target(%arg4 : memref<125x80xi32, #tpu.memory_space<vmem>>) target_semaphore(%run_scoped3A : memref<!tpu.dma_semaphore, #tpu.memory_space<semaphore_mem>>)
      %dma_wait3A = arith.constant 0 : i32
      %dma_wait3A_35 = arith.constant 0 : i32
      %dma_wait3A_36 = tpu.memref_slice %arg2[%add3A, %dma_wait3A, %dma_wait3A_35] : memref<32x125x80xi32, #tpu.memory_space<hbm>> -> memref<1x125x80xi32, #tpu.memory_space<hbm>>
      %dma_wait3A_37 = tpu.memref_squeeze %dma_wait3A_36 : memref<1x125x80xi32, #tpu.memory_space<hbm>> -> memref<125x80xi32, #tpu.memory_space<hbm>>
      %dma_wait3A_38 = arith.constant 0 : i32
      %dma_wait3A_39 = arith.constant 0 : i32
      %dma_wait3A_40 = tpu.memref_slice %arg2[%add3A, %dma_wait3A_38, %dma_wait3A_39] : memref<32x125x80xi32, #tpu.memory_space<hbm>> -> memref<1x125x80xi32, #tpu.memory_space<hbm>>
      %dma_wait3A_41 = tpu.memref_squeeze %dma_wait3A_40 : memref<1x125x80xi32, #tpu.memory_space<hbm>> -> memref<125x80xi32, #tpu.memory_space<hbm>>
      tpu.wait_dma2 semaphore(%run_scoped3A : memref<!tpu.dma_semaphore, #tpu.memory_space<semaphore_mem>>) src(%dma_wait3A_41 : memref<125x80xi32, #tpu.memory_space<hbm>>) dst(%arg4 : memref<125x80xi32, #tpu.memory_space<vmem>>)
      tpu.yield
    }) : () -> ()
    %scan3A_13 = arith.constant 0 : i32
    %scan3A_14 = arith.constant 5 : i32
    %scan3A_15 = arith.addi %scan3A_13, %scan3A_14 : i32
    %scan3A_16 = arith.constant 1 : i32
    scf.for %scan3A_28 = %scan3A_13 to %scan3A_15 step %scan3A_16  : i32 {
      %mul3A_29 = arith.constant 1 : i32
      %mul3A_30 = arith.muli %scan3A_28, %mul3A_29 : i32
      %add3A_31 = arith.constant 0 : i32
      %add3A_32 = arith.addi %add3A_31, %mul3A_30 : i32
      %mul3A_33 = arith.constant 625 : i32
      %mul3A_34 = arith.muli %arg1, %mul3A_33 : i32
      %mul3A_35 = arith.constant 125 : i32
      %mul3A_36 = arith.muli %add3A_32, %mul3A_35 : i32
      %add3A_37 = arith.addi %mul3A_34, %mul3A_36 : i32
      "tpu.region"() ({
        %run_scoped3A = tpu.sem_alloc : memref<!tpu.dma_semaphore, #tpu.memory_space<semaphore_mem>>
        %dma_start3A = arith.constant 0 : i32
        %dma_start3A_38 = tpu.memref_slice %arg7[%add3A_37, %dma_start3A] : memref<10000x16xf32, #tpu.memory_space<vmem_shared>> -> memref<125x16xf32, #tpu.memory_space<vmem_shared>>
        %dma_start3A_39 = arith.constant 0 : i32
        %dma_start3A_40 = tpu.memref_slice %arg7[%add3A_37, %dma_start3A_39] : memref<10000x16xf32, #tpu.memory_space<vmem_shared>> -> memref<125x16xf32, #tpu.memory_space<vmem_shared>>
        tpu.enqueue_dma source(%arg6 : memref<125x16xf32, #tpu.memory_space<vmem>>) target(%dma_start3A_40 : memref<125x16xf32, #tpu.memory_space<vmem_shared>>) target_semaphore(%run_scoped3A : memref<!tpu.dma_semaphore, #tpu.memory_space<semaphore_mem>>)
        %dma_wait3A = arith.constant 0 : i32
        %dma_wait3A_41 = tpu.memref_slice %arg7[%add3A_37, %dma_wait3A] : memref<10000x16xf32, #tpu.memory_space<vmem_shared>> -> memref<125x16xf32, #tpu.memory_space<vmem_shared>>
        %dma_wait3A_42 = arith.constant 0 : i32
        %dma_wait3A_43 = tpu.memref_slice %arg7[%add3A_37, %dma_wait3A_42] : memref<10000x16xf32, #tpu.memory_space<vmem_shared>> -> memref<125x16xf32, #tpu.memory_space<vmem_shared>>
        tpu.wait_dma2 semaphore(%run_scoped3A : memref<!tpu.dma_semaphore, #tpu.memory_space<semaphore_mem>>) src(%arg6 : memref<125x16xf32, #tpu.memory_space<vmem>>) dst(%dma_wait3A_43 : memref<125x16xf32, #tpu.memory_space<vmem_shared>>)
        tpu.yield
      }) : () -> ()
    }
    %scan3A_17 = arith.constant 5 : i32
    %barrier3A = arith.constant 0 : index
    tpu.barrier barrier_id(%barrier3A)
    %scan3A_18 = arith.constant 0 : i32
    %scan3A_19 = arith.constant 5 : i32
    %scan3A_20 = arith.addi %scan3A_18, %scan3A_19 : i32
    %scan3A_21 = arith.constant 1 : i32
    scf.for %scan3A_28 = %scan3A_18 to %scan3A_20 step %scan3A_21  : i32 {
      %mul3A_29 = arith.constant 1 : i32
      %mul3A_30 = arith.muli %scan3A_28, %mul3A_29 : i32
      %add3A_31 = arith.constant 0 : i32
      %add3A_32 = arith.addi %add3A_31, %mul3A_30 : i32
      %scan3A_33 = arith.constant 0 : i32
      %scan3A_34 = arith.constant 25 : i32
      %scan3A_35 = arith.addi %scan3A_33, %scan3A_34 : i32
      %scan3A_36 = arith.constant 1 : i32
      scf.for %scan3A_43 = %scan3A_33 to %scan3A_35 step %scan3A_36  : i32 {
        %mul3A_44 = arith.constant 1 : i32
        %mul3A_45 = arith.muli %scan3A_43, %mul3A_44 : i32
        %add3A_46 = arith.constant 0 : i32
        %add3A_47 = arith.addi %add3A_46, %mul3A_45 : i32
        %mul3A_48 = arith.constant 25 : i32
        %mul3A_49 = arith.muli %add3A_32, %mul3A_48 : i32
        %add3A_50 = arith.addi %mul3A_49, %add3A_47 : i32
        %dma_start3A = arith.constant 0 : i32
        %dma_start3A_51 = tpu.memref_slice %arg4[%add3A_50, %dma_start3A] : memref<125x80xi32, #tpu.memory_space<vmem>> -> memref<1x80xi32, #tpu.memory_space<vmem>>
        %dma_start3A_52 = tpu.memref_squeeze %dma_start3A_51 : memref<1x80xi32, #tpu.memory_space<vmem>> -> memref<80xi32, #tpu.memory_space<vmem>>
        %dma_start3A_53 = arith.constant 0 : i32
        %dma_start3A_54 = arith.constant 0 : i32
        %dma_start3A_55 = tpu.memref_slice %arg7[%dma_start3A_53, %dma_start3A_54] : memref<10000x16xf32, #tpu.memory_space<vmem_shared>> -> memref<10000x16xf32, #tpu.memory_space<vmem_shared>>
        tpu.enqueue_indirect_dma source(%arg5 : memref<80x16xf32, #tpu.memory_space<vmem>>) target(%dma_start3A_55 : memref<10000x16xf32, #tpu.memory_space<vmem_shared>>) offsets(%dma_start3A_52 : memref<80xi32, #tpu.memory_space<vmem>>) semaphore(%arg8 : memref<!tpu.dma_semaphore, #tpu.memory_space<semaphore_mem>>) {add = true}
      }
      %scan3A_37 = arith.constant 25 : i32
      %scan3A_38 = arith.constant 0 : i32
      %scan3A_39 = arith.constant 25 : i32
      %scan3A_40 = arith.addi %scan3A_38, %scan3A_39 : i32
      %scan3A_41 = arith.constant 1 : i32
      scf.for %scan3A_43 = %scan3A_38 to %scan3A_40 step %scan3A_41  : i32 {
        %mul3A_44 = arith.constant 1 : i32
        %mul3A_45 = arith.muli %scan3A_43, %mul3A_44 : i32
        %add3A_46 = arith.constant 0 : i32
        %add3A_47 = arith.addi %add3A_46, %mul3A_45 : i32
        %dma_wait3A = arith.constant 0 : i32
        %dma_wait3A_48 = arith.constant 0 : i32
        %dma_wait3A_49 = tpu.memref_slice %arg4[%dma_wait3A, %dma_wait3A_48] : memref<125x80xi32, #tpu.memory_space<vmem>> -> memref<1x80xi32, #tpu.memory_space<vmem>>
        %dma_wait3A_50 = tpu.memref_squeeze %dma_wait3A_49 : memref<1x80xi32, #tpu.memory_space<vmem>> -> memref<80xi32, #tpu.memory_space<vmem>>
        %dma_wait3A_51 = arith.constant 0 : i32
        %dma_wait3A_52 = arith.constant 0 : i32
        %dma_wait3A_53 = tpu.memref_slice %arg7[%dma_wait3A_51, %dma_wait3A_52] : memref<10000x16xf32, #tpu.memory_space<vmem_shared>> -> memref<10000x16xf32, #tpu.memory_space<vmem_shared>>
        tpu.wait_indirect_dma semaphore(%arg8 : memref<!tpu.dma_semaphore, #tpu.memory_space<semaphore_mem>>) src(%arg5 : memref<80x16xf32, #tpu.memory_space<vmem>>) dst(%dma_wait3A_53 : memref<10000x16xf32, #tpu.memory_space<vmem_shared>>)
      }
      %scan3A_42 = arith.constant 25 : i32
    }
    %scan3A_22 = arith.constant 5 : i32
    %barrier3A_23 = arith.constant 0 : index
    tpu.barrier barrier_id(%barrier3A_23)
    %mul3A_24 = arith.constant 625 : i32
    %mul3A_25 = arith.muli %arg1, %mul3A_24 : i32
    %mul3A_26 = arith.constant 625 : i32
    %mul3A_27 = arith.muli %arg1, %mul3A_26 : i32
    "tpu.region"() ({
      %run_scoped3A = tpu.sem_alloc : memref<!tpu.dma_semaphore, #tpu.memory_space<semaphore_mem>>
      %dma_start3A = arith.constant 0 : i32
      %dma_start3A_28 = tpu.memref_slice %arg3[%arg0, %mul3A_27, %dma_start3A] : memref<2x10000x16xf32, #tpu.memory_space<hbm>> -> memref<1x625x16xf32, #tpu.memory_space<hbm>>
      %dma_start3A_29 = tpu.memref_squeeze %dma_start3A_28 : memref<1x625x16xf32, #tpu.memory_space<hbm>> -> memref<625x16xf32, #tpu.memory_space<hbm>>
      %dma_start3A_30 = arith.constant 0 : i32
      %dma_start3A_31 = tpu.memref_slice %arg7[%mul3A_25, %dma_start3A_30] : memref<10000x16xf32, #tpu.memory_space<vmem_shared>> -> memref<625x16xf32, #tpu.memory_space<vmem_shared>>
      tpu.enqueue_dma source(%dma_start3A_31 : memref<625x16xf32, #tpu.memory_space<vmem_shared>>) target(%dma_start3A_29 : memref<625x16xf32, #tpu.memory_space<hbm>>) target_semaphore(%run_scoped3A : memref<!tpu.dma_semaphore, #tpu.memory_space<semaphore_mem>>)
      %dma_wait3A = arith.constant 0 : i32
      %dma_wait3A_32 = tpu.memref_slice %arg3[%arg0, %mul3A_27, %dma_wait3A] : memref<2x10000x16xf32, #tpu.memory_space<hbm>> -> memref<1x625x16xf32, #tpu.memory_space<hbm>>
      %dma_wait3A_33 = tpu.memref_squeeze %dma_wait3A_32 : memref<1x625x16xf32, #tpu.memory_space<hbm>> -> memref<625x16xf32, #tpu.memory_space<hbm>>
      %dma_wait3A_34 = arith.constant 0 : i32
      %dma_wait3A_35 = tpu.memref_slice %arg7[%mul3A_25, %dma_wait3A_34] : memref<10000x16xf32, #tpu.memory_space<vmem_shared>> -> memref<625x16xf32, #tpu.memory_space<vmem_shared>>
      tpu.wait_dma2 semaphore(%run_scoped3A : memref<!tpu.dma_semaphore, #tpu.memory_space<semaphore_mem>>) src(%dma_wait3A_35 : memref<625x16xf32, #tpu.memory_space<vmem_shared>>) dst(%dma_wait3A_33 : memref<625x16xf32, #tpu.memory_space<hbm>>)
      tpu.yield
    }) : () -> ()
    return
  }
}

#map = affine_map<(d0, d1) -> (0, 0)>
#map1 = affine_map<(d0, d1) -> (0, 0, 0)>
module attributes {stable_mosaic.version = 14 : i64} {
  func.func @_sc_aggregate(%arg0: i32, %arg1: i32, %arg2: memref<10000x128xf32, #tpu.memory_space<hbm>>, %arg3: memref<32x125x80xi32, #tpu.memory_space<hbm>>, %arg4: memref<32x125x80xi32, #tpu.memory_space<hbm>>, %arg5: memref<2x10000x128xf32, #tpu.memory_space<hbm>>, %arg6: memref<125x80xi32, #tpu.memory_space<vmem>>, %arg7: memref<125x80xi32, #tpu.memory_space<vmem>>, %arg8: memref<3x80x128xf32, #tpu.memory_space<vmem>>, %arg9: memref<10000x128xf32, #tpu.memory_space<vmem_shared>>, %arg10: memref<!tpu.dma_semaphore, #tpu.memory_space<semaphore_mem>>, %arg11: memref<!tpu.dma_semaphore, #tpu.memory_space<semaphore_mem>>, %arg12: memref<!tpu.dma_semaphore, #tpu.memory_space<semaphore_mem>>, %arg13: memref<!tpu.dma_semaphore, #tpu.memory_space<semaphore_mem>>, %arg14: memref<!tpu.dma_semaphore, #tpu.memory_space<semaphore_mem>>, %arg15: memref<!tpu.dma_semaphore, #tpu.memory_space<semaphore_mem>>) attributes {dimension_semantics = [#tpu.dimension_semantics<core_parallel>, #tpu.dimension_semantics<subcore_parallel>], iteration_bounds = array<i64: 2, 16>, scalar_prefetch = 0 : i64, scratch_operands = 10 : i64, tpu.core_type = #tpu.core_type<sc_vector_subcore>, window_params = [{transform_indices = #map}, {transform_indices = #map1}, {transform_indices = #map1}, {transform_indices = #map1}]} {
    %mul3A = arith.constant 16 : i32
    %mul3A_0 = arith.muli %arg0, %mul3A : i32
    %add3A = arith.addi %mul3A_0, %arg1 : i32
    "tpu.region"() ({
      %run_scoped3A_132 = tpu.sem_alloc : memref<!tpu.dma_semaphore, #tpu.memory_space<semaphore_mem>>
      %dma_start3A_133 = arith.constant 0 : i32
      %dma_start3A_134 = arith.constant 0 : i32
      %dma_start3A_135 = tpu.memref_slice %arg3[%add3A, %dma_start3A_133, %dma_start3A_134] : memref<32x125x80xi32, #tpu.memory_space<hbm>> -> memref<1x125x80xi32, #tpu.memory_space<hbm>>
      %dma_start3A_136 = tpu.memref_squeeze %dma_start3A_135 : memref<1x125x80xi32, #tpu.memory_space<hbm>> -> memref<125x80xi32, #tpu.memory_space<hbm>>
      %dma_start3A_137 = arith.constant 0 : i32
      %dma_start3A_138 = arith.constant 0 : i32
      %dma_start3A_139 = tpu.memref_slice %arg3[%add3A, %dma_start3A_137, %dma_start3A_138] : memref<32x125x80xi32, #tpu.memory_space<hbm>> -> memref<1x125x80xi32, #tpu.memory_space<hbm>>
      %dma_start3A_140 = tpu.memref_squeeze %dma_start3A_139 : memref<1x125x80xi32, #tpu.memory_space<hbm>> -> memref<125x80xi32, #tpu.memory_space<hbm>>
      tpu.enqueue_dma source(%dma_start3A_140 : memref<125x80xi32, #tpu.memory_space<hbm>>) target(%arg6 : memref<125x80xi32, #tpu.memory_space<vmem>>) target_semaphore(%run_scoped3A_132 : memref<!tpu.dma_semaphore, #tpu.memory_space<semaphore_mem>>)
      %dma_wait3A_141 = arith.constant 0 : i32
      %dma_wait3A_142 = arith.constant 0 : i32
      %dma_wait3A_143 = tpu.memref_slice %arg3[%add3A, %dma_wait3A_141, %dma_wait3A_142] : memref<32x125x80xi32, #tpu.memory_space<hbm>> -> memref<1x125x80xi32, #tpu.memory_space<hbm>>
      %dma_wait3A_144 = tpu.memref_squeeze %dma_wait3A_143 : memref<1x125x80xi32, #tpu.memory_space<hbm>> -> memref<125x80xi32, #tpu.memory_space<hbm>>
      %dma_wait3A_145 = arith.constant 0 : i32
      %dma_wait3A_146 = arith.constant 0 : i32
      %dma_wait3A_147 = tpu.memref_slice %arg3[%add3A, %dma_wait3A_145, %dma_wait3A_146] : memref<32x125x80xi32, #tpu.memory_space<hbm>> -> memref<1x125x80xi32, #tpu.memory_space<hbm>>
      %dma_wait3A_148 = tpu.memref_squeeze %dma_wait3A_147 : memref<1x125x80xi32, #tpu.memory_space<hbm>> -> memref<125x80xi32, #tpu.memory_space<hbm>>
      tpu.wait_dma2 semaphore(%run_scoped3A_132 : memref<!tpu.dma_semaphore, #tpu.memory_space<semaphore_mem>>) src(%dma_wait3A_148 : memref<125x80xi32, #tpu.memory_space<hbm>>) dst(%arg6 : memref<125x80xi32, #tpu.memory_space<vmem>>)
      tpu.yield
    }) : () -> ()
    "tpu.region"() ({
      %run_scoped3A_132 = tpu.sem_alloc : memref<!tpu.dma_semaphore, #tpu.memory_space<semaphore_mem>>
      %dma_start3A_133 = arith.constant 0 : i32
      %dma_start3A_134 = arith.constant 0 : i32
      %dma_start3A_135 = tpu.memref_slice %arg4[%add3A, %dma_start3A_133, %dma_start3A_134] : memref<32x125x80xi32, #tpu.memory_space<hbm>> -> memref<1x125x80xi32, #tpu.memory_space<hbm>>
      %dma_start3A_136 = tpu.memref_squeeze %dma_start3A_135 : memref<1x125x80xi32, #tpu.memory_space<hbm>> -> memref<125x80xi32, #tpu.memory_space<hbm>>
      %dma_start3A_137 = arith.constant 0 : i32
      %dma_start3A_138 = arith.constant 0 : i32
      %dma_start3A_139 = tpu.memref_slice %arg4[%add3A, %dma_start3A_137, %dma_start3A_138] : memref<32x125x80xi32, #tpu.memory_space<hbm>> -> memref<1x125x80xi32, #tpu.memory_space<hbm>>
      %dma_start3A_140 = tpu.memref_squeeze %dma_start3A_139 : memref<1x125x80xi32, #tpu.memory_space<hbm>> -> memref<125x80xi32, #tpu.memory_space<hbm>>
      tpu.enqueue_dma source(%dma_start3A_140 : memref<125x80xi32, #tpu.memory_space<hbm>>) target(%arg7 : memref<125x80xi32, #tpu.memory_space<vmem>>) target_semaphore(%run_scoped3A_132 : memref<!tpu.dma_semaphore, #tpu.memory_space<semaphore_mem>>)
      %dma_wait3A_141 = arith.constant 0 : i32
      %dma_wait3A_142 = arith.constant 0 : i32
      %dma_wait3A_143 = tpu.memref_slice %arg4[%add3A, %dma_wait3A_141, %dma_wait3A_142] : memref<32x125x80xi32, #tpu.memory_space<hbm>> -> memref<1x125x80xi32, #tpu.memory_space<hbm>>
      %dma_wait3A_144 = tpu.memref_squeeze %dma_wait3A_143 : memref<1x125x80xi32, #tpu.memory_space<hbm>> -> memref<125x80xi32, #tpu.memory_space<hbm>>
      %dma_wait3A_145 = arith.constant 0 : i32
      %dma_wait3A_146 = arith.constant 0 : i32
      %dma_wait3A_147 = tpu.memref_slice %arg4[%add3A, %dma_wait3A_145, %dma_wait3A_146] : memref<32x125x80xi32, #tpu.memory_space<hbm>> -> memref<1x125x80xi32, #tpu.memory_space<hbm>>
      %dma_wait3A_148 = tpu.memref_squeeze %dma_wait3A_147 : memref<1x125x80xi32, #tpu.memory_space<hbm>> -> memref<125x80xi32, #tpu.memory_space<hbm>>
      tpu.wait_dma2 semaphore(%run_scoped3A_132 : memref<!tpu.dma_semaphore, #tpu.memory_space<semaphore_mem>>) src(%dma_wait3A_148 : memref<125x80xi32, #tpu.memory_space<hbm>>) dst(%arg7 : memref<125x80xi32, #tpu.memory_space<vmem>>)
      tpu.yield
    }) : () -> ()
    %broadcast_in_dim3A = arith.constant 0.000000e+00 : f32
    %broadcast_in_dim3A_1 = vector.broadcast %broadcast_in_dim3A : f32 to vector<16xf32>
    %scan3A = arith.constant 0 : i32
    %scan3A_2 = arith.constant 0 : i32
    %scan3A_3 = arith.constant 80 : i32
    %scan3A_4 = arith.addi %scan3A_2, %scan3A_3 : i32
    %scan3A_5 = arith.constant 1 : i32
    scf.for %scan3A_132 = %scan3A_2 to %scan3A_4 step %scan3A_5  : i32 {
      %mul3A_133 = arith.constant 1 : i32
      %mul3A_134 = arith.muli %scan3A_132, %mul3A_133 : i32
      %add3A_135 = arith.constant 0 : i32
      %add3A_136 = arith.addi %add3A_135, %mul3A_134 : i32
      %swap3A = arith.constant 0 : i32
      %swap3A_137 = arith.constant 0 : i32
      %swap3A_138 = tpu.memref_slice %arg8[%scan3A, %swap3A, %swap3A_137] : memref<3x80x128xf32, #tpu.memory_space<vmem>> -> memref<1x80x128xf32, #tpu.memory_space<vmem>>
      %swap3A_139 = tpu.memref_squeeze %swap3A_138 : memref<1x80x128xf32, #tpu.memory_space<vmem>> -> memref<80x128xf32, #tpu.memory_space<vmem>>
      %swap3A_140 = arith.index_cast %add3A_136 : i32 to index
      %swap3A_141 = arith.constant 0 : index
      %swap3A_142 = tpu.vector_load %swap3A_139[%swap3A_140, %swap3A_141] {strides = array<i32>} : memref<80x128xf32, #tpu.memory_space<vmem>>, vector<1x16xf32>,
      %swap3A_143 = vector.shape_cast %swap3A_142 : vector<1x16xf32> to vector<16xf32>
      %swap3A_144 = vector.shape_cast %broadcast_in_dim3A_1 : vector<16xf32> to vector<1x16xf32>
      tpu.vector_store %swap3A_139[%swap3A_140, %swap3A_141], %swap3A_144 {strides = array<i32>} : memref<80x128xf32, #tpu.memory_space<vmem>>, vector<1x16xf32>,
      %swap3A_145 = arith.constant 0 : i32
      %swap3A_146 = arith.constant 0 : i32
      %swap3A_147 = tpu.memref_slice %arg8[%scan3A, %swap3A_145, %swap3A_146] : memref<3x80x128xf32, #tpu.memory_space<vmem>> -> memref<1x80x128xf32, #tpu.memory_space<vmem>>
      %swap3A_148 = tpu.memref_squeeze %swap3A_147 : memref<1x80x128xf32, #tpu.memory_space<vmem>> -> memref<80x128xf32, #tpu.memory_space<vmem>>
      %swap3A_149 = arith.index_cast %add3A_136 : i32 to index
      %swap3A_150 = arith.constant 16 : index
      %swap3A_151 = tpu.vector_load %swap3A_148[%swap3A_149, %swap3A_150] {strides = array<i32>} : memref<80x128xf32, #tpu.memory_space<vmem>>, vector<1x16xf32>,
      %swap3A_152 = vector.shape_cast %swap3A_151 : vector<1x16xf32> to vector<16xf32>
      %swap3A_153 = vector.shape_cast %broadcast_in_dim3A_1 : vector<16xf32> to vector<1x16xf32>
      tpu.vector_store %swap3A_148[%swap3A_149, %swap3A_150], %swap3A_153 {strides = array<i32>} : memref<80x128xf32, #tpu.memory_space<vmem>>, vector<1x16xf32>,
      %swap3A_154 = arith.constant 0 : i32
      %swap3A_155 = arith.constant 0 : i32
      %swap3A_156 = tpu.memref_slice %arg8[%scan3A, %swap3A_154, %swap3A_155] : memref<3x80x128xf32, #tpu.memory_space<vmem>> -> memref<1x80x128xf32, #tpu.memory_space<vmem>>
      %swap3A_157 = tpu.memref_squeeze %swap3A_156 : memref<1x80x128xf32, #tpu.memory_space<vmem>> -> memref<80x128xf32, #tpu.memory_space<vmem>>
      %swap3A_158 = arith.index_cast %add3A_136 : i32 to index
      %swap3A_159 = arith.constant 32 : index
      %swap3A_160 = tpu.vector_load %swap3A_157[%swap3A_158, %swap3A_159] {strides = array<i32>} : memref<80x128xf32, #tpu.memory_space<vmem>>, vector<1x16xf32>,
      %swap3A_161 = vector.shape_cast %swap3A_160 : vector<1x16xf32> to vector<16xf32>
      %swap3A_162 = vector.shape_cast %broadcast_in_dim3A_1 : vector<16xf32> to vector<1x16xf32>
      tpu.vector_store %swap3A_157[%swap3A_158, %swap3A_159], %swap3A_162 {strides = array<i32>} : memref<80x128xf32, #tpu.memory_space<vmem>>, vector<1x16xf32>,
      %swap3A_163 = arith.constant 0 : i32
      %swap3A_164 = arith.constant 0 : i32
      %swap3A_165 = tpu.memref_slice %arg8[%scan3A, %swap3A_163, %swap3A_164] : memref<3x80x128xf32, #tpu.memory_space<vmem>> -> memref<1x80x128xf32, #tpu.memory_space<vmem>>
      %swap3A_166 = tpu.memref_squeeze %swap3A_165 : memref<1x80x128xf32, #tpu.memory_space<vmem>> -> memref<80x128xf32, #tpu.memory_space<vmem>>
      %swap3A_167 = arith.index_cast %add3A_136 : i32 to index
      %swap3A_168 = arith.constant 48 : index
      %swap3A_169 = tpu.vector_load %swap3A_166[%swap3A_167, %swap3A_168] {strides = array<i32>} : memref<80x128xf32, #tpu.memory_space<vmem>>, vector<1x16xf32>,
      %swap3A_170 = vector.shape_cast %swap3A_169 : vector<1x16xf32> to vector<16xf32>
      %swap3A_171 = vector.shape_cast %broadcast_in_dim3A_1 : vector<16xf32> to vector<1x16xf32>
      tpu.vector_store %swap3A_166[%swap3A_167, %swap3A_168], %swap3A_171 {strides = array<i32>} : memref<80x128xf32, #tpu.memory_space<vmem>>, vector<1x16xf32>,
      %swap3A_172 = arith.constant 0 : i32
      %swap3A_173 = arith.constant 0 : i32
      %swap3A_174 = tpu.memref_slice %arg8[%scan3A, %swap3A_172, %swap3A_173] : memref<3x80x128xf32, #tpu.memory_space<vmem>> -> memref<1x80x128xf32, #tpu.memory_space<vmem>>
      %swap3A_175 = tpu.memref_squeeze %swap3A_174 : memref<1x80x128xf32, #tpu.memory_space<vmem>> -> memref<80x128xf32, #tpu.memory_space<vmem>>
      %swap3A_176 = arith.index_cast %add3A_136 : i32 to index
      %swap3A_177 = arith.constant 64 : index
      %swap3A_178 = tpu.vector_load %swap3A_175[%swap3A_176, %swap3A_177] {strides = array<i32>} : memref<80x128xf32, #tpu.memory_space<vmem>>, vector<1x16xf32>,
      %swap3A_179 = vector.shape_cast %swap3A_178 : vector<1x16xf32> to vector<16xf32>
      %swap3A_180 = vector.shape_cast %broadcast_in_dim3A_1 : vector<16xf32> to vector<1x16xf32>
      tpu.vector_store %swap3A_175[%swap3A_176, %swap3A_177], %swap3A_180 {strides = array<i32>} : memref<80x128xf32, #tpu.memory_space<vmem>>, vector<1x16xf32>,
      %swap3A_181 = arith.constant 0 : i32
      %swap3A_182 = arith.constant 0 : i32
      %swap3A_183 = tpu.memref_slice %arg8[%scan3A, %swap3A_181, %swap3A_182] : memref<3x80x128xf32, #tpu.memory_space<vmem>> -> memref<1x80x128xf32, #tpu.memory_space<vmem>>
      %swap3A_184 = tpu.memref_squeeze %swap3A_183 : memref<1x80x128xf32, #tpu.memory_space<vmem>> -> memref<80x128xf32, #tpu.memory_space<vmem>>
      %swap3A_185 = arith.index_cast %add3A_136 : i32 to index
      %swap3A_186 = arith.constant 80 : index
      %swap3A_187 = tpu.vector_load %swap3A_184[%swap3A_185, %swap3A_186] {strides = array<i32>} : memref<80x128xf32, #tpu.memory_space<vmem>>, vector<1x16xf32>,
      %swap3A_188 = vector.shape_cast %swap3A_187 : vector<1x16xf32> to vector<16xf32>
      %swap3A_189 = vector.shape_cast %broadcast_in_dim3A_1 : vector<16xf32> to vector<1x16xf32>
      tpu.vector_store %swap3A_184[%swap3A_185, %swap3A_186], %swap3A_189 {strides = array<i32>} : memref<80x128xf32, #tpu.memory_space<vmem>>, vector<1x16xf32>,
      %swap3A_190 = arith.constant 0 : i32
      %swap3A_191 = arith.constant 0 : i32
      %swap3A_192 = tpu.memref_slice %arg8[%scan3A, %swap3A_190, %swap3A_191] : memref<3x80x128xf32, #tpu.memory_space<vmem>> -> memref<1x80x128xf32, #tpu.memory_space<vmem>>
      %swap3A_193 = tpu.memref_squeeze %swap3A_192 : memref<1x80x128xf32, #tpu.memory_space<vmem>> -> memref<80x128xf32, #tpu.memory_space<vmem>>
      %swap3A_194 = arith.index_cast %add3A_136 : i32 to index
      %swap3A_195 = arith.constant 96 : index
      %swap3A_196 = tpu.vector_load %swap3A_193[%swap3A_194, %swap3A_195] {strides = array<i32>} : memref<80x128xf32, #tpu.memory_space<vmem>>, vector<1x16xf32>,
      %swap3A_197 = vector.shape_cast %swap3A_196 : vector<1x16xf32> to vector<16xf32>
      %swap3A_198 = vector.shape_cast %broadcast_in_dim3A_1 : vector<16xf32> to vector<1x16xf32>
      tpu.vector_store %swap3A_193[%swap3A_194, %swap3A_195], %swap3A_198 {strides = array<i32>} : memref<80x128xf32, #tpu.memory_space<vmem>>, vector<1x16xf32>,
      %swap3A_199 = arith.constant 0 : i32
      %swap3A_200 = arith.constant 0 : i32
      %swap3A_201 = tpu.memref_slice %arg8[%scan3A, %swap3A_199, %swap3A_200] : memref<3x80x128xf32, #tpu.memory_space<vmem>> -> memref<1x80x128xf32, #tpu.memory_space<vmem>>
      %swap3A_202 = tpu.memref_squeeze %swap3A_201 : memref<1x80x128xf32, #tpu.memory_space<vmem>> -> memref<80x128xf32, #tpu.memory_space<vmem>>
      %swap3A_203 = arith.index_cast %add3A_136 : i32 to index
      %swap3A_204 = arith.constant 112 : index
      %swap3A_205 = tpu.vector_load %swap3A_202[%swap3A_203, %swap3A_204] {strides = array<i32>} : memref<80x128xf32, #tpu.memory_space<vmem>>, vector<1x16xf32>,
      %swap3A_206 = vector.shape_cast %swap3A_205 : vector<1x16xf32> to vector<16xf32>
      %swap3A_207 = vector.shape_cast %broadcast_in_dim3A_1 : vector<16xf32> to vector<1x16xf32>
      tpu.vector_store %swap3A_202[%swap3A_203, %swap3A_204], %swap3A_207 {strides = array<i32>} : memref<80x128xf32, #tpu.memory_space<vmem>>, vector<1x16xf32>,
    }
    %scan3A_6 = arith.constant 80 : i32
    %scan3A_7 = arith.constant 0 : i32
    %scan3A_8 = arith.constant 7 : i32
    %scan3A_9 = arith.addi %scan3A_7, %scan3A_8 : i32
    %scan3A_10 = arith.constant 1 : i32
    scf.for %scan3A_132 = %scan3A_7 to %scan3A_9 step %scan3A_10  : i32 {
      %mul3A_133 = arith.constant 1 : i32
      %mul3A_134 = arith.muli %scan3A_132, %mul3A_133 : i32
      %add3A_135 = arith.constant 0 : i32
      %add3A_136 = arith.addi %add3A_135, %mul3A_134 : i32
      %mul3A_137 = arith.constant 625 : i32
      %mul3A_138 = arith.muli %arg1, %mul3A_137 : i32
      %mul3A_139 = arith.constant 80 : i32
      %mul3A_140 = arith.muli %add3A_136, %mul3A_139 : i32
      %add3A_141 = arith.addi %mul3A_138, %mul3A_140 : i32
      %run_scoped3A_142 = arith.constant 0 : i32
      "tpu.region"() ({
        %run_scoped3A_143 = tpu.sem_alloc : memref<!tpu.dma_semaphore, #tpu.memory_space<semaphore_mem>>
        %dma_start3A_144 = arith.constant 0 : i32
        %dma_start3A_145 = arith.constant 0 : i32
        %dma_start3A_146 = tpu.memref_slice %arg8[%run_scoped3A_142, %dma_start3A_144, %dma_start3A_145] : memref<3x80x128xf32, #tpu.memory_space<vmem>> -> memref<1x80x128xf32, #tpu.memory_space<vmem>>
        %dma_start3A_147 = tpu.memref_squeeze %dma_start3A_146 : memref<1x80x128xf32, #tpu.memory_space<vmem>> -> memref<80x128xf32, #tpu.memory_space<vmem>>
        %dma_start3A_148 = arith.constant 0 : i32
        %dma_start3A_149 = tpu.memref_slice %arg9[%add3A_141, %dma_start3A_148] : memref<10000x128xf32, #tpu.memory_space<vmem_shared>> -> memref<80x128xf32, #tpu.memory_space<vmem_shared>>
        %dma_start3A_150 = arith.constant 0 : i32
        %dma_start3A_151 = tpu.memref_slice %arg9[%add3A_141, %dma_start3A_150] : memref<10000x128xf32, #tpu.memory_space<vmem_shared>> -> memref<80x128xf32, #tpu.memory_space<vmem_shared>>
        %dma_start3A_152 = arith.constant 0 : i32
        %dma_start3A_153 = arith.constant 0 : i32
        %dma_start3A_154 = tpu.memref_slice %arg8[%run_scoped3A_142, %dma_start3A_152, %dma_start3A_153] : memref<3x80x128xf32, #tpu.memory_space<vmem>> -> memref<1x80x128xf32, #tpu.memory_space<vmem>>
        %dma_start3A_155 = tpu.memref_squeeze %dma_start3A_154 : memref<1x80x128xf32, #tpu.memory_space<vmem>> -> memref<80x128xf32, #tpu.memory_space<vmem>>
        tpu.enqueue_dma source(%dma_start3A_155 : memref<80x128xf32, #tpu.memory_space<vmem>>) target(%dma_start3A_151 : memref<80x128xf32, #tpu.memory_space<vmem_shared>>) target_semaphore(%run_scoped3A_143 : memref<!tpu.dma_semaphore, #tpu.memory_space<semaphore_mem>>)
        %dma_wait3A_156 = arith.constant 0 : i32
        %dma_wait3A_157 = arith.constant 0 : i32
        %dma_wait3A_158 = tpu.memref_slice %arg8[%run_scoped3A_142, %dma_wait3A_156, %dma_wait3A_157] : memref<3x80x128xf32, #tpu.memory_space<vmem>> -> memref<1x80x128xf32, #tpu.memory_space<vmem>>
        %dma_wait3A_159 = tpu.memref_squeeze %dma_wait3A_158 : memref<1x80x128xf32, #tpu.memory_space<vmem>> -> memref<80x128xf32, #tpu.memory_space<vmem>>
        %dma_wait3A_160 = arith.constant 0 : i32
        %dma_wait3A_161 = tpu.memref_slice %arg9[%add3A_141, %dma_wait3A_160] : memref<10000x128xf32, #tpu.memory_space<vmem_shared>> -> memref<80x128xf32, #tpu.memory_space<vmem_shared>>
        %dma_wait3A_162 = arith.constant 0 : i32
        %dma_wait3A_163 = tpu.memref_slice %arg9[%add3A_141, %dma_wait3A_162] : memref<10000x128xf32, #tpu.memory_space<vmem_shared>> -> memref<80x128xf32, #tpu.memory_space<vmem_shared>>
        %dma_wait3A_164 = arith.constant 0 : i32
        %dma_wait3A_165 = arith.constant 0 : i32
        %dma_wait3A_166 = tpu.memref_slice %arg8[%run_scoped3A_142, %dma_wait3A_164, %dma_wait3A_165] : memref<3x80x128xf32, #tpu.memory_space<vmem>> -> memref<1x80x128xf32, #tpu.memory_space<vmem>>
        %dma_wait3A_167 = tpu.memref_squeeze %dma_wait3A_166 : memref<1x80x128xf32, #tpu.memory_space<vmem>> -> memref<80x128xf32, #tpu.memory_space<vmem>>
        tpu.wait_dma2 semaphore(%run_scoped3A_143 : memref<!tpu.dma_semaphore, #tpu.memory_space<semaphore_mem>>) src(%dma_wait3A_167 : memref<80x128xf32, #tpu.memory_space<vmem>>) dst(%dma_wait3A_163 : memref<80x128xf32, #tpu.memory_space<vmem_shared>>)
        tpu.yield
      }) : () -> ()
    }
    %scan3A_11 = arith.constant 7 : i32
    %mul3A_12 = arith.constant 625 : i32
    %mul3A_13 = arith.muli %arg1, %mul3A_12 : i32
    %add3A_14 = arith.constant 560 : i32
    %add3A_15 = arith.addi %mul3A_13, %add3A_14 : i32
    %run_scoped3A = arith.constant 0 : i32
    "tpu.region"() ({
      %run_scoped3A_132 = tpu.sem_alloc : memref<!tpu.dma_semaphore, #tpu.memory_space<semaphore_mem>>
      %dma_start3A_133 = arith.constant 0 : i32
      %dma_start3A_134 = arith.constant 0 : i32
      %dma_start3A_135 = tpu.memref_slice %arg8[%run_scoped3A, %dma_start3A_133, %dma_start3A_134] : memref<3x80x128xf32, #tpu.memory_space<vmem>> -> memref<1x65x128xf32, #tpu.memory_space<vmem>>
      %dma_start3A_136 = tpu.memref_squeeze %dma_start3A_135 : memref<1x65x128xf32, #tpu.memory_space<vmem>> -> memref<65x128xf32, #tpu.memory_space<vmem>>
      %dma_start3A_137 = arith.constant 0 : i32
      %dma_start3A_138 = tpu.memref_slice %arg9[%add3A_15, %dma_start3A_137] : memref<10000x128xf32, #tpu.memory_space<vmem_shared>> -> memref<65x128xf32, #tpu.memory_space<vmem_shared>>
      %dma_start3A_139 = arith.constant 0 : i32
      %dma_start3A_140 = tpu.memref_slice %arg9[%add3A_15, %dma_start3A_139] : memref<10000x128xf32, #tpu.memory_space<vmem_shared>> -> memref<65x128xf32, #tpu.memory_space<vmem_shared>>
      %dma_start3A_141 = arith.constant 0 : i32
      %dma_start3A_142 = arith.constant 0 : i32
      %dma_start3A_143 = tpu.memref_slice %arg8[%run_scoped3A, %dma_start3A_141, %dma_start3A_142] : memref<3x80x128xf32, #tpu.memory_space<vmem>> -> memref<1x65x128xf32, #tpu.memory_space<vmem>>
      %dma_start3A_144 = tpu.memref_squeeze %dma_start3A_143 : memref<1x65x128xf32, #tpu.memory_space<vmem>> -> memref<65x128xf32, #tpu.memory_space<vmem>>
      tpu.enqueue_dma source(%dma_start3A_144 : memref<65x128xf32, #tpu.memory_space<vmem>>) target(%dma_start3A_140 : memref<65x128xf32, #tpu.memory_space<vmem_shared>>) target_semaphore(%run_scoped3A_132 : memref<!tpu.dma_semaphore, #tpu.memory_space<semaphore_mem>>)
      %dma_wait3A_145 = arith.constant 0 : i32
      %dma_wait3A_146 = arith.constant 0 : i32
      %dma_wait3A_147 = tpu.memref_slice %arg8[%run_scoped3A, %dma_wait3A_145, %dma_wait3A_146] : memref<3x80x128xf32, #tpu.memory_space<vmem>> -> memref<1x65x128xf32, #tpu.memory_space<vmem>>
      %dma_wait3A_148 = tpu.memref_squeeze %dma_wait3A_147 : memref<1x65x128xf32, #tpu.memory_space<vmem>> -> memref<65x128xf32, #tpu.memory_space<vmem>>
      %dma_wait3A_149 = arith.constant 0 : i32
      %dma_wait3A_150 = tpu.memref_slice %arg9[%add3A_15, %dma_wait3A_149] : memref<10000x128xf32, #tpu.memory_space<vmem_shared>> -> memref<65x128xf32, #tpu.memory_space<vmem_shared>>
      %dma_wait3A_151 = arith.constant 0 : i32
      %dma_wait3A_152 = tpu.memref_slice %arg9[%add3A_15, %dma_wait3A_151] : memref<10000x128xf32, #tpu.memory_space<vmem_shared>> -> memref<65x128xf32, #tpu.memory_space<vmem_shared>>
      %dma_wait3A_153 = arith.constant 0 : i32
      %dma_wait3A_154 = arith.constant 0 : i32
      %dma_wait3A_155 = tpu.memref_slice %arg8[%run_scoped3A, %dma_wait3A_153, %dma_wait3A_154] : memref<3x80x128xf32, #tpu.memory_space<vmem>> -> memref<1x65x128xf32, #tpu.memory_space<vmem>>
      %dma_wait3A_156 = tpu.memref_squeeze %dma_wait3A_155 : memref<1x65x128xf32, #tpu.memory_space<vmem>> -> memref<65x128xf32, #tpu.memory_space<vmem>>
      tpu.wait_dma2 semaphore(%run_scoped3A_132 : memref<!tpu.dma_semaphore, #tpu.memory_space<semaphore_mem>>) src(%dma_wait3A_156 : memref<65x128xf32, #tpu.memory_space<vmem>>) dst(%dma_wait3A_152 : memref<65x128xf32, #tpu.memory_space<vmem_shared>>)
      tpu.yield
    }) : () -> ()
    %barrier3A = arith.constant 0 : index
    tpu.barrier barrier_id(%barrier3A)
    %dma_start3A = arith.constant 0 : i32
    %dma_start3A_16 = arith.constant 0 : i32
    %dma_start3A_17 = arith.constant 0 : i32
    %dma_start3A_18 = arith.constant 0 : i32
    %dma_start3A_19 = tpu.memref_slice %arg8[%dma_start3A_16, %dma_start3A_17, %dma_start3A_18] : memref<3x80x128xf32, #tpu.memory_space<vmem>> -> memref<1x80x128xf32, #tpu.memory_space<vmem>>
    %dma_start3A_20 = tpu.memref_squeeze %dma_start3A_19 : memref<1x80x128xf32, #tpu.memory_space<vmem>> -> memref<80x128xf32, #tpu.memory_space<vmem>>
    %dma_start3A_21 = arith.constant 0 : i32
    %dma_start3A_22 = tpu.memref_slice %arg6[%dma_start3A, %dma_start3A_21] : memref<125x80xi32, #tpu.memory_space<vmem>> -> memref<1x80xi32, #tpu.memory_space<vmem>>
    %dma_start3A_23 = tpu.memref_squeeze %dma_start3A_22 : memref<1x80xi32, #tpu.memory_space<vmem>> -> memref<80xi32, #tpu.memory_space<vmem>>
    %dma_start3A_24 = arith.constant 0 : i32
    %dma_start3A_25 = arith.constant 0 : i32
    %dma_start3A_26 = tpu.memref_slice %arg2[%dma_start3A_24, %dma_start3A_25] : memref<10000x128xf32, #tpu.memory_space<hbm>> -> memref<10000x128xf32, #tpu.memory_space<hbm>>
    tpu.enqueue_indirect_dma source(%dma_start3A_26 : memref<10000x128xf32, #tpu.memory_space<hbm>>) target(%dma_start3A_20 : memref<80x128xf32, #tpu.memory_space<vmem>>) offsets(%dma_start3A_23 : memref<80xi32, #tpu.memory_space<vmem>>) semaphore(%arg10 : memref<!tpu.dma_semaphore, #tpu.memory_space<semaphore_mem>>)
    %dma_start3A_27 = arith.constant 1 : i32
    %dma_start3A_28 = arith.constant 1 : i32
    %dma_start3A_29 = arith.constant 0 : i32
    %dma_start3A_30 = arith.constant 0 : i32
    %dma_start3A_31 = tpu.memref_slice %arg8[%dma_start3A_28, %dma_start3A_29, %dma_start3A_30] : memref<3x80x128xf32, #tpu.memory_space<vmem>> -> memref<1x80x128xf32, #tpu.memory_space<vmem>>
    %dma_start3A_32 = tpu.memref_squeeze %dma_start3A_31 : memref<1x80x128xf32, #tpu.memory_space<vmem>> -> memref<80x128xf32, #tpu.memory_space<vmem>>
    %dma_start3A_33 = arith.constant 0 : i32
    %dma_start3A_34 = tpu.memref_slice %arg6[%dma_start3A_27, %dma_start3A_33] : memref<125x80xi32, #tpu.memory_space<vmem>> -> memref<1x80xi32, #tpu.memory_space<vmem>>
    %dma_start3A_35 = tpu.memref_squeeze %dma_start3A_34 : memref<1x80xi32, #tpu.memory_space<vmem>> -> memref<80xi32, #tpu.memory_space<vmem>>
    %dma_start3A_36 = arith.constant 0 : i32
    %dma_start3A_37 = arith.constant 0 : i32
    %dma_start3A_38 = tpu.memref_slice %arg2[%dma_start3A_36, %dma_start3A_37] : memref<10000x128xf32, #tpu.memory_space<hbm>> -> memref<10000x128xf32, #tpu.memory_space<hbm>>
    tpu.enqueue_indirect_dma source(%dma_start3A_38 : memref<10000x128xf32, #tpu.memory_space<hbm>>) target(%dma_start3A_32 : memref<80x128xf32, #tpu.memory_space<vmem>>) offsets(%dma_start3A_35 : memref<80xi32, #tpu.memory_space<vmem>>) semaphore(%arg11 : memref<!tpu.dma_semaphore, #tpu.memory_space<semaphore_mem>>)
    %scan3A_39 = arith.constant 0 : i32
    %scan3A_40 = arith.constant 41 : i32
    %scan3A_41 = arith.addi %scan3A_39, %scan3A_40 : i32
    %scan3A_42 = arith.constant 1 : i32
    scf.for %scan3A_132 = %scan3A_39 to %scan3A_41 step %scan3A_42  : i32 {
      %mul3A_133 = arith.constant 1 : i32
      %mul3A_134 = arith.muli %scan3A_132, %mul3A_133 : i32
      %add3A_135 = arith.constant 0 : i32
      %add3A_136 = arith.addi %add3A_135, %mul3A_134 : i32
      %mul3A_137 = arith.constant 3 : i32
      %mul3A_138 = arith.muli %add3A_136, %mul3A_137 : i32
      %add3A_139 = arith.constant 0 : i32
      %add3A_140 = arith.addi %mul3A_138, %add3A_139 : i32
      %dma_wait3A_141 = arith.constant 0 : i32
      %dma_wait3A_142 = arith.constant 0 : i32
      %dma_wait3A_143 = arith.constant 0 : i32
      %dma_wait3A_144 = tpu.memref_slice %arg8[%dma_wait3A_141, %dma_wait3A_142, %dma_wait3A_143] : memref<3x80x128xf32, #tpu.memory_space<vmem>> -> memref<1x80x128xf32, #tpu.memory_space<vmem>>
      %dma_wait3A_145 = tpu.memref_squeeze %dma_wait3A_144 : memref<1x80x128xf32, #tpu.memory_space<vmem>> -> memref<80x128xf32, #tpu.memory_space<vmem>>
      %dma_wait3A_146 = arith.constant 0 : i32
      %dma_wait3A_147 = tpu.memref_slice %arg6[%add3A_140, %dma_wait3A_146] : memref<125x80xi32, #tpu.memory_space<vmem>> -> memref<1x80xi32, #tpu.memory_space<vmem>>
      %dma_wait3A_148 = tpu.memref_squeeze %dma_wait3A_147 : memref<1x80xi32, #tpu.memory_space<vmem>> -> memref<80xi32, #tpu.memory_space<vmem>>
      %dma_wait3A_149 = arith.constant 0 : i32
      %dma_wait3A_150 = arith.constant 0 : i32
      %dma_wait3A_151 = tpu.memref_slice %arg2[%dma_wait3A_149, %dma_wait3A_150] : memref<10000x128xf32, #tpu.memory_space<hbm>> -> memref<10000x128xf32, #tpu.memory_space<hbm>>
      tpu.wait_indirect_dma semaphore(%arg10 : memref<!tpu.dma_semaphore, #tpu.memory_space<semaphore_mem>>) src(%dma_wait3A_151 : memref<10000x128xf32, #tpu.memory_space<hbm>>) dst(%dma_wait3A_145 : memref<80x128xf32, #tpu.memory_space<vmem>>)
      %dma_start3A_152 = arith.constant 0 : i32
      %dma_start3A_153 = arith.constant 0 : i32
      %dma_start3A_154 = arith.constant 0 : i32
      %dma_start3A_155 = tpu.memref_slice %arg8[%dma_start3A_152, %dma_start3A_153, %dma_start3A_154] : memref<3x80x128xf32, #tpu.memory_space<vmem>> -> memref<1x80x128xf32, #tpu.memory_space<vmem>>
      %dma_start3A_156 = tpu.memref_squeeze %dma_start3A_155 : memref<1x80x128xf32, #tpu.memory_space<vmem>> -> memref<80x128xf32, #tpu.memory_space<vmem>>
      %dma_start3A_157 = arith.constant 0 : i32
      %dma_start3A_158 = tpu.memref_slice %arg7[%add3A_140, %dma_start3A_157] : memref<125x80xi32, #tpu.memory_space<vmem>> -> memref<1x80xi32, #tpu.memory_space<vmem>>
      %dma_start3A_159 = tpu.memref_squeeze %dma_start3A_158 : memref<1x80xi32, #tpu.memory_space<vmem>> -> memref<80xi32, #tpu.memory_space<vmem>>
      %dma_start3A_160 = arith.constant 0 : i32
      %dma_start3A_161 = arith.constant 0 : i32
      %dma_start3A_162 = tpu.memref_slice %arg9[%dma_start3A_160, %dma_start3A_161] : memref<10000x128xf32, #tpu.memory_space<vmem_shared>> -> memref<10000x128xf32, #tpu.memory_space<vmem_shared>>
      tpu.enqueue_indirect_dma source(%dma_start3A_156 : memref<80x128xf32, #tpu.memory_space<vmem>>) target(%dma_start3A_162 : memref<10000x128xf32, #tpu.memory_space<vmem_shared>>) offsets(%dma_start3A_159 : memref<80xi32, #tpu.memory_space<vmem>>) semaphore(%arg13 : memref<!tpu.dma_semaphore, #tpu.memory_space<semaphore_mem>>) {add = true}
      %add3A_163 = arith.constant 2 : i32
      %add3A_164 = arith.addi %add3A_140, %add3A_163 : i32
      %lt3A = arith.constant 125 : i32
      %lt3A_165 = arith.cmpi slt, %add3A_164, %lt3A : i32
      %convert_element_type3A = arith.extui %lt3A_165 : i1 to i32
      %cond3A = arith.constant 0 : i32
      %cond3A_166 = arith.cmpi ne, %convert_element_type3A, %cond3A : i32
      scf.if %cond3A_166 {
        %ge3A = arith.constant 3 : i32
        %ge3A_233 = arith.cmpi sge, %add3A_164, %ge3A : i32
        %convert_element_type3A_234 = arith.extui %ge3A_233 : i1 to i32
        %cond3A_235 = arith.constant 0 : i32
        %cond3A_236 = arith.cmpi ne, %convert_element_type3A_234, %cond3A_235 : i32
        scf.if %cond3A_236 {
          %sub3A = arith.constant 3 : i32
          %sub3A_248 = arith.subi %add3A_164, %sub3A : i32
          %dma_wait3A_249 = arith.constant 2 : i32
          %dma_wait3A_250 = arith.constant 0 : i32
          %dma_wait3A_251 = arith.constant 0 : i32
          %dma_wait3A_252 = tpu.memref_slice %arg8[%dma_wait3A_249, %dma_wait3A_250, %dma_wait3A_251] : memref<3x80x128xf32, #tpu.memory_space<vmem>> -> memref<1x80x128xf32, #tpu.memory_space<vmem>>
          %dma_wait3A_253 = tpu.memref_squeeze %dma_wait3A_252 : memref<1x80x128xf32, #tpu.memory_space<vmem>> -> memref<80x128xf32, #tpu.memory_space<vmem>>
          %dma_wait3A_254 = arith.constant 0 : i32
          %dma_wait3A_255 = tpu.memref_slice %arg7[%sub3A_248, %dma_wait3A_254] : memref<125x80xi32, #tpu.memory_space<vmem>> -> memref<1x80xi32, #tpu.memory_space<vmem>>
          %dma_wait3A_256 = tpu.memref_squeeze %dma_wait3A_255 : memref<1x80xi32, #tpu.memory_space<vmem>> -> memref<80xi32, #tpu.memory_space<vmem>>
          %dma_wait3A_257 = arith.constant 0 : i32
          %dma_wait3A_258 = arith.constant 0 : i32
          %dma_wait3A_259 = tpu.memref_slice %arg9[%dma_wait3A_257, %dma_wait3A_258] : memref<10000x128xf32, #tpu.memory_space<vmem_shared>> -> memref<10000x128xf32, #tpu.memory_space<vmem_shared>>
          tpu.wait_indirect_dma semaphore(%arg15 : memref<!tpu.dma_semaphore, #tpu.memory_space<semaphore_mem>>) src(%dma_wait3A_253 : memref<80x128xf32, #tpu.memory_space<vmem>>) dst(%dma_wait3A_259 : memref<10000x128xf32, #tpu.memory_space<vmem_shared>>)
        } else {
        }
        %dma_start3A_237 = arith.constant 2 : i32
        %dma_start3A_238 = arith.constant 0 : i32
        %dma_start3A_239 = arith.constant 0 : i32
        %dma_start3A_240 = tpu.memref_slice %arg8[%dma_start3A_237, %dma_start3A_238, %dma_start3A_239] : memref<3x80x128xf32, #tpu.memory_space<vmem>> -> memref<1x80x128xf32, #tpu.memory_space<vmem>>
        %dma_start3A_241 = tpu.memref_squeeze %dma_start3A_240 : memref<1x80x128xf32, #tpu.memory_space<vmem>> -> memref<80x128xf32, #tpu.memory_space<vmem>>
        %dma_start3A_242 = arith.constant 0 : i32
        %dma_start3A_243 = tpu.memref_slice %arg6[%add3A_164, %dma_start3A_242] : memref<125x80xi32, #tpu.memory_space<vmem>> -> memref<1x80xi32, #tpu.memory_space<vmem>>
        %dma_start3A_244 = tpu.memref_squeeze %dma_start3A_243 : memref<1x80xi32, #tpu.memory_space<vmem>> -> memref<80xi32, #tpu.memory_space<vmem>>
        %dma_start3A_245 = arith.constant 0 : i32
        %dma_start3A_246 = arith.constant 0 : i32
        %dma_start3A_247 = tpu.memref_slice %arg2[%dma_start3A_245, %dma_start3A_246] : memref<10000x128xf32, #tpu.memory_space<hbm>> -> memref<10000x128xf32, #tpu.memory_space<hbm>>
        tpu.enqueue_indirect_dma source(%dma_start3A_247 : memref<10000x128xf32, #tpu.memory_space<hbm>>) target(%dma_start3A_241 : memref<80x128xf32, #tpu.memory_space<vmem>>) offsets(%dma_start3A_244 : memref<80xi32, #tpu.memory_space<vmem>>) semaphore(%arg12 : memref<!tpu.dma_semaphore, #tpu.memory_space<semaphore_mem>>)
      } else {
      }
      %mul3A_167 = arith.constant 3 : i32
      %mul3A_168 = arith.muli %add3A_136, %mul3A_167 : i32
      %add3A_169 = arith.constant 1 : i32
      %add3A_170 = arith.addi %mul3A_168, %add3A_169 : i32
      %dma_wait3A_171 = arith.constant 1 : i32
      %dma_wait3A_172 = arith.constant 0 : i32
      %dma_wait3A_173 = arith.constant 0 : i32
      %dma_wait3A_174 = tpu.memref_slice %arg8[%dma_wait3A_171, %dma_wait3A_172, %dma_wait3A_173] : memref<3x80x128xf32, #tpu.memory_space<vmem>> -> memref<1x80x128xf32, #tpu.memory_space<vmem>>
      %dma_wait3A_175 = tpu.memref_squeeze %dma_wait3A_174 : memref<1x80x128xf32, #tpu.memory_space<vmem>> -> memref<80x128xf32, #tpu.memory_space<vmem>>
      %dma_wait3A_176 = arith.constant 0 : i32
      %dma_wait3A_177 = tpu.memref_slice %arg6[%add3A_170, %dma_wait3A_176] : memref<125x80xi32, #tpu.memory_space<vmem>> -> memref<1x80xi32, #tpu.memory_space<vmem>>
      %dma_wait3A_178 = tpu.memref_squeeze %dma_wait3A_177 : memref<1x80xi32, #tpu.memory_space<vmem>> -> memref<80xi32, #tpu.memory_space<vmem>>
      %dma_wait3A_179 = arith.constant 0 : i32
      %dma_wait3A_180 = arith.constant 0 : i32
      %dma_wait3A_181 = tpu.memref_slice %arg2[%dma_wait3A_179, %dma_wait3A_180] : memref<10000x128xf32, #tpu.memory_space<hbm>> -> memref<10000x128xf32, #tpu.memory_space<hbm>>
      tpu.wait_indirect_dma semaphore(%arg11 : memref<!tpu.dma_semaphore, #tpu.memory_space<semaphore_mem>>) src(%dma_wait3A_181 : memref<10000x128xf32, #tpu.memory_space<hbm>>) dst(%dma_wait3A_175 : memref<80x128xf32, #tpu.memory_space<vmem>>)
      %dma_start3A_182 = arith.constant 1 : i32
      %dma_start3A_183 = arith.constant 0 : i32
      %dma_start3A_184 = arith.constant 0 : i32
      %dma_start3A_185 = tpu.memref_slice %arg8[%dma_start3A_182, %dma_start3A_183, %dma_start3A_184] : memref<3x80x128xf32, #tpu.memory_space<vmem>> -> memref<1x80x128xf32, #tpu.memory_space<vmem>>
      %dma_start3A_186 = tpu.memref_squeeze %dma_start3A_185 : memref<1x80x128xf32, #tpu.memory_space<vmem>> -> memref<80x128xf32, #tpu.memory_space<vmem>>
      %dma_start3A_187 = arith.constant 0 : i32
      %dma_start3A_188 = tpu.memref_slice %arg7[%add3A_170, %dma_start3A_187] : memref<125x80xi32, #tpu.memory_space<vmem>> -> memref<1x80xi32, #tpu.memory_space<vmem>>
      %dma_start3A_189 = tpu.memref_squeeze %dma_start3A_188 : memref<1x80xi32, #tpu.memory_space<vmem>> -> memref<80xi32, #tpu.memory_space<vmem>>
      %dma_start3A_190 = arith.constant 0 : i32
      %dma_start3A_191 = arith.constant 0 : i32
      %dma_start3A_192 = tpu.memref_slice %arg9[%dma_start3A_190, %dma_start3A_191] : memref<10000x128xf32, #tpu.memory_space<vmem_shared>> -> memref<10000x128xf32, #tpu.memory_space<vmem_shared>>
      tpu.enqueue_indirect_dma source(%dma_start3A_186 : memref<80x128xf32, #tpu.memory_space<vmem>>) target(%dma_start3A_192 : memref<10000x128xf32, #tpu.memory_space<vmem_shared>>) offsets(%dma_start3A_189 : memref<80xi32, #tpu.memory_space<vmem>>) semaphore(%arg14 : memref<!tpu.dma_semaphore, #tpu.memory_space<semaphore_mem>>) {add = true}
      %add3A_193 = arith.constant 2 : i32
      %add3A_194 = arith.addi %add3A_170, %add3A_193 : i32
      %lt3A_195 = arith.constant 125 : i32
      %lt3A_196 = arith.cmpi slt, %add3A_194, %lt3A_195 : i32
      %convert_element_type3A_197 = arith.extui %lt3A_196 : i1 to i32
      %cond3A_198 = arith.constant 0 : i32
      %cond3A_199 = arith.cmpi ne, %convert_element_type3A_197, %cond3A_198 : i32
      scf.if %cond3A_199 {
        %ge3A = arith.constant 3 : i32
        %ge3A_233 = arith.cmpi sge, %add3A_194, %ge3A : i32
        %convert_element_type3A_234 = arith.extui %ge3A_233 : i1 to i32
        %cond3A_235 = arith.constant 0 : i32
        %cond3A_236 = arith.cmpi ne, %convert_element_type3A_234, %cond3A_235 : i32
        scf.if %cond3A_236 {
          %sub3A = arith.constant 3 : i32
          %sub3A_248 = arith.subi %add3A_194, %sub3A : i32
          %dma_wait3A_249 = arith.constant 0 : i32
          %dma_wait3A_250 = arith.constant 0 : i32
          %dma_wait3A_251 = arith.constant 0 : i32
          %dma_wait3A_252 = tpu.memref_slice %arg8[%dma_wait3A_249, %dma_wait3A_250, %dma_wait3A_251] : memref<3x80x128xf32, #tpu.memory_space<vmem>> -> memref<1x80x128xf32, #tpu.memory_space<vmem>>
          %dma_wait3A_253 = tpu.memref_squeeze %dma_wait3A_252 : memref<1x80x128xf32, #tpu.memory_space<vmem>> -> memref<80x128xf32, #tpu.memory_space<vmem>>
          %dma_wait3A_254 = arith.constant 0 : i32
          %dma_wait3A_255 = tpu.memref_slice %arg7[%sub3A_248, %dma_wait3A_254] : memref<125x80xi32, #tpu.memory_space<vmem>> -> memref<1x80xi32, #tpu.memory_space<vmem>>
          %dma_wait3A_256 = tpu.memref_squeeze %dma_wait3A_255 : memref<1x80xi32, #tpu.memory_space<vmem>> -> memref<80xi32, #tpu.memory_space<vmem>>
          %dma_wait3A_257 = arith.constant 0 : i32
          %dma_wait3A_258 = arith.constant 0 : i32
          %dma_wait3A_259 = tpu.memref_slice %arg9[%dma_wait3A_257, %dma_wait3A_258] : memref<10000x128xf32, #tpu.memory_space<vmem_shared>> -> memref<10000x128xf32, #tpu.memory_space<vmem_shared>>
          tpu.wait_indirect_dma semaphore(%arg13 : memref<!tpu.dma_semaphore, #tpu.memory_space<semaphore_mem>>) src(%dma_wait3A_253 : memref<80x128xf32, #tpu.memory_space<vmem>>) dst(%dma_wait3A_259 : memref<10000x128xf32, #tpu.memory_space<vmem_shared>>)
        } else {
        }
        %dma_start3A_237 = arith.constant 0 : i32
        %dma_start3A_238 = arith.constant 0 : i32
        %dma_start3A_239 = arith.constant 0 : i32
        %dma_start3A_240 = tpu.memref_slice %arg8[%dma_start3A_237, %dma_start3A_238, %dma_start3A_239] : memref<3x80x128xf32, #tpu.memory_space<vmem>> -> memref<1x80x128xf32, #tpu.memory_space<vmem>>
        %dma_start3A_241 = tpu.memref_squeeze %dma_start3A_240 : memref<1x80x128xf32, #tpu.memory_space<vmem>> -> memref<80x128xf32, #tpu.memory_space<vmem>>
        %dma_start3A_242 = arith.constant 0 : i32
        %dma_start3A_243 = tpu.memref_slice %arg6[%add3A_194, %dma_start3A_242] : memref<125x80xi32, #tpu.memory_space<vmem>> -> memref<1x80xi32, #tpu.memory_space<vmem>>
        %dma_start3A_244 = tpu.memref_squeeze %dma_start3A_243 : memref<1x80xi32, #tpu.memory_space<vmem>> -> memref<80xi32, #tpu.memory_space<vmem>>
        %dma_start3A_245 = arith.constant 0 : i32
        %dma_start3A_246 = arith.constant 0 : i32
        %dma_start3A_247 = tpu.memref_slice %arg2[%dma_start3A_245, %dma_start3A_246] : memref<10000x128xf32, #tpu.memory_space<hbm>> -> memref<10000x128xf32, #tpu.memory_space<hbm>>
        tpu.enqueue_indirect_dma source(%dma_start3A_247 : memref<10000x128xf32, #tpu.memory_space<hbm>>) target(%dma_start3A_241 : memref<80x128xf32, #tpu.memory_space<vmem>>) offsets(%dma_start3A_244 : memref<80xi32, #tpu.memory_space<vmem>>) semaphore(%arg10 : memref<!tpu.dma_semaphore, #tpu.memory_space<semaphore_mem>>)
      } else {
      }
      %mul3A_200 = arith.constant 3 : i32
      %mul3A_201 = arith.muli %add3A_136, %mul3A_200 : i32
      %add3A_202 = arith.constant 2 : i32
      %add3A_203 = arith.addi %mul3A_201, %add3A_202 : i32
      %dma_wait3A_204 = arith.constant 2 : i32
      %dma_wait3A_205 = arith.constant 0 : i32
      %dma_wait3A_206 = arith.constant 0 : i32
      %dma_wait3A_207 = tpu.memref_slice %arg8[%dma_wait3A_204, %dma_wait3A_205, %dma_wait3A_206] : memref<3x80x128xf32, #tpu.memory_space<vmem>> -> memref<1x80x128xf32, #tpu.memory_space<vmem>>
      %dma_wait3A_208 = tpu.memref_squeeze %dma_wait3A_207 : memref<1x80x128xf32, #tpu.memory_space<vmem>> -> memref<80x128xf32, #tpu.memory_space<vmem>>
      %dma_wait3A_209 = arith.constant 0 : i32
      %dma_wait3A_210 = tpu.memref_slice %arg6[%add3A_203, %dma_wait3A_209] : memref<125x80xi32, #tpu.memory_space<vmem>> -> memref<1x80xi32, #tpu.memory_space<vmem>>
      %dma_wait3A_211 = tpu.memref_squeeze %dma_wait3A_210 : memref<1x80xi32, #tpu.memory_space<vmem>> -> memref<80xi32, #tpu.memory_space<vmem>>
      %dma_wait3A_212 = arith.constant 0 : i32
      %dma_wait3A_213 = arith.constant 0 : i32
      %dma_wait3A_214 = tpu.memref_slice %arg2[%dma_wait3A_212, %dma_wait3A_213] : memref<10000x128xf32, #tpu.memory_space<hbm>> -> memref<10000x128xf32, #tpu.memory_space<hbm>>
      tpu.wait_indirect_dma semaphore(%arg12 : memref<!tpu.dma_semaphore, #tpu.memory_space<semaphore_mem>>) src(%dma_wait3A_214 : memref<10000x128xf32, #tpu.memory_space<hbm>>) dst(%dma_wait3A_208 : memref<80x128xf32, #tpu.memory_space<vmem>>)
      %dma_start3A_215 = arith.constant 2 : i32
      %dma_start3A_216 = arith.constant 0 : i32
      %dma_start3A_217 = arith.constant 0 : i32
      %dma_start3A_218 = tpu.memref_slice %arg8[%dma_start3A_215, %dma_start3A_216, %dma_start3A_217] : memref<3x80x128xf32, #tpu.memory_space<vmem>> -> memref<1x80x128xf32, #tpu.memory_space<vmem>>
      %dma_start3A_219 = tpu.memref_squeeze %dma_start3A_218 : memref<1x80x128xf32, #tpu.memory_space<vmem>> -> memref<80x128xf32, #tpu.memory_space<vmem>>
      %dma_start3A_220 = arith.constant 0 : i32
      %dma_start3A_221 = tpu.memref_slice %arg7[%add3A_203, %dma_start3A_220] : memref<125x80xi32, #tpu.memory_space<vmem>> -> memref<1x80xi32, #tpu.memory_space<vmem>>
      %dma_start3A_222 = tpu.memref_squeeze %dma_start3A_221 : memref<1x80xi32, #tpu.memory_space<vmem>> -> memref<80xi32, #tpu.memory_space<vmem>>
      %dma_start3A_223 = arith.constant 0 : i32
      %dma_start3A_224 = arith.constant 0 : i32
      %dma_start3A_225 = tpu.memref_slice %arg9[%dma_start3A_223, %dma_start3A_224] : memref<10000x128xf32, #tpu.memory_space<vmem_shared>> -> memref<10000x128xf32, #tpu.memory_space<vmem_shared>>
      tpu.enqueue_indirect_dma source(%dma_start3A_219 : memref<80x128xf32, #tpu.memory_space<vmem>>) target(%dma_start3A_225 : memref<10000x128xf32, #tpu.memory_space<vmem_shared>>) offsets(%dma_start3A_222 : memref<80xi32, #tpu.memory_space<vmem>>) semaphore(%arg15 : memref<!tpu.dma_semaphore, #tpu.memory_space<semaphore_mem>>) {add = true}
      %add3A_226 = arith.constant 2 : i32
      %add3A_227 = arith.addi %add3A_203, %add3A_226 : i32
      %lt3A_228 = arith.constant 125 : i32
      %lt3A_229 = arith.cmpi slt, %add3A_227, %lt3A_228 : i32
      %convert_element_type3A_230 = arith.extui %lt3A_229 : i1 to i32
      %cond3A_231 = arith.constant 0 : i32
      %cond3A_232 = arith.cmpi ne, %convert_element_type3A_230, %cond3A_231 : i32
      scf.if %cond3A_232 {
        %ge3A = arith.constant 3 : i32
        %ge3A_233 = arith.cmpi sge, %add3A_227, %ge3A : i32
        %convert_element_type3A_234 = arith.extui %ge3A_233 : i1 to i32
        %cond3A_235 = arith.constant 0 : i32
        %cond3A_236 = arith.cmpi ne, %convert_element_type3A_234, %cond3A_235 : i32
        scf.if %cond3A_236 {
          %sub3A = arith.constant 3 : i32
          %sub3A_248 = arith.subi %add3A_227, %sub3A : i32
          %dma_wait3A_249 = arith.constant 1 : i32
          %dma_wait3A_250 = arith.constant 0 : i32
          %dma_wait3A_251 = arith.constant 0 : i32
          %dma_wait3A_252 = tpu.memref_slice %arg8[%dma_wait3A_249, %dma_wait3A_250, %dma_wait3A_251] : memref<3x80x128xf32, #tpu.memory_space<vmem>> -> memref<1x80x128xf32, #tpu.memory_space<vmem>>
          %dma_wait3A_253 = tpu.memref_squeeze %dma_wait3A_252 : memref<1x80x128xf32, #tpu.memory_space<vmem>> -> memref<80x128xf32, #tpu.memory_space<vmem>>
          %dma_wait3A_254 = arith.constant 0 : i32
          %dma_wait3A_255 = tpu.memref_slice %arg7[%sub3A_248, %dma_wait3A_254] : memref<125x80xi32, #tpu.memory_space<vmem>> -> memref<1x80xi32, #tpu.memory_space<vmem>>
          %dma_wait3A_256 = tpu.memref_squeeze %dma_wait3A_255 : memref<1x80xi32, #tpu.memory_space<vmem>> -> memref<80xi32, #tpu.memory_space<vmem>>
          %dma_wait3A_257 = arith.constant 0 : i32
          %dma_wait3A_258 = arith.constant 0 : i32
          %dma_wait3A_259 = tpu.memref_slice %arg9[%dma_wait3A_257, %dma_wait3A_258] : memref<10000x128xf32, #tpu.memory_space<vmem_shared>> -> memref<10000x128xf32, #tpu.memory_space<vmem_shared>>
          tpu.wait_indirect_dma semaphore(%arg14 : memref<!tpu.dma_semaphore, #tpu.memory_space<semaphore_mem>>) src(%dma_wait3A_253 : memref<80x128xf32, #tpu.memory_space<vmem>>) dst(%dma_wait3A_259 : memref<10000x128xf32, #tpu.memory_space<vmem_shared>>)
        } else {
        }
        %dma_start3A_237 = arith.constant 1 : i32
        %dma_start3A_238 = arith.constant 0 : i32
        %dma_start3A_239 = arith.constant 0 : i32
        %dma_start3A_240 = tpu.memref_slice %arg8[%dma_start3A_237, %dma_start3A_238, %dma_start3A_239] : memref<3x80x128xf32, #tpu.memory_space<vmem>> -> memref<1x80x128xf32, #tpu.memory_space<vmem>>
        %dma_start3A_241 = tpu.memref_squeeze %dma_start3A_240 : memref<1x80x128xf32, #tpu.memory_space<vmem>> -> memref<80x128xf32, #tpu.memory_space<vmem>>
        %dma_start3A_242 = arith.constant 0 : i32
        %dma_start3A_243 = tpu.memref_slice %arg6[%add3A_227, %dma_start3A_242] : memref<125x80xi32, #tpu.memory_space<vmem>> -> memref<1x80xi32, #tpu.memory_space<vmem>>
        %dma_start3A_244 = tpu.memref_squeeze %dma_start3A_243 : memref<1x80xi32, #tpu.memory_space<vmem>> -> memref<80xi32, #tpu.memory_space<vmem>>
        %dma_start3A_245 = arith.constant 0 : i32
        %dma_start3A_246 = arith.constant 0 : i32
        %dma_start3A_247 = tpu.memref_slice %arg2[%dma_start3A_245, %dma_start3A_246] : memref<10000x128xf32, #tpu.memory_space<hbm>> -> memref<10000x128xf32, #tpu.memory_space<hbm>>
        tpu.enqueue_indirect_dma source(%dma_start3A_247 : memref<10000x128xf32, #tpu.memory_space<hbm>>) target(%dma_start3A_241 : memref<80x128xf32, #tpu.memory_space<vmem>>) offsets(%dma_start3A_244 : memref<80xi32, #tpu.memory_space<vmem>>) semaphore(%arg11 : memref<!tpu.dma_semaphore, #tpu.memory_space<semaphore_mem>>)
      } else {
      }
    }
    %scan3A_43 = arith.constant 41 : i32
    %dma_wait3A = arith.constant 123 : i32
    %dma_wait3A_44 = arith.constant 0 : i32
    %dma_wait3A_45 = arith.constant 0 : i32
    %dma_wait3A_46 = arith.constant 0 : i32
    %dma_wait3A_47 = tpu.memref_slice %arg8[%dma_wait3A_44, %dma_wait3A_45, %dma_wait3A_46] : memref<3x80x128xf32, #tpu.memory_space<vmem>> -> memref<1x80x128xf32, #tpu.memory_space<vmem>>
    %dma_wait3A_48 = tpu.memref_squeeze %dma_wait3A_47 : memref<1x80x128xf32, #tpu.memory_space<vmem>> -> memref<80x128xf32, #tpu.memory_space<vmem>>
    %dma_wait3A_49 = arith.constant 0 : i32
    %dma_wait3A_50 = tpu.memref_slice %arg6[%dma_wait3A, %dma_wait3A_49] : memref<125x80xi32, #tpu.memory_space<vmem>> -> memref<1x80xi32, #tpu.memory_space<vmem>>
    %dma_wait3A_51 = tpu.memref_squeeze %dma_wait3A_50 : memref<1x80xi32, #tpu.memory_space<vmem>> -> memref<80xi32, #tpu.memory_space<vmem>>
    %dma_wait3A_52 = arith.constant 0 : i32
    %dma_wait3A_53 = arith.constant 0 : i32
    %dma_wait3A_54 = tpu.memref_slice %arg2[%dma_wait3A_52, %dma_wait3A_53] : memref<10000x128xf32, #tpu.memory_space<hbm>> -> memref<10000x128xf32, #tpu.memory_space<hbm>>
    tpu.wait_indirect_dma semaphore(%arg10 : memref<!tpu.dma_semaphore, #tpu.memory_space<semaphore_mem>>) src(%dma_wait3A_54 : memref<10000x128xf32, #tpu.memory_space<hbm>>) dst(%dma_wait3A_48 : memref<80x128xf32, #tpu.memory_space<vmem>>)
    %dma_start3A_55 = arith.constant 0 : i32
    %dma_start3A_56 = arith.constant 123 : i32
    %dma_start3A_57 = arith.constant 0 : i32
    %dma_start3A_58 = arith.constant 0 : i32
    %dma_start3A_59 = tpu.memref_slice %arg8[%dma_start3A_55, %dma_start3A_57, %dma_start3A_58] : memref<3x80x128xf32, #tpu.memory_space<vmem>> -> memref<1x80x128xf32, #tpu.memory_space<vmem>>
    %dma_start3A_60 = tpu.memref_squeeze %dma_start3A_59 : memref<1x80x128xf32, #tpu.memory_space<vmem>> -> memref<80x128xf32, #tpu.memory_space<vmem>>
    %dma_start3A_61 = arith.constant 0 : i32
    %dma_start3A_62 = tpu.memref_slice %arg7[%dma_start3A_56, %dma_start3A_61] : memref<125x80xi32, #tpu.memory_space<vmem>> -> memref<1x80xi32, #tpu.memory_space<vmem>>
    %dma_start3A_63 = tpu.memref_squeeze %dma_start3A_62 : memref<1x80xi32, #tpu.memory_space<vmem>> -> memref<80xi32, #tpu.memory_space<vmem>>
    %dma_start3A_64 = arith.constant 0 : i32
    %dma_start3A_65 = arith.constant 0 : i32
    %dma_start3A_66 = tpu.memref_slice %arg9[%dma_start3A_64, %dma_start3A_65] : memref<10000x128xf32, #tpu.memory_space<vmem_shared>> -> memref<10000x128xf32, #tpu.memory_space<vmem_shared>>
    tpu.enqueue_indirect_dma source(%dma_start3A_60 : memref<80x128xf32, #tpu.memory_space<vmem>>) target(%dma_start3A_66 : memref<10000x128xf32, #tpu.memory_space<vmem_shared>>) offsets(%dma_start3A_63 : memref<80xi32, #tpu.memory_space<vmem>>) semaphore(%arg13 : memref<!tpu.dma_semaphore, #tpu.memory_space<semaphore_mem>>) {add = true}
    %dma_wait3A_67 = arith.constant 124 : i32
    %dma_wait3A_68 = arith.constant 1 : i32
    %dma_wait3A_69 = arith.constant 0 : i32
    %dma_wait3A_70 = arith.constant 0 : i32
    %dma_wait3A_71 = tpu.memref_slice %arg8[%dma_wait3A_68, %dma_wait3A_69, %dma_wait3A_70] : memref<3x80x128xf32, #tpu.memory_space<vmem>> -> memref<1x80x128xf32, #tpu.memory_space<vmem>>
    %dma_wait3A_72 = tpu.memref_squeeze %dma_wait3A_71 : memref<1x80x128xf32, #tpu.memory_space<vmem>> -> memref<80x128xf32, #tpu.memory_space<vmem>>
    %dma_wait3A_73 = arith.constant 0 : i32
    %dma_wait3A_74 = tpu.memref_slice %arg6[%dma_wait3A_67, %dma_wait3A_73] : memref<125x80xi32, #tpu.memory_space<vmem>> -> memref<1x80xi32, #tpu.memory_space<vmem>>
    %dma_wait3A_75 = tpu.memref_squeeze %dma_wait3A_74 : memref<1x80xi32, #tpu.memory_space<vmem>> -> memref<80xi32, #tpu.memory_space<vmem>>
    %dma_wait3A_76 = arith.constant 0 : i32
    %dma_wait3A_77 = arith.constant 0 : i32
    %dma_wait3A_78 = tpu.memref_slice %arg2[%dma_wait3A_76, %dma_wait3A_77] : memref<10000x128xf32, #tpu.memory_space<hbm>> -> memref<10000x128xf32, #tpu.memory_space<hbm>>
    tpu.wait_indirect_dma semaphore(%arg11 : memref<!tpu.dma_semaphore, #tpu.memory_space<semaphore_mem>>) src(%dma_wait3A_78 : memref<10000x128xf32, #tpu.memory_space<hbm>>) dst(%dma_wait3A_72 : memref<80x128xf32, #tpu.memory_space<vmem>>)
    %dma_start3A_79 = arith.constant 1 : i32
    %dma_start3A_80 = arith.constant 124 : i32
    %dma_start3A_81 = arith.constant 0 : i32
    %dma_start3A_82 = arith.constant 0 : i32
    %dma_start3A_83 = tpu.memref_slice %arg8[%dma_start3A_79, %dma_start3A_81, %dma_start3A_82] : memref<3x80x128xf32, #tpu.memory_space<vmem>> -> memref<1x80x128xf32, #tpu.memory_space<vmem>>
    %dma_start3A_84 = tpu.memref_squeeze %dma_start3A_83 : memref<1x80x128xf32, #tpu.memory_space<vmem>> -> memref<80x128xf32, #tpu.memory_space<vmem>>
    %dma_start3A_85 = arith.constant 0 : i32
    %dma_start3A_86 = tpu.memref_slice %arg7[%dma_start3A_80, %dma_start3A_85] : memref<125x80xi32, #tpu.memory_space<vmem>> -> memref<1x80xi32, #tpu.memory_space<vmem>>
    %dma_start3A_87 = tpu.memref_squeeze %dma_start3A_86 : memref<1x80xi32, #tpu.memory_space<vmem>> -> memref<80xi32, #tpu.memory_space<vmem>>
    %dma_start3A_88 = arith.constant 0 : i32
    %dma_start3A_89 = arith.constant 0 : i32
    %dma_start3A_90 = tpu.memref_slice %arg9[%dma_start3A_88, %dma_start3A_89] : memref<10000x128xf32, #tpu.memory_space<vmem_shared>> -> memref<10000x128xf32, #tpu.memory_space<vmem_shared>>
    tpu.enqueue_indirect_dma source(%dma_start3A_84 : memref<80x128xf32, #tpu.memory_space<vmem>>) target(%dma_start3A_90 : memref<10000x128xf32, #tpu.memory_space<vmem_shared>>) offsets(%dma_start3A_87 : memref<80xi32, #tpu.memory_space<vmem>>) semaphore(%arg14 : memref<!tpu.dma_semaphore, #tpu.memory_space<semaphore_mem>>) {add = true}
    %dma_wait3A_91 = arith.constant 2 : i32
    %dma_wait3A_92 = arith.constant 122 : i32
    %dma_wait3A_93 = arith.constant 0 : i32
    %dma_wait3A_94 = arith.constant 0 : i32
    %dma_wait3A_95 = tpu.memref_slice %arg8[%dma_wait3A_91, %dma_wait3A_93, %dma_wait3A_94] : memref<3x80x128xf32, #tpu.memory_space<vmem>> -> memref<1x80x128xf32, #tpu.memory_space<vmem>>
    %dma_wait3A_96 = tpu.memref_squeeze %dma_wait3A_95 : memref<1x80x128xf32, #tpu.memory_space<vmem>> -> memref<80x128xf32, #tpu.memory_space<vmem>>
    %dma_wait3A_97 = arith.constant 0 : i32
    %dma_wait3A_98 = tpu.memref_slice %arg7[%dma_wait3A_92, %dma_wait3A_97] : memref<125x80xi32, #tpu.memory_space<vmem>> -> memref<1x80xi32, #tpu.memory_space<vmem>>
    %dma_wait3A_99 = tpu.memref_squeeze %dma_wait3A_98 : memref<1x80xi32, #tpu.memory_space<vmem>> -> memref<80xi32, #tpu.memory_space<vmem>>
    %dma_wait3A_100 = arith.constant 0 : i32
    %dma_wait3A_101 = arith.constant 0 : i32
    %dma_wait3A_102 = tpu.memref_slice %arg9[%dma_wait3A_100, %dma_wait3A_101] : memref<10000x128xf32, #tpu.memory_space<vmem_shared>> -> memref<10000x128xf32, #tpu.memory_space<vmem_shared>>
    tpu.wait_indirect_dma semaphore(%arg15 : memref<!tpu.dma_semaphore, #tpu.memory_space<semaphore_mem>>) src(%dma_wait3A_96 : memref<80x128xf32, #tpu.memory_space<vmem>>) dst(%dma_wait3A_102 : memref<10000x128xf32, #tpu.memory_space<vmem_shared>>)
    %dma_wait3A_103 = arith.constant 0 : i32
    %dma_wait3A_104 = arith.constant 123 : i32
    %dma_wait3A_105 = arith.constant 0 : i32
    %dma_wait3A_106 = arith.constant 0 : i32
    %dma_wait3A_107 = tpu.memref_slice %arg8[%dma_wait3A_103, %dma_wait3A_105, %dma_wait3A_106] : memref<3x80x128xf32, #tpu.memory_space<vmem>> -> memref<1x80x128xf32, #tpu.memory_space<vmem>>
    %dma_wait3A_108 = tpu.memref_squeeze %dma_wait3A_107 : memref<1x80x128xf32, #tpu.memory_space<vmem>> -> memref<80x128xf32, #tpu.memory_space<vmem>>
    %dma_wait3A_109 = arith.constant 0 : i32
    %dma_wait3A_110 = tpu.memref_slice %arg7[%dma_wait3A_104, %dma_wait3A_109] : memref<125x80xi32, #tpu.memory_space<vmem>> -> memref<1x80xi32, #tpu.memory_space<vmem>>
    %dma_wait3A_111 = tpu.memref_squeeze %dma_wait3A_110 : memref<1x80xi32, #tpu.memory_space<vmem>> -> memref<80xi32, #tpu.memory_space<vmem>>
    %dma_wait3A_112 = arith.constant 0 : i32
    %dma_wait3A_113 = arith.constant 0 : i32
    %dma_wait3A_114 = tpu.memref_slice %arg9[%dma_wait3A_112, %dma_wait3A_113] : memref<10000x128xf32, #tpu.memory_space<vmem_shared>> -> memref<10000x128xf32, #tpu.memory_space<vmem_shared>>
    tpu.wait_indirect_dma semaphore(%arg13 : memref<!tpu.dma_semaphore, #tpu.memory_space<semaphore_mem>>) src(%dma_wait3A_108 : memref<80x128xf32, #tpu.memory_space<vmem>>) dst(%dma_wait3A_114 : memref<10000x128xf32, #tpu.memory_space<vmem_shared>>)
    %dma_wait3A_115 = arith.constant 1 : i32
    %dma_wait3A_116 = arith.constant 124 : i32
    %dma_wait3A_117 = arith.constant 0 : i32
    %dma_wait3A_118 = arith.constant 0 : i32
    %dma_wait3A_119 = tpu.memref_slice %arg8[%dma_wait3A_115, %dma_wait3A_117, %dma_wait3A_118] : memref<3x80x128xf32, #tpu.memory_space<vmem>> -> memref<1x80x128xf32, #tpu.memory_space<vmem>>
    %dma_wait3A_120 = tpu.memref_squeeze %dma_wait3A_119 : memref<1x80x128xf32, #tpu.memory_space<vmem>> -> memref<80x128xf32, #tpu.memory_space<vmem>>
    %dma_wait3A_121 = arith.constant 0 : i32
    %dma_wait3A_122 = tpu.memref_slice %arg7[%dma_wait3A_116, %dma_wait3A_121] : memref<125x80xi32, #tpu.memory_space<vmem>> -> memref<1x80xi32, #tpu.memory_space<vmem>>
    %dma_wait3A_123 = tpu.memref_squeeze %dma_wait3A_122 : memref<1x80xi32, #tpu.memory_space<vmem>> -> memref<80xi32, #tpu.memory_space<vmem>>
    %dma_wait3A_124 = arith.constant 0 : i32
    %dma_wait3A_125 = arith.constant 0 : i32
    %dma_wait3A_126 = tpu.memref_slice %arg9[%dma_wait3A_124, %dma_wait3A_125] : memref<10000x128xf32, #tpu.memory_space<vmem_shared>> -> memref<10000x128xf32, #tpu.memory_space<vmem_shared>>
    tpu.wait_indirect_dma semaphore(%arg14 : memref<!tpu.dma_semaphore, #tpu.memory_space<semaphore_mem>>) src(%dma_wait3A_120 : memref<80x128xf32, #tpu.memory_space<vmem>>) dst(%dma_wait3A_126 : memref<10000x128xf32, #tpu.memory_space<vmem_shared>>)
    %barrier3A_127 = arith.constant 0 : index
    tpu.barrier barrier_id(%barrier3A_127)
    %mul3A_128 = arith.constant 625 : i32
    %mul3A_129 = arith.muli %arg1, %mul3A_128 : i32
    %mul3A_130 = arith.constant 625 : i32
    %mul3A_131 = arith.muli %arg1, %mul3A_130 : i32
    "tpu.region"() ({
      %run_scoped3A_132 = tpu.sem_alloc : memref<!tpu.dma_semaphore, #tpu.memory_space<semaphore_mem>>
      %dma_start3A_133 = arith.constant 0 : i32
      %dma_start3A_134 = tpu.memref_slice %arg5[%arg0, %mul3A_131, %dma_start3A_133] : memref<2x10000x128xf32, #tpu.memory_space<hbm>> -> memref<1x625x128xf32, #tpu.memory_space<hbm>>
      %dma_start3A_135 = tpu.memref_squeeze %dma_start3A_134 : memref<1x625x128xf32, #tpu.memory_space<hbm>> -> memref<625x128xf32, #tpu.memory_space<hbm>>
      %dma_start3A_136 = arith.constant 0 : i32
      %dma_start3A_137 = tpu.memref_slice %arg9[%mul3A_129, %dma_start3A_136] : memref<10000x128xf32, #tpu.memory_space<vmem_shared>> -> memref<625x128xf32, #tpu.memory_space<vmem_shared>>
      tpu.enqueue_dma source(%dma_start3A_137 : memref<625x128xf32, #tpu.memory_space<vmem_shared>>) target(%dma_start3A_135 : memref<625x128xf32, #tpu.memory_space<hbm>>) target_semaphore(%run_scoped3A_132 : memref<!tpu.dma_semaphore, #tpu.memory_space<semaphore_mem>>)
      %dma_wait3A_138 = arith.constant 0 : i32
      %dma_wait3A_139 = tpu.memref_slice %arg5[%arg0, %mul3A_131, %dma_wait3A_138] : memref<2x10000x128xf32, #tpu.memory_space<hbm>> -> memref<1x625x128xf32, #tpu.memory_space<hbm>>
      %dma_wait3A_140 = tpu.memref_squeeze %dma_wait3A_139 : memref<1x625x128xf32, #tpu.memory_space<hbm>> -> memref<625x128xf32, #tpu.memory_space<hbm>>
      %dma_wait3A_141 = arith.constant 0 : i32
      %dma_wait3A_142 = tpu.memref_slice %arg9[%mul3A_129, %dma_wait3A_141] : memref<10000x128xf32, #tpu.memory_space<vmem_shared>> -> memref<625x128xf32, #tpu.memory_space<vmem_shared>>
      tpu.wait_dma2 semaphore(%run_scoped3A_132 : memref<!tpu.dma_semaphore, #tpu.memory_space<semaphore_mem>>) src(%dma_wait3A_142 : memref<625x128xf32, #tpu.memory_space<vmem_shared>>) dst(%dma_wait3A_140 : memref<625x128xf32, #tpu.memory_space<hbm>>)
      tpu.yield
    }) : () -> ()
    return
  }
}

module attributes {stable_mosaic.version = 14 : i64} {
  func.func @_tc_stage2(%arg0: i32, %arg1: memref<2x2000x128xf32, #tpu.memory_space<vmem>>, %arg2: memref<2000x128xf32, #tpu.memory_space<vmem>>, %arg3: memref<2x2000x16xf32, #tpu.memory_space<vmem>>, %arg4: memref<1x128xf32, #tpu.memory_space<vmem>>, %arg5: memref<128x128xf32, #tpu.memory_space<vmem>>, %arg6: memref<2000x128xf32, #tpu.memory_space<vmem>>) attributes {dimension_semantics = [#tpu.dimension_semantics<arbitrary>], iteration_bounds = array<i64: 5>, scalar_prefetch = 0 : i64, scratch_operands = 0 : i64, tpu.core_type = #tpu.core_type<tc>, window_params = [{transform_indices = @transform_0, window_bounds = array<i64: 2, 2000, 128>}, {transform_indices = @transform_1, window_bounds = array<i64: 2000, 128>}, {transform_indices = @transform_2, window_bounds = array<i64: 2, 2000, 16>}, {pipeline_mode = #tpu.pipeline_mode<synchronous>, transform_indices = @transform_3, window_bounds = array<i64: 1, 128>}, {pipeline_mode = #tpu.pipeline_mode<synchronous>, transform_indices = @transform_4, window_bounds = array<i64: 128, 128>}, {transform_indices = @transform_5, window_bounds = array<i64: 2000, 128>}]} {
    %get3A = arith.constant 0 : index
    %get3A_0 = arith.constant 0 : index
    %get3A_1 = arith.constant 0 : index
    %get3A_2 = vector.load %arg3[%get3A, %get3A_0, %get3A_1] : memref<2x2000x16xf32, #tpu.memory_space<vmem>>, vector<2x2000x16xf32>
    %slice3A = vector.extract_strided_slice %get3A_2 {offsets = [0, 0, 0], sizes = [1, 2000, 16], strides = [1, 1, 1]} : vector<2x2000x16xf32> to vector<1x2000x16xf32>
    %squeeze3A = vector.shape_cast %slice3A : vector<1x2000x16xf32> to vector<2000x16xf32>
    %slice3A_3 = vector.extract_strided_slice %get3A_2 {offsets = [1, 0, 0], sizes = [1, 2000, 16], strides = [1, 1, 1]} : vector<2x2000x16xf32> to vector<1x2000x16xf32>
    %squeeze3A_4 = vector.shape_cast %slice3A_3 : vector<1x2000x16xf32> to vector<2000x16xf32>
    %add3A = arith.addf %squeeze3A, %squeeze3A_4 : vector<2000x16xf32>
    %add3A_5 = arith.constant 1.000000e+00 : f32
    %add3A_6 = vector.broadcast %add3A_5 : f32 to vector<2000x16xf32>
    %add3A_7 = arith.addf %add3A, %add3A_6 : vector<2000x16xf32>
    %rsqrt3A = math.rsqrt %add3A_7 : vector<2000x16xf32>
    %slice3A_8 = vector.extract_strided_slice %rsqrt3A {offsets = [0, 0], sizes = [2000, 1], strides = [1, 1]} : vector<2000x16xf32> to vector<2000x1xf32>
    %get3A_9 = arith.constant 0 : index
    %get3A_10 = arith.constant 0 : index
    %get3A_11 = arith.constant 0 : index
    %get3A_12 = vector.load %arg1[%get3A_9, %get3A_10, %get3A_11] : memref<2x2000x128xf32, #tpu.memory_space<vmem>>, vector<1x2000x128xf32>
    %get3A_13 = vector.shape_cast %get3A_12 : vector<1x2000x128xf32> to vector<2000x128xf32>
    %get3A_14 = arith.constant 1 : index
    %get3A_15 = arith.constant 0 : index
    %get3A_16 = arith.constant 0 : index
    %get3A_17 = vector.load %arg1[%get3A_14, %get3A_15, %get3A_16] : memref<2x2000x128xf32, #tpu.memory_space<vmem>>, vector<1x2000x128xf32>
    %get3A_18 = vector.shape_cast %get3A_17 : vector<1x2000x128xf32> to vector<2000x128xf32>
    %add3A_19 = arith.addf %get3A_13, %get3A_18 : vector<2000x128xf32>
    %get3A_20 = arith.constant 0 : index
    %get3A_21 = arith.constant 0 : index
    %get3A_22 = vector.load %arg2[%get3A_20, %get3A_21] : memref<2000x128xf32, #tpu.memory_space<vmem>>, vector<2000x128xf32>
    %add3A_23 = arith.addf %add3A_19, %get3A_22 : vector<2000x128xf32>
    %mul3A = vector.broadcast %slice3A_8 : vector<2000x1xf32> to vector<2000x128xf32>
    %mul3A_24 = arith.mulf %add3A_23, %mul3A : vector<2000x128xf32>
    %get3A_25 = arith.constant 0 : index
    %get3A_26 = arith.constant 0 : index
    %get3A_27 = vector.load %arg4[%get3A_25, %get3A_26] : memref<1x128xf32, #tpu.memory_space<vmem>>, vector<1x128xf32>
    %add3A_28 = vector.broadcast %get3A_27 : vector<1x128xf32> to vector<2000x128xf32>
    %add3A_29 = arith.addf %mul3A_24, %add3A_28 : vector<2000x128xf32>
    %max3A = arith.constant 0.000000e+00 : f32
    %max3A_30 = vector.broadcast %max3A : f32 to vector<2000x128xf32>
    %max3A_31 = arith.maximumf %add3A_29, %max3A_30 : vector<2000x128xf32>
    %get3A_32 = arith.constant 0 : index
    %get3A_33 = arith.constant 0 : index
    %get3A_34 = vector.load %arg5[%get3A_32, %get3A_33] : memref<128x128xf32, #tpu.memory_space<vmem>>, vector<128x128xf32>
    %dot_general3A = arith.constant dense<0.000000e+00> : vector<2000x128xf32>
    %dot_general3A_35 = tpu.matmul %max3A_31, %get3A_34, %dot_general3A {dimension_numbers = #tpu.dot_dimension_numbers<[1], [0], [0], [1], [0, 0, 1, 1], [], []>, transpose_lhs_hint = false} : vector<2000x128xf32>, vector<128x128xf32>, vector<2000x128xf32> -> vector<2000x128xf32>
    %mul3A_36 = vector.broadcast %slice3A_8 : vector<2000x1xf32> to vector<2000x128xf32>
    %mul3A_37 = arith.mulf %dot_general3A_35, %mul3A_36 : vector<2000x128xf32>
    %swap3A = arith.constant 0 : index
    %swap3A_38 = arith.constant 0 : index
    %swap3A_39 = vector.load %arg6[%swap3A, %swap3A_38] : memref<2000x128xf32, #tpu.memory_space<vmem>>, vector<2000x128xf32>
    tpu.vector_store %arg6[%swap3A, %swap3A_38], %mul3A_37 {strides = array<i32>} : memref<2000x128xf32, #tpu.memory_space<vmem>>, vector<2000x128xf32>,
    return
  }
  func.func @transform_0(%arg0: i32) -> (i32, i32, i32) {
    %c0_i32 = arith.constant 0 : i32
    %c0_i32_0 = arith.constant 0 : i32
    %c0_i32_1 = arith.constant 0 : i32
    return %c0_i32, %arg0, %c0_i32_0 : i32, i32, i32
  }
  func.func @transform_1(%arg0: i32) -> (i32, i32) {
    %c0_i32 = arith.constant 0 : i32
    %c0_i32_0 = arith.constant 0 : i32
    return %arg0, %c0_i32 : i32, i32
  }
  func.func @transform_2(%arg0: i32) -> (i32, i32, i32) {
    %c0_i32 = arith.constant 0 : i32
    %c0_i32_0 = arith.constant 0 : i32
    %c0_i32_1 = arith.constant 0 : i32
    return %c0_i32, %arg0, %c0_i32_0 : i32, i32, i32
  }
  func.func @transform_3(%arg0: i32) -> (i32, i32) {
    %c0_i32 = arith.constant 0 : i32
    %c0_i32_0 = arith.constant 0 : i32
    %c0_i32_1 = arith.constant 0 : i32
    return %c0_i32, %c0_i32_0 : i32, i32
  }
  func.func @transform_4(%arg0: i32) -> (i32, i32) {
    %c0_i32 = arith.constant 0 : i32
    %c0_i32_0 = arith.constant 0 : i32
    %c0_i32_1 = arith.constant 0 : i32
    return %c0_i32, %c0_i32_0 : i32, i32
  }
  func.func @transform_5(%arg0: i32) -> (i32, i32) {
    %c0_i32 = arith.constant 0 : i32
    %c0_i32_0 = arith.constant 0 : i32
    return %arg0, %c0_i32 : i32, i32
  }
}

module attributes {stable_mosaic.version = 14 : i64} {
  func.func @_tc_stage1(%arg0: i32, %arg1: memref<2000x128xf32, #tpu.memory_space<vmem>>, %arg2: memref<128x128xf32, #tpu.memory_space<vmem>>, %arg3: memref<2x2000x16xf32, #tpu.memory_space<vmem>>, %arg4: memref<2000x128xf32, #tpu.memory_space<vmem>>) attributes {dimension_semantics = [#tpu.dimension_semantics<arbitrary>], iteration_bounds = array<i64: 5>, scalar_prefetch = 0 : i64, scratch_operands = 0 : i64, tpu.core_type = #tpu.core_type<tc>, window_params = [{transform_indices = @transform_0, window_bounds = array<i64: 2000, 128>}, {pipeline_mode = #tpu.pipeline_mode<synchronous>, transform_indices = @transform_1, window_bounds = array<i64: 128, 128>}, {transform_indices = @transform_2, window_bounds = array<i64: 2, 2000, 16>}, {transform_indices = @transform_3, window_bounds = array<i64: 2000, 128>}]} {
    %get3A = arith.constant 0 : index
    %get3A_0 = arith.constant 0 : index
    %get3A_1 = vector.load %arg1[%get3A, %get3A_0] : memref<2000x128xf32, #tpu.memory_space<vmem>>, vector<2000x128xf32>
    %get3A_2 = arith.constant 0 : index
    %get3A_3 = arith.constant 0 : index
    %get3A_4 = vector.load %arg2[%get3A_2, %get3A_3] : memref<128x128xf32, #tpu.memory_space<vmem>>, vector<128x128xf32>
    %dot_general3A = arith.constant dense<0.000000e+00> : vector<2000x128xf32>
    %dot_general3A_5 = tpu.matmul %get3A_1, %get3A_4, %dot_general3A {dimension_numbers = #tpu.dot_dimension_numbers<[1], [0], [0], [1], [0, 0, 1, 1], [], []>, transpose_lhs_hint = false} : vector<2000x128xf32>, vector<128x128xf32>, vector<2000x128xf32> -> vector<2000x128xf32>
    %get3A_6 = arith.constant 0 : index
    %get3A_7 = arith.constant 0 : index
    %get3A_8 = arith.constant 0 : index
    %get3A_9 = vector.load %arg3[%get3A_6, %get3A_7, %get3A_8] : memref<2x2000x16xf32, #tpu.memory_space<vmem>>, vector<2x2000x16xf32>
    %slice3A = vector.extract_strided_slice %get3A_9 {offsets = [0, 0, 0], sizes = [1, 2000, 16], strides = [1, 1, 1]} : vector<2x2000x16xf32> to vector<1x2000x16xf32>
    %squeeze3A = vector.shape_cast %slice3A : vector<1x2000x16xf32> to vector<2000x16xf32>
    %slice3A_10 = vector.extract_strided_slice %get3A_9 {offsets = [1, 0, 0], sizes = [1, 2000, 16], strides = [1, 1, 1]} : vector<2x2000x16xf32> to vector<1x2000x16xf32>
    %squeeze3A_11 = vector.shape_cast %slice3A_10 : vector<1x2000x16xf32> to vector<2000x16xf32>
    %add3A = arith.addf %squeeze3A, %squeeze3A_11 : vector<2000x16xf32>
    %add3A_12 = arith.constant 1.000000e+00 : f32
    %add3A_13 = vector.broadcast %add3A_12 : f32 to vector<2000x16xf32>
    %add3A_14 = arith.addf %add3A, %add3A_13 : vector<2000x16xf32>
    %rsqrt3A = math.rsqrt %add3A_14 : vector<2000x16xf32>
    %slice3A_15 = vector.extract_strided_slice %rsqrt3A {offsets = [0, 0], sizes = [2000, 1], strides = [1, 1]} : vector<2000x16xf32> to vector<2000x1xf32>
    %mul3A = vector.broadcast %slice3A_15 : vector<2000x1xf32> to vector<2000x128xf32>
    %mul3A_16 = arith.mulf %dot_general3A_5, %mul3A : vector<2000x128xf32>
    %swap3A = arith.constant 0 : index
    %swap3A_17 = arith.constant 0 : index
    %swap3A_18 = vector.load %arg4[%swap3A, %swap3A_17] : memref<2000x128xf32, #tpu.memory_space<vmem>>, vector<2000x128xf32>
    tpu.vector_store %arg4[%swap3A, %swap3A_17], %mul3A_16 {strides = array<i32>} : memref<2000x128xf32, #tpu.memory_space<vmem>>, vector<2000x128xf32>,
    return
  }
  func.func @transform_0(%arg0: i32) -> (i32, i32) {
    %c0_i32 = arith.constant 0 : i32
    %c0_i32_0 = arith.constant 0 : i32
    return %arg0, %c0_i32 : i32, i32
  }
  func.func @transform_1(%arg0: i32) -> (i32, i32) {
    %c0_i32 = arith.constant 0 : i32
    %c0_i32_0 = arith.constant 0 : i32
    %c0_i32_1 = arith.constant 0 : i32
    return %c0_i32, %c0_i32_0 : i32, i32
  }
  func.func @transform_2(%arg0: i32) -> (i32, i32, i32) {
    %c0_i32 = arith.constant 0 : i32
    %c0_i32_0 = arith.constant 0 : i32
    %c0_i32_1 = arith.constant 0 : i32
    return %c0_i32, %arg0, %c0_i32_0 : i32, i32, i32
  }
  func.func @transform_3(%arg0: i32) -> (i32, i32) {
    %c0_i32 = arith.constant 0 : i32
    %c0_i32_0 = arith.constant 0 : i32
    return %arg0, %c0_i32 : i32, i32
  }
}

module attributes {stable_mosaic.version = 14 : i64} {
  func.func @_tc_stage3(%arg0: i32, %arg1: memref<2x2000x128xf32, #tpu.memory_space<vmem>>, %arg2: memref<2000x128xf32, #tpu.memory_space<vmem>>, %arg3: memref<2x2000x16xf32, #tpu.memory_space<vmem>>, %arg4: memref<1x128xf32, #tpu.memory_space<vmem>>, %arg5: memref<2000x128xf32, #tpu.memory_space<vmem>>) attributes {dimension_semantics = [#tpu.dimension_semantics<arbitrary>], iteration_bounds = array<i64: 5>, scalar_prefetch = 0 : i64, scratch_operands = 0 : i64, tpu.core_type = #tpu.core_type<tc>, window_params = [{transform_indices = @transform_0, window_bounds = array<i64: 2, 2000, 128>}, {transform_indices = @transform_1, window_bounds = array<i64: 2000, 128>}, {transform_indices = @transform_2, window_bounds = array<i64: 2, 2000, 16>}, {pipeline_mode = #tpu.pipeline_mode<synchronous>, transform_indices = @transform_3, window_bounds = array<i64: 1, 128>}, {transform_indices = @transform_4, window_bounds = array<i64: 2000, 128>}]} {
    %get3A = arith.constant 0 : index
    %get3A_0 = arith.constant 0 : index
    %get3A_1 = arith.constant 0 : index
    %get3A_2 = vector.load %arg3[%get3A, %get3A_0, %get3A_1] : memref<2x2000x16xf32, #tpu.memory_space<vmem>>, vector<2x2000x16xf32>
    %slice3A = vector.extract_strided_slice %get3A_2 {offsets = [0, 0, 0], sizes = [1, 2000, 16], strides = [1, 1, 1]} : vector<2x2000x16xf32> to vector<1x2000x16xf32>
    %squeeze3A = vector.shape_cast %slice3A : vector<1x2000x16xf32> to vector<2000x16xf32>
    %slice3A_3 = vector.extract_strided_slice %get3A_2 {offsets = [1, 0, 0], sizes = [1, 2000, 16], strides = [1, 1, 1]} : vector<2x2000x16xf32> to vector<1x2000x16xf32>
    %squeeze3A_4 = vector.shape_cast %slice3A_3 : vector<1x2000x16xf32> to vector<2000x16xf32>
    %add3A = arith.addf %squeeze3A, %squeeze3A_4 : vector<2000x16xf32>
    %add3A_5 = arith.constant 1.000000e+00 : f32
    %add3A_6 = vector.broadcast %add3A_5 : f32 to vector<2000x16xf32>
    %add3A_7 = arith.addf %add3A, %add3A_6 : vector<2000x16xf32>
    %rsqrt3A = math.rsqrt %add3A_7 : vector<2000x16xf32>
    %slice3A_8 = vector.extract_strided_slice %rsqrt3A {offsets = [0, 0], sizes = [2000, 1], strides = [1, 1]} : vector<2000x16xf32> to vector<2000x1xf32>
    %get3A_9 = arith.constant 0 : index
    %get3A_10 = arith.constant 0 : index
    %get3A_11 = arith.constant 0 : index
    %get3A_12 = vector.load %arg1[%get3A_9, %get3A_10, %get3A_11] : memref<2x2000x128xf32, #tpu.memory_space<vmem>>, vector<1x2000x128xf32>
    %get3A_13 = vector.shape_cast %get3A_12 : vector<1x2000x128xf32> to vector<2000x128xf32>
    %get3A_14 = arith.constant 1 : index
    %get3A_15 = arith.constant 0 : index
    %get3A_16 = arith.constant 0 : index
    %get3A_17 = vector.load %arg1[%get3A_14, %get3A_15, %get3A_16] : memref<2x2000x128xf32, #tpu.memory_space<vmem>>, vector<1x2000x128xf32>
    %get3A_18 = vector.shape_cast %get3A_17 : vector<1x2000x128xf32> to vector<2000x128xf32>
    %add3A_19 = arith.addf %get3A_13, %get3A_18 : vector<2000x128xf32>
    %get3A_20 = arith.constant 0 : index
    %get3A_21 = arith.constant 0 : index
    %get3A_22 = vector.load %arg2[%get3A_20, %get3A_21] : memref<2000x128xf32, #tpu.memory_space<vmem>>, vector<2000x128xf32>
    %add3A_23 = arith.addf %add3A_19, %get3A_22 : vector<2000x128xf32>
    %mul3A = vector.broadcast %slice3A_8 : vector<2000x1xf32> to vector<2000x128xf32>
    %mul3A_24 = arith.mulf %add3A_23, %mul3A : vector<2000x128xf32>
    %get3A_25 = arith.constant 0 : index
    %get3A_26 = arith.constant 0 : index
    %get3A_27 = vector.load %arg4[%get3A_25, %get3A_26] : memref<1x128xf32, #tpu.memory_space<vmem>>, vector<1x128xf32>
    %add3A_28 = vector.broadcast %get3A_27 : vector<1x128xf32> to vector<2000x128xf32>
    %add3A_29 = arith.addf %mul3A_24, %add3A_28 : vector<2000x128xf32>
    %swap3A = arith.constant 0 : index
    %swap3A_30 = arith.constant 0 : index
    %swap3A_31 = vector.load %arg5[%swap3A, %swap3A_30] : memref<2000x128xf32, #tpu.memory_space<vmem>>, vector<2000x128xf32>
    tpu.vector_store %arg5[%swap3A, %swap3A_30], %add3A_29 {strides = array<i32>} : memref<2000x128xf32, #tpu.memory_space<vmem>>, vector<2000x128xf32>,
    return
  }
  func.func @transform_0(%arg0: i32) -> (i32, i32, i32) {
    %c0_i32 = arith.constant 0 : i32
    %c0_i32_0 = arith.constant 0 : i32
    %c0_i32_1 = arith.constant 0 : i32
    return %c0_i32, %arg0, %c0_i32_0 : i32, i32, i32
  }
  func.func @transform_1(%arg0: i32) -> (i32, i32) {
    %c0_i32 = arith.constant 0 : i32
    %c0_i32_0 = arith.constant 0 : i32
    return %arg0, %c0_i32 : i32, i32
  }
  func.func @transform_2(%arg0: i32) -> (i32, i32, i32) {
    %c0_i32 = arith.constant 0 : i32
    %c0_i32_0 = arith.constant 0 : i32
    %c0_i32_1 = arith.constant 0 : i32
    return %c0_i32, %arg0, %c0_i32_0 : i32, i32, i32
  }
  func.func @transform_3(%arg0: i32) -> (i32, i32) {
    %c0_i32 = arith.constant 0 : i32
    %c0_i32_0 = arith.constant 0 : i32
    %c0_i32_1 = arith.constant 0 : i32
    return %c0_i32, %c0_i32_0 : i32, i32
  }
  func.func @transform_4(%arg0: i32) -> (i32, i32) {
    %c0_i32 = arith.constant 0 : i32
    %c0_i32_0 = arith.constant 0 : i32
    return %arg0, %c0_i32 : i32, i32
  }
}

</mosaic_0001>

<sc_bundles>
// kernel: kernel.11.cloned.1.call-start
scs
__scs_entry_jumppad:
0x0: {  	(pc) =	sbr.rel $0x88, $3  }
0x1: {  	(tag) =	ssettag $0x0;
	lr =	simm.s32 $0x1  }
0x2: {  	[smem:$0x3F9B] =	sst lr;
	_ =	strace $0xD0000000  }
0x3: {  	_ = 	snop  }
0x4: {  	_ = 	snop  }
0x5: {  	_ = 	snop  }
0x6: {  	_ = 	snop  }
0x7: {  	_ = 	snop  }
__scs_overlays_trampoline_lowered:
0x8: {  	[smem:$0x3FAA] =	sst s0  }
0x9: {  	[smem:$0x3FAB] =	sst s1  }
0xa: {  	[smem:$0x3FAC] =	sst s2  }
0xb: {  	[smem:$0x3FAD] =	sst s3  }
0xc: {  	[smem:$0x3FAE] =	sst s4  }
0xd: {  	[smem:$0x3FAF] =	sst s5  }
0xe: {  	[smem:$0x3FB0] =	sst s6  }
0xf: {  	[smem:$0x3FB1] =	sst s7  }
0x10: {  	[smem:$0x3FB2] =	sst s8  }
0x11: {  	[smem:$0x3FB3] =	sst s9;
	s0 =	simm.s32 @!p0 $0x0  }
0x12: {  	s1 =	sld [smem:$0x3F99];
	s0 =	simm.s32 @p0 $0x1  }
0x13: {  	[smem:$0x3FB4] =	sst s0;
	s0 =	simm.s32 @!p1 $0x0  }
0x14: {  	s2 =	sld [smem:$0x3F98];
	s0 =	simm.s32 @p1 $0x1  }
0x15: {  	[smem:$0x3FB5] =	sst s0;
	s0 =	simm.s32 @!p2 $0x0  }
0x16: {  	s3 =	sld [smem:$0x3FDB];
	s0 =	simm.s32 @p2 $0x1  }
0x17: {  	s4 =	simm.s32 $0x1BF5;
	[smem:$0x3FB7] =	sst s0  }
0x18: {  	s0 =	sld [smem:$0x3F9A];
	_ =	swait.ge [sflag:s4], $0x0  }
0x19: {  	s7 =	sld [smem:$0x3F9B]  }
0x1a: {  	s8 =	sadd.s32 $0xFFFFE003, lr  }
0x1b: {  	s9 =	sadd.s32 $0xFFFFFEF7, lr;
	s5 =	simm.s32 $0xFFFFFFFF;
	p2 =	slt.u32 s8, $0xFFFFF086  }
0x1c: {  	p1 =	slt.u32 s9, $0xF7A;
	s5 =	simm.s32 @!p2 $0x0  }
0x1d: {  	s5 =	simm.s32 @p1 $0x1;
	p0 =	seq.s32 s7, s2  }
0x1e: {  	s7 =	smul.u32 @!p0 $0xF7A, s2;
	p2 =	seq.s32 @!p0 s5, $0x0  }
0x1f: {  	s9 =	smul.u32 $0xF7A, s1;
	s8 =	simm.s32 @!p0 $0x1BF5;
	p2 =	por !p2, p0  }
0x20: {  	[sflag:s8] =	ssyncset.s32 @!p0 $0xFFFFF086;
	s6 =	sadd.s32 @!p0 s3, s7;
	s7 =	simm.s32 @!p0 $0x108  }
0x21: {  	s3 =	sadd.s32 s3, s9;
	s6 =	sadd.s32 @!p0 $0x88, s6;
	s7 =	simm.s32 @p2 $0x1082  }
0x22: {  	[simem:s7], [sflag:s8] =	dma.local @!p0 [hbm:s6], $0xF7A  }
0x23: {  	s9 =	sor.u32 $0xD0000000, s2;
	s6 =	simm.s32 $0x108;
	_ =	swait.ge @!p0 [sflag:s8], $0x0  }
0x24: {  	s3 =	sadd.s32 $0x88, s3;
	s6 =	simm.s32 @!p1 $0x1082;
	[sflag:s4] =	ssyncset.s32 $0xFFFFF086  }
0x25: {  	[simem:s6], [sflag:s4] =	dma.local [hbm:s3], $0xF7A  }
0x26: {  	[smem:$0x3F9B] =	sst s1;
	(tag) =	ssettag s2;
	_ =	strace s9  }
0x27: {  	s1 =	sld [smem:$0x3FAB]  }
0x28: {  	s2 =	sld [smem:$0x3FAC]  }
0x29: {  	s4 =	sld [smem:$0x3FAE]  }
0x2a: {  	p0 =	seq.s32 s5, $0x0;
	s5 =	sld [smem:$0x3FAF]  }
0x2b: {  	s6 =	sld [smem:$0x3FB0]  }
0x2c: {  	s7 =	sld [smem:$0x3FB1]  }
0x2d: {  	s3 =	simm.s32 $0x108;
	s8 =	sld [smem:$0x3FB2]  }
0x2e: {  	s3 =	simm.s32 @!p0 $0x1082;
	s9 =	sld [smem:$0x3FB3]  }
0x2f: {  	lr =	sadd.s32 s0, s3;
	s0 =	sld [smem:$0x3FAA]  }
0x30: {  	s3 =	sld [smem:$0x3FAD]  }
0x31: {  	[smem:$0x3FB6] =	sst s10  }
0x32: {  	s10 =	sld [smem:$0x3FB4];
	_ =	sdelay $0x3  }
0x33: {  	p0 =	seq.s32 s10, $0x1;
	s10 =	sld [smem:$0x3FB6];
	_ =	sdelay $0x3  }
0x34: {  	[smem:$0x3FB6] =	sst s10  }
0x35: {  	s10 =	sld [smem:$0x3FB5];
	_ =	sdelay $0x3  }
0x36: {  	p1 =	seq.s32 s10, $0x1;
	s10 =	sld [smem:$0x3FB6];
	_ =	sdelay $0x3  }
0x37: {  	[smem:$0x3FB6] =	sst s10  }
0x38: {  	s10 =	sld [smem:$0x3FB7]  }
0x39: {  	_ = 	snop;
	(pc) =	sbr.ind lr, $3  }
0x3a: {  	_ = 	snop  }
0x3b: {  	_ = 	snop  }
0x3c: {  	p2 =	seq.s32 s10, $0x1;
	s10 =	sld [smem:$0x3FB6]  }
0x3d: {  	_ =	shalt  }
0x3e: {  	_ =	shalt  }
0x3f: {  	_ =	shalt  }
0x40: {  	_ =	shalt  }
0x41: {  	_ =	shalt  }
0x42: {  	_ =	shalt  }
0x43: {  	_ =	shalt  }
0x44: {  	_ =	shalt  }
0x45: {  	_ =	shalt  }
0x46: {  	_ =	shalt  }
0x47: {  	_ =	shalt  }
0x48: {  	_ =	shalt  }
0x49: {  	_ =	shalt  }
0x4a: {  	_ =	shalt  }
0x4b: {  	_ =	shalt  }
0x4c: {  	_ =	shalt  }
0x4d: {  	_ =	shalt  }
0x4e: {  	_ =	shalt  }
0x4f: {  	_ =	shalt  }
0x50: {  	_ =	shalt  }
0x51: {  	_ =	shalt  }
0x52: {  	_ =	shalt  }
0x53: {  	_ =	shalt  }
0x54: {  	_ =	shalt  }
0x55: {  	_ =	shalt  }
0x56: {  	_ =	shalt  }
0x57: {  	_ =	shalt  }
0x58: {  	_ =	shalt  }
0x59: {  	_ =	shalt  }
0x5a: {  	_ =	shalt  }
0x5b: {  	_ =	shalt  }
0x5c: {  	_ =	shalt  }
0x5d: {  	_ =	shalt  }
0x5e: {  	_ =	shalt  }
0x5f: {  	_ =	shalt  }
0x60: {  	_ =	shalt  }
0x61: {  	_ =	shalt  }
0x62: {  	_ =	shalt  }
0x63: {  	_ =	shalt  }
0x64: {  	_ =	shalt  }
0x65: {  	_ =	shalt  }
0x66: {  	_ =	shalt  }
0x67: {  	_ =	shalt  }
0x68: {  	_ =	shalt  }
0x69: {  	_ =	shalt  }
0x6a: {  	_ =	shalt  }
0x6b: {  	_ =	shalt  }
0x6c: {  	_ =	shalt  }
0x6d: {  	_ =	shalt  }
0x6e: {  	_ =	shalt  }
0x6f: {  	_ =	shalt  }
0x70: {  	_ =	shalt  }
0x71: {  	_ =	shalt  }
0x72: {  	_ =	shalt  }
0x73: {  	_ =	shalt  }
0x74: {  	_ =	shalt  }
0x75: {  	_ =	shalt  }
0x76: {  	_ =	shalt  }
0x77: {  	_ =	shalt  }
0x78: {  	_ =	shalt  }
0x79: {  	_ =	shalt  }
0x7a: {  	_ =	shalt  }
0x7b: {  	_ =	shalt  }
0x7c: {  	_ =	shalt  }
0x7d: {  	_ =	shalt  }
0x7e: {  	_ =	shalt  }
0x7f: {  	_ =	shalt  }
0x80: {  	_ =	shalt  }
0x81: {  	_ =	shalt  }
0x82: {  	_ =	shalt  }
0x83: {  	_ =	shalt  }
0x84: {  	_ =	shalt  }
0x85: {  	_ =	shalt  }
0x86: {  	_ =	shalt  }
0x87: {  	_ =	shalt  }
.Lfunc_end0:
.L_simem_size_0:
called_computation.1_lowered:
.L_overlay_start_0:
0x88: {  	s2 =	sld [smem:$0x3FD9]  }
0x89: {  	s3 =	sld [smem:$0x3FFE];
	_ =	sdelay $0x1  }
0x8a: {  	s1 =	srdreg.scid  }
0x8b: {  	s0 =	sand.u32 $0x1, s1  }
0x8c: {  	s17 =	sshll.u32 s0, $0xA;
	s2 =	sadd.s32 s3, s2  }
0x8d: {  	s2 =	sadd.s32 s2, s17  }
0x8e: {  	[smem:$0x3FC2] =	sst s2  }
0x8f: {  	_ = 	snop  }
0x90: {  	s2 =	sld [smem:$0x3FD0];
	(tm) =	ssettm $0x1  }
0x91: {  	s18 =	sld [smem:$0x3FFB];
	_ =	sdelay $0x3  }
0x92: {  	_ =	strace s18  }
0x93: {  	s3 =	sld [smem:$0x3FFC];
	_ =	sdelay $0x3  }
0x94: {  	_ =	strace s3  }
0x95: {  	s3 =	sld [smem:$0x3FFD];
	_ =	sdelay $0x3  }
0x96: {  	_ =	strace s3  }
0x97: {  	_ =	strace $0x8FFFFFFF  }
0x98: {  	s19 =	sld [smem:$0x3FDB];
	_ =	sdelay $0x1  }
0x99: {  	s4 =	simm.s32 $_scs_section_size  }
0x9a: {  	s5 =	simm.s32 $_size__tile_overlayer_lowered;
	s6 =	simm.s32 $_tile_overlayer_lowered  }
0x9b: {  	s22 =	simm.s32 $0x1BFF;
	s21 =	sshll.u32 s6, $0x1;
	s3 =	sadd.s32 s4, s19  }
0x9c: {  	s7 =	simm.s32 $0x0;
	s20 =	sshll.u32 s5, $0x1;
	s5 =	sadd.s32 s21, s3  }
0x9d: {  	[timem:s7], [sflag:s22] =	dma.local [hbm:s5], s20  }
0x9e: {  	_ =	swait.ge [sflag:s22], s20  }
0x9f: {  	s4 =	ssub.s32 $0x0, s20;
	[sflag:s22] =	ssyncset.done $0x0  }
0xa0: {  	[sflag:s22] =	ssyncadd.s32 s4;
	_ =	sdelay $0x1  }
0xa1: {  	s23 =	simm.s32 $0x1B8B  }
0xa2: {  	_ =	swait.ge [sflag:s23], $0x1  }
0xa3: {  	[sflag:s23] =	ssyncset.done $0x0  }
0xa4: {  	s25 =	simm.s32 $0x1B8E;
	s24 =	sld [smem:$0x3FFE];
	[sflag:s23] =	ssyncadd.s32 $0xFFFFFFFF  }
0xa5: {  	s26 =	simm.s32 $execute0_lowered;
	[smem:$0x3FD2] =	sst s25  }
0xa6: {  	s5 =	sshll.u32 s26, $0x1;
	_ =	strace $0x80000049;
	[dreg:$0x1] =	wrdreg $0xFFFFFFFF  }
0xa7: {  	s28 =	simm.s32 $_size_execute0_lowered;
	s3 =	sadd.s32 s3, s5;
	[dreg:$0x0] =	wrdreg $0x0  }
0xa8: {  	s5 =	sshll.u32 s28, $0x1;
	[dreg:$0x2] =	wrdreg s3  }
0xa9: {  	[dreg:$0x3] =	wrdreg s5  }
0xaa: {  	[dreg:$0x4] =	wrdreg $0xC0  }
0xab: {  	_ =	task [dreg:s7], $0x5FFFF  }
0xac: {  	[dreg:$0x1] =	wrdreg $0xFFFFFFFF  }
0xad: {  	[dreg:$0x0] =	wrdreg $0x60  }
0xae: {  	[dreg:$0x2] =	wrdreg s2  }
0xaf: {  	[dreg:$0x3] =	wrdreg s24  }
0xb0: {  	[dreg:$0x4] =	wrdreg $0xC6200  }
0xb1: {  	[dreg:$0x5] =	wrdreg $0x9  }
0xb2: {  	_ =	task.clear_ibuf [dreg:s7], $0x6FFFF;
	_ =	strace $0x90000049  }
0xb3: {  	s29 =	simm.s32 $0x9;
	_ =	strace $0x8000004B  }
0xb4: {  	_ =	swait.ge [sflag:s29], $0x1  }
0xb5: {  	[sflag:s29] =	ssyncadd.s32 $0xFFFFFFFF  }
0xb6: {  	_ =	strace $0x9000004B  }
0xb7: {  	_ =	sfence  }
0xb8: {  	s30 =	sld [smem:$0x0];
	_ =	sdelay $0x2  }
0xb9: {  	s31 =	sshll.u32 s1, $0xD;
	s1 =	sshrl.u32 s1, $0x2  }
0xba: {  	s3 =	sand.u32 $0x4000, s31;
	s1 =	sadd.s32 s1, s30  }
0xbb: {  	s0 =	sor.u32 s3, s0;
	s1 =	sshll.u32 s1, $0x11  }
0xbc: {  	s0 =	sor.u32 s1, s0  }
0xbd: {  	s0 =	sadd.s32 $0x8F2B, s0  }
0xbe: {  	[sflag:s0] =	ssyncadd.remote.s32 $0x1  }
0xbf: {  	_ =	sfence.sel $0xFFFF  }
0xc0: {  	[dreg:$0x0] =	wrdreg $0xFFFFFFFF;
	(pc) =	sbr.abs _section_cstart, $3  }
0xc1: {  	[dreg:$0x1] =	wrdreg $0xFFFFFFFF  }
0xc2: {  	_ =	task.clear_ibuf [dreg:s7], $0x2FFFF;
	_ =	strace $0x9FFFFFFF  }
0xc3: {  	(tm) =	ssettm $0x7FFFFFFF  }
tec
execute0_lowered:
.L_overlay_start_1:
0x0: {  	(tag) =	ssettag $0x1  }
0x1: {  	s1 =	rddreg [dreg:$0x0]  }
0x2: {  	s0 =	srdreg.scid;
	s5 =	rddreg [dreg:$0x1]  }
0x3: {  	s4 =	stileid.u32;
	s3 =	rddreg [dreg:$0x2]  }
0x4: {  	s7 =	simm.s32 $0x0;
	s17 =	simm.s32 $0x7;
	s18 =	simm.s32 $0x2710  }
0x5: {  	s19 =	simm.s32 $0x4E20;
	s20 =	simm.s32 $0x50;
	s21 =	simm.s32 $0x7620  }
0x6: {  	s22 =	simm.s32 $0x1;
	s24 =	simm.s32 $0x9E20;
	s29 =	simm.s32 $0x4  }
0x7: {  	s31 =	simm.s32 $0x3;
	s28 =	simm.s32 $0x6;
	s10 =	smul.u32 $0x13880, s4  }
0x8: {  	s23 =	simm.s32 $0x0;
	s0 =	sand.u32 $0x1, s0;
	s26 =	smul.u32 $0x4E200, s4  }
0x9: {  	[smem:$0x7FF] =	sst s7;
	s2 =	sshll.u32 s0, $0x4;
	s6 =	smul.u32 $0x138800, s0  }
0xa: {  	_ =	strace $0x8000004A;
	s0 =	ssub.s32 $0x2, s0;
	s2 =	sor.u32 s4, s2  }
0xb: {  	s8 =	sshrl.u32 s0, $0x1;
	s7 =	sshrl.u32 s26, $0x2;
	s30 =	sadd.s32 s10, s3  }
0xc: {  	s26 =	simm.s32 $0x2;
	s2 =	smul.u32 $0x4E2, s2;
	s6 =	sadd.s32 s10, s6  }
0xd: {  	s0 =	ssub.s32 s0, s8;
	s25 =	sshrl.u32 s30, $0x3;
	s6 =	sshrl.u32 s6, $0x3  }
0xe: {  	s10 =	smax.u32 s0, $0x1;
	s0 =	simm.s32 $0x5;
	s2 =	sadd.s32 s2, s5  }
0xf: {  	s9 =	sadd.s32 s6, s5;
	s5 =	sadd.s32 s7, s3;
	s6 =	sadd.s32 $0x2E00, s2  }
0x10: {  	s7 =	sadd.s32 $0xCC00, s2;
	s8 =	sadd.s32 $0x11800, s5;
	s9 =	sadd.s32 $0x64C00, s9  }
0x11: {  	s11 =	sadd.s32 $0x2800, s5;
	s12 =	sadd.s32 $0x5000, s5;
	s13 =	sadd.s32 $0x7800, s5  }
0x12: {  	v0 =	vimm.f32 $0.0e+00;
	s14 =	sadd.s32 $0xA000, s5;
	s15 =	sadd.s32 $0xC800, s5;
	s16 =	sadd.s32 $0xF000, s5  }
.LBB2_1:
0x13: {  	s2 =	simm.s32 $0x0  }
0x14: {  	[tilespmem:s2], [sflag:$0x7] =	stream.linear.gather [hbm4b:s6+s2], $0x2710, $0x38;
	[tilespmem:$0x1FEA0] =	vst v63  }
0x15: {  	_ =	swait.ge [sflag:s17], $0x2710  }
0x16: {  	[sflag:s17] =	ssyncset.done $0x0  }
0x17: {  	[sflag:s17] =	ssyncadd.s32 $0xFFFFD8F0  }
0x18: {  	[tilespmem:s18], [sflag:$0x7] =	stream.linear.gather [hbm4b:s7+s2], $0x2710, $0x38;
	[tilespmem:$0x1FEA0] =	vst v63  }
0x19: {  	_ =	swait.ge [sflag:s17], $0x2710  }
0x1a: {  	[sflag:s17] =	ssyncset.done $0x0  }
0x1b: {  	s30 =	simm.s32 $0x0;
	s2 =	simm.s32 $0x200;
	[sflag:s17] =	ssyncadd.s32 $0xFFFFD8F0  }
.LBB2_2:
0x1c: {  	p0 =	sne.s32 s2, $0x9E00;
	[tilespmem:s30+$0x4E90] =	vst v0  }
0x1d: {  	[tilespmem:s30+$0x4E20] =	vst v0  }
0x1e: {  	[tilespmem:s30+$0x4E30] =	vst v0  }
.Ltmp0:
0x1f: {  	[tilespmem:s30+$0x4E40] =	vst v0;
	(pc) =	sbr.rel @p0 .LBB2_2-.Ltmp0, $4  }
0x20: {  	[tilespmem:s30+$0x4E50] =	vst v0  }
0x21: {  	[tilespmem:s30+$0x4E60] =	vst v0  }
0x22: {  	[tilespmem:s30+$0x4E70] =	vst v0  }
0x23: {  	[tilespmem:s30+$0x4E80] =	vst v0;
	s30 =	sshra.s32 s2, $0x2;
	s2 =	sadd.s32 $0x200, s2  }
0x24: {  	[tilespmem:s30+$0x4E90] =	vst v0  }
0x25: {  	[tilespmem:s30+$0x4E20] =	vst v0  }
0x26: {  	[tilespmem:s30+$0x4E30] =	vst v0  }
0x27: {  	[tilespmem:s30+$0x4E40] =	vst v0  }
0x28: {  	[tilespmem:s30+$0x4E50] =	vst v0  }
0x29: {  	[tilespmem:s30+$0x4E60] =	vst v0  }
0x2a: {  	[tilespmem:s30+$0x4E70] =	vst v0  }
0x2b: {  	[tilespmem:s30+$0x4E80] =	vst v0  }
0x2c: {  	[spmem:s5] =	stream.linear.scatter [tilespmem:s19], [sflag:$0x7], $0x2800, $0x38;
	[tilespmem:$0x1FEA0] =	vst v63  }
0x2d: {  	_ =	swait.ge [sflag:s17], $0x2800  }
0x2e: {  	[sflag:s17] =	ssyncset.done $0x0  }
0x2f: {  	[sflag:s17] =	ssyncadd.s32 $0xFFFFD800  }
0x30: {  	[spmem:s11] =	stream.linear.scatter [tilespmem:s19], [sflag:$0x7], $0x2800, $0x38;
	[tilespmem:$0x1FEA0] =	vst v63  }
0x31: {  	_ =	swait.ge [sflag:s17], $0x2800  }
0x32: {  	[sflag:s17] =	ssyncset.done $0x0  }
0x33: {  	[sflag:s17] =	ssyncadd.s32 $0xFFFFD800  }
0x34: {  	[spmem:s12] =	stream.linear.scatter [tilespmem:s19], [sflag:$0x7], $0x2800, $0x38;
	[tilespmem:$0x1FEA0] =	vst v63  }
0x35: {  	_ =	swait.ge [sflag:s17], $0x2800  }
0x36: {  	[sflag:s17] =	ssyncset.done $0x0  }
0x37: {  	[sflag:s17] =	ssyncadd.s32 $0xFFFFD800  }
0x38: {  	[spmem:s13] =	stream.linear.scatter [tilespmem:s19], [sflag:$0x7], $0x2800, $0x38;
	[tilespmem:$0x1FEA0] =	vst v63  }
0x39: {  	_ =	swait.ge [sflag:s17], $0x2800  }
0x3a: {  	[sflag:s17] =	ssyncset.done $0x0  }
0x3b: {  	[sflag:s17] =	ssyncadd.s32 $0xFFFFD800  }
0x3c: {  	[spmem:s14] =	stream.linear.scatter [tilespmem:s19], [sflag:$0x7], $0x2800, $0x38;
	[tilespmem:$0x1FEA0] =	vst v63  }
0x3d: {  	_ =	swait.ge [sflag:s17], $0x2800  }
0x3e: {  	[sflag:s17] =	ssyncset.done $0x0  }
0x3f: {  	[sflag:s17] =	ssyncadd.s32 $0xFFFFD800  }
0x40: {  	[spmem:s15] =	stream.linear.scatter [tilespmem:s19], [sflag:$0x7], $0x2800, $0x38;
	[tilespmem:$0x1FEA0] =	vst v63  }
0x41: {  	_ =	swait.ge [sflag:s17], $0x2800  }
0x42: {  	[sflag:s17] =	ssyncset.done $0x0  }
0x43: {  	[sflag:s17] =	ssyncadd.s32 $0xFFFFD800  }
0x44: {  	[spmem:s16] =	stream.linear.scatter [tilespmem:s19], [sflag:$0x7], $0x2800, $0x38;
	[tilespmem:$0x1FEA0] =	vst v63  }
0x45: {  	_ =	swait.ge [sflag:s17], $0x2800  }
0x46: {  	[sflag:s17] =	ssyncset.done $0x0  }
0x47: {  	[sflag:s17] =	ssyncadd.s32 $0xFFFFD800  }
0x48: {  	[spmem:s8] =	stream.linear.scatter [tilespmem:s19], [sflag:$0x7], $0x2080, $0x38;
	[tilespmem:$0x1FEA0] =	vst v63  }
0x49: {  	_ =	swait.ge [sflag:s17], $0x2080  }
0x4a: {  	[sflag:s17] =	ssyncset.done $0x0  }
0x4b: {  	[sflag:s17] =	ssyncadd.s32 $0xFFFFDF80  }
0x4c: {  	s2 =	simm.s32 $0x0;
	[bflag:$0x0] =	sbarrier.arrive $0xFFFF  }
0x4d: {  	[tilespmem:s19], [sflag:$0x1] =	stream.indirect.gather [hbm4b:s1+s20], $0x80, s2, s20, $0xb8;
	[tilespmem:$0x1FEA0] =	vst v63  }
0x4e: {  	_ = 	snop  }
0x4f: {  	[tilespmem:s21], [sflag:$0x2] =	stream.indirect.gather [hbm4b:s1+s20], $0x80, s20, s20, $0xb8;
	[tilespmem:$0x1FEA0] =	vst v63  }
0x50: {  	_ =	swait.ge [sflag:s22], $0x2800  }
0x51: {  	[sflag:s22] =	ssyncset.done $0x0  }
0x52: {  	[sflag:s22] =	ssyncadd.s32 $0xFFFFD800  }
0x53: {  	[spmem:s3] =	stream.indirect.scatter.add.f32 [tilespmem:s19], [sflag:$0x4], $0x80, s18, s20, $0xb8;
	[tilespmem:$0x1FEA0] =	vst v63  }
0x54: {  	s4 =	simm.s32 $0xA0  }
0x55: {  	[tilespmem:s24], [sflag:$0x3] =	stream.indirect.gather [hbm4b:s1+s20], $0x80, s4, s20, $0xb8;
	[tilespmem:$0x1FEA0] =	vst v63  }
0x56: {  	_ =	swait.ge [sflag:s26], $0x2800  }
0x57: {  	[sflag:s26] =	ssyncset.done $0x0  }
0x58: {  	s4 =	simm.s32 $0x2760;
	[sflag:s26] =	ssyncadd.s32 $0xFFFFD800  }
0x59: {  	[spmem:s3] =	stream.indirect.scatter.add.f32 [tilespmem:s21], [sflag:$0x5], $0x80, s4, s20, $0xb8;
	[tilespmem:$0x1FEA0] =	vst v63  }
0x5a: {  	_ =	swait.ge [sflag:s29], $0x2800  }
0x5b: {  	[sflag:s29] =	ssyncset.done $0x0  }
0x5c: {  	s4 =	simm.s32 $0xF0;
	[sflag:s29] =	ssyncadd.s32 $0xFFFFD800  }
0x5d: {  	[tilespmem:s19], [sflag:$0x1] =	stream.indirect.gather [hbm4b:s1+s20], $0x80, s4, s20, $0xb8;
	[tilespmem:$0x1FEA0] =	vst v63  }
0x5e: {  	_ =	swait.ge [sflag:s31], $0x2800  }
0x5f: {  	[sflag:s31] =	ssyncset.done $0x0  }
0x60: {  	s4 =	simm.s32 $0x27B0;
	[sflag:s31] =	ssyncadd.s32 $0xFFFFD800  }
0x61: {  	[spmem:s3] =	stream.indirect.scatter.add.f32 [tilespmem:s24], [sflag:$0x6], $0x80, s4, s20, $0xb8;
	[tilespmem:$0x1FEA0] =	vst v63  }
0x62: {  	_ =	swait.ge [sflag:s0], $0x2800  }
0x63: {  	[sflag:s0] =	ssyncset.done $0x0  }
0x64: {  	s4 =	simm.s32 $0x140;
	[sflag:s0] =	ssyncadd.s32 $0xFFFFD800  }
0x65: {  	[tilespmem:s21], [sflag:$0x2] =	stream.indirect.gather [hbm4b:s1+s20], $0x80, s4, s20, $0xb8;
	[tilespmem:$0x1FEA0] =	vst v63  }
0x66: {  	_ =	swait.ge [sflag:s22], $0x2800  }
0x67: {  	[sflag:s22] =	ssyncset.done $0x0  }
0x68: {  	s4 =	simm.s32 $0x2800;
	[sflag:s22] =	ssyncadd.s32 $0xFFFFD800  }
0x69: {  	[spmem:s3] =	stream.indirect.scatter.add.f32 [tilespmem:s19], [sflag:$0x4], $0x80, s4, s20, $0xb8;
	[tilespmem:$0x1FEA0] =	vst v63  }
0x6a: {  	_ =	swait.ge [sflag:s28], $0x2800  }
0x6b: {  	[sflag:s28] =	ssyncset.done $0x0  }
0x6c: {  	s4 =	simm.s32 $0x190;
	[sflag:s28] =	ssyncadd.s32 $0xFFFFD800  }
0x6d: {  	[tilespmem:s24], [sflag:$0x3] =	stream.indirect.gather [hbm4b:s1+s20], $0x80, s4, s20, $0xb8;
	[tilespmem:$0x1FEA0] =	vst v63  }
0x6e: {  	_ =	swait.ge [sflag:s26], $0x2800  }
0x6f: {  	[sflag:s26] =	ssyncset.done $0x0  }
0x70: {  	s4 =	simm.s32 $0x2850;
	[sflag:s26] =	ssyncadd.s32 $0xFFFFD800  }
0x71: {  	[spmem:s3] =	stream.indirect.scatter.add.f32 [tilespmem:s21], [sflag:$0x5], $0x80, s4, s20, $0xb8;
	[tilespmem:$0x1FEA0] =	vst v63  }
0x72: {  	_ =	swait.ge [sflag:s29], $0x2800  }
0x73: {  	[sflag:s29] =	ssyncset.done $0x0  }
0x74: {  	s4 =	simm.s32 $0x1E0;
	[sflag:s29] =	ssyncadd.s32 $0xFFFFD800  }
0x75: {  	[tilespmem:s19], [sflag:$0x1] =	stream.indirect.gather [hbm4b:s1+s20], $0x80, s4, s20, $0xb8;
	[tilespmem:$0x1FEA0] =	vst v63  }
0x76: {  	_ =	swait.ge [sflag:s31], $0x2800  }
0x77: {  	[sflag:s31] =	ssyncset.done $0x0  }
0x78: {  	s4 =	simm.s32 $0x28A0;
	[sflag:s31] =	ssyncadd.s32 $0xFFFFD800  }
0x79: {  	[spmem:s3] =	stream.indirect.scatter.add.f32 [tilespmem:s24], [sflag:$0x6], $0x80, s4, s20, $0xb8;
	[tilespmem:$0x1FEA0] =	vst v63  }
0x7a: {  	_ =	swait.ge [sflag:s0], $0x2800  }
0x7b: {  	[sflag:s0] =	ssyncset.done $0x0  }
0x7c: {  	s30 =	simm.s32 $0x3C0;
	s2 =	simm.s32 $0x230;
	[sflag:s0] =	ssyncadd.s32 $0xFFFFD800  }
.LBB2_4:
0x7d: {  	[tilespmem:s21], [sflag:$0x2] =	stream.indirect.gather [hbm4b:s1+s20], $0x80, s2, s20, $0xb8;
	[tilespmem:$0x1FEA0] =	vst v63  }
0x7e: {  	s2 =	smov.u32 s30  }
0x7f: {  	p0 =	sne.s32 s30, $0x9240;
	s30 =	sadd.s32 $0x3C0, s30;
	_ =	swait.ge [sflag:s22], $0x2800  }
0x80: {  	s2 =	sshra.s32 s2, $0x2;
	[sflag:s22] =	ssyncset.done $0x0  }
0x81: {  	s4 =	sadd.s32 $0x2800, s2;
	[sflag:s22] =	ssyncadd.s32 $0xFFFFD800  }
0x82: {  	[spmem:s3] =	stream.indirect.scatter.add.f32 [tilespmem:s19], [sflag:$0x4], $0x80, s4, s20, $0xb8;
	[tilespmem:$0x1FEA0] =	vst v63  }
0x83: {  	_ =	swait.ge [sflag:s28], $0x2800  }
0x84: {  	[sflag:s28] =	ssyncset.done $0x0  }
0x85: {  	s4 =	sadd.s32 $0x190, s2;
	[sflag:s28] =	ssyncadd.s32 $0xFFFFD800  }
0x86: {  	[tilespmem:s24], [sflag:$0x3] =	stream.indirect.gather [hbm4b:s1+s20], $0x80, s4, s20, $0xb8;
	[tilespmem:$0x1FEA0] =	vst v63  }
0x87: {  	_ =	swait.ge [sflag:s26], $0x2800  }
0x88: {  	[sflag:s26] =	ssyncset.done $0x0  }
0x89: {  	s4 =	sadd.s32 $0x2850, s2;
	[sflag:s26] =	ssyncadd.s32 $0xFFFFD800  }
0x8a: {  	[spmem:s3] =	stream.indirect.scatter.add.f32 [tilespmem:s21], [sflag:$0x5], $0x80, s4, s20, $0xb8;
	[tilespmem:$0x1FEA0] =	vst v63  }
0x8b: {  	_ =	swait.ge [sflag:s29], $0x2800  }
0x8c: {  	[sflag:s29] =	ssyncset.done $0x0  }
0x8d: {  	s4 =	sadd.s32 $0x1E0, s2;
	[sflag:s29] =	ssyncadd.s32 $0xFFFFD800  }
0x8e: {  	[tilespmem:s19], [sflag:$0x1] =	stream.indirect.gather [hbm4b:s1+s20], $0x80, s4, s20, $0xb8;
	[tilespmem:$0x1FEA0] =	vst v63  }
0x8f: {  	_ =	swait.ge [sflag:s31], $0x2800  }
0x90: {  	[sflag:s31] =	ssyncset.done $0x0  }
.Ltmp1:
0x91: {  	s4 =	sadd.s32 $0x28A0, s2;
	[sflag:s31] =	ssyncadd.s32 $0xFFFFD800;
	(pc) =	sbr.rel @p0 .LBB2_4-.Ltmp1, $4  }
0x92: {  	[spmem:s3] =	stream.indirect.scatter.add.f32 [tilespmem:s24], [sflag:$0x6], $0x80, s4, s20, $0xb8;
	[tilespmem:$0x1FEA0] =	vst v63  }
0x93: {  	_ =	swait.ge [sflag:s0], $0x2800  }
0x94: {  	[sflag:s0] =	ssyncset.done $0x0  }
0x95: {  	s2 =	sadd.s32 $0x230, s2;
	[sflag:s0] =	ssyncadd.s32 $0xFFFFD800  }
0x96: {  	[tilespmem:s21], [sflag:$0x2] =	stream.indirect.gather [hbm4b:s1+s20], $0x80, s2, s20, $0xb8;
	[tilespmem:$0x1FEA0] =	vst v63  }
0x97: {  	_ =	swait.ge [sflag:s22], $0x2800  }
0x98: {  	[sflag:s22] =	ssyncset.done $0x0  }
0x99: {  	s30 =	simm.s32 $0x4D80;
	[sflag:s22] =	ssyncadd.s32 $0xFFFFD800  }
0x9a: {  	[spmem:s3] =	stream.indirect.scatter.add.f32 [tilespmem:s19], [sflag:$0x4], $0x80, s30, s20, $0xb8;
	[tilespmem:$0x1FEA0] =	vst v63  }
0x9b: {  	_ =	swait.ge [sflag:s26], $0x2800  }
0x9c: {  	[sflag:s26] =	ssyncset.done $0x0  }
0x9d: {  	s4 =	simm.s32 $0x4DD0;
	[sflag:s26] =	ssyncadd.s32 $0xFFFFD800  }
0x9e: {  	[spmem:s3] =	stream.indirect.scatter.add.f32 [tilespmem:s21], [sflag:$0x5], $0x80, s4, s20, $0xb8;
	[tilespmem:$0x1FEA0] =	vst v63  }
0x9f: {  	_ =	swait.ge [sflag:s28], $0x2800  }
0xa0: {  	[sflag:s28] =	ssyncset.done $0x0  }
0xa1: {  	[sflag:s28] =	ssyncadd.s32 $0xFFFFD800  }
0xa2: {  	_ =	swait.ge [sflag:s29], $0x2800  }
0xa3: {  	[sflag:s29] =	ssyncset.done $0x0  }
0xa4: {  	[sflag:s29] =	ssyncadd.s32 $0xFFFFD800  }
0xa5: {  	_ =	swait.ge [sflag:s0], $0x2800  }
0xa6: {  	s23 =	sadd.s32 $0x1, s23;
	s30 =	stileid.u32;
	[sflag:s0] =	ssyncset.done $0x0  }
0xa7: {  	p0 =	sne.s32 s23, s10;
	s2 =	sshll.u32 s30, $0x6;
	[sflag:s0] =	ssyncadd.s32 $0xFFFFD800  }
.Ltmp2:
0xa8: {  	s2 =	sor.u32 $0x1C07, s2;
	[bflag:$0x0] =	sbarrier.arrive $0xFFFF;
	(pc) =	sbr.rel @p0 .LBB2_1-.Ltmp2, $4  }
0xa9: {  	[hbm:s9], [sflag:s2] =	dma.local [spmem:s25], $0x2710  }
0xaa: {  	_ =	swait.ge [sflag:s17], $0x2710  }
0xab: {  	[sflag:s17] =	ssyncset.done $0x0  }
0xac: {  	[sflag:s17] =	ssyncadd.s32 $0xFFFFD8F0  }
0xad: {  	_ =	sfence.sel $0x180000  }
0xae: {  	[bflag:$0x0] =	sbarrier.arrive $0xFFFF  }
0xaf: {  	_ =	strace $0x9000004A  }
0xb0: {  	s0 =	stileid.u32;
	[bflag:$0x2] =	sbarrier.arrive $0xFFFF  }
0xb1: {  	p0 =	sne.s32 s0, $0x0;
	s0 =	rddreg [dreg:$0x3]  }
0xb2: {  	s0 =	sadd.s32 @!p0 $0x100000, s0  }
0xb3: {  	[sflag:s0] =	ssyncadd.tile.s32 @!p0 $0x1;
	_ =	shalt  }
.Lfunc_end2:
_tile_overlayer_lowered:
.L_overlay_start_2:
0xb4: {  	(tag) =	ssettag $0x2  }
0xb5: {  	s0 =	rddreg [dreg:$0x0];
	s2 =	stileid.u32  }
0xb6: {  	s1 =	rddreg [dreg:$0x1];
	p0 =	sne.s32 s2, $0x0  }
0xb7: {  	s3 =	rddreg [dreg:$0x2];
	[bflag:$0x3] =	sbarrier.arrive $0xFFFF;
	s2 =	simm.s32 @!p0 $0x1C07  }
0xb8: {  	[timem:s3], [sflag:s2] =	dma.local @!p0 [hbm:s0], s1  }
0xb9: {  	s0 =	simm.s32 @!p0 $0x7  }
0xba: {  	_ =	swait.ge @!p0 [sflag:s0], s1  }
0xbb: {  	s1 =	ssub.s32 @!p0 $0x0, s1;
	[sflag:s0] =	ssyncset.done @!p0 $0x0  }
0xbc: {  	[sflag:s0] =	ssyncadd.s32 @!p0 s1  }
0xbd: {  	[bflag:$0x3] =	sbarrier.arrive $0xFFFF  }
0xbe: {  	_ =	shalt  }

// kernel: kernel.14.cloned.1.call-start
scs
__scs_entry_jumppad:
0x0: {  	(pc) =	sbr.rel $0x88, $3  }
0x1: {  	(tag) =	ssettag $0x0;
	lr =	simm.s32 $0x1  }
0x2: {  	[smem:$0x3F9B] =	sst lr;
	_ =	strace $0xD0000000  }
0x3: {  	_ = 	snop  }
0x4: {  	_ = 	snop  }
0x5: {  	_ = 	snop  }
0x6: {  	_ = 	snop  }
0x7: {  	_ = 	snop  }
__scs_overlays_trampoline_lowered:
0x8: {  	[smem:$0x3FAA] =	sst s0  }
0x9: {  	[smem:$0x3FAB] =	sst s1  }
0xa: {  	[smem:$0x3FAC] =	sst s2  }
0xb: {  	[smem:$0x3FAD] =	sst s3  }
0xc: {  	[smem:$0x3FAE] =	sst s4  }
0xd: {  	[smem:$0x3FAF] =	sst s5  }
0xe: {  	[smem:$0x3FB0] =	sst s6  }
0xf: {  	[smem:$0x3FB1] =	sst s7  }
0x10: {  	[smem:$0x3FB2] =	sst s8  }
0x11: {  	[smem:$0x3FB3] =	sst s9;
	s0 =	simm.s32 @!p0 $0x0  }
0x12: {  	s1 =	sld [smem:$0x3F99];
	s0 =	simm.s32 @p0 $0x1  }
0x13: {  	[smem:$0x3FB4] =	sst s0;
	s0 =	simm.s32 @!p1 $0x0  }
0x14: {  	s2 =	sld [smem:$0x3F98];
	s0 =	simm.s32 @p1 $0x1  }
0x15: {  	[smem:$0x3FB5] =	sst s0;
	s0 =	simm.s32 @!p2 $0x0  }
0x16: {  	s3 =	sld [smem:$0x3FDB];
	s0 =	simm.s32 @p2 $0x1  }
0x17: {  	s4 =	simm.s32 $0x1BF5;
	[smem:$0x3FB7] =	sst s0  }
0x18: {  	s0 =	sld [smem:$0x3F9A];
	_ =	swait.ge [sflag:s4], $0x0  }
0x19: {  	s7 =	sld [smem:$0x3F9B]  }
0x1a: {  	s8 =	sadd.s32 $0xFFFFE003, lr  }
0x1b: {  	s9 =	sadd.s32 $0xFFFFFEF7, lr;
	s5 =	simm.s32 $0xFFFFFFFF;
	p2 =	slt.u32 s8, $0xFFFFF086  }
0x1c: {  	p1 =	slt.u32 s9, $0xF7A;
	s5 =	simm.s32 @!p2 $0x0  }
0x1d: {  	s5 =	simm.s32 @p1 $0x1;
	p0 =	seq.s32 s7, s2  }
0x1e: {  	s7 =	smul.u32 @!p0 $0xF7A, s2;
	p2 =	seq.s32 @!p0 s5, $0x0  }
0x1f: {  	s9 =	smul.u32 $0xF7A, s1;
	s8 =	simm.s32 @!p0 $0x1BF5;
	p2 =	por !p2, p0  }
0x20: {  	[sflag:s8] =	ssyncset.s32 @!p0 $0xFFFFF086;
	s6 =	sadd.s32 @!p0 s3, s7;
	s7 =	simm.s32 @!p0 $0x108  }
0x21: {  	s3 =	sadd.s32 s3, s9;
	s6 =	sadd.s32 @!p0 $0x88, s6;
	s7 =	simm.s32 @p2 $0x1082  }
0x22: {  	[simem:s7], [sflag:s8] =	dma.local @!p0 [hbm:s6], $0xF7A  }
0x23: {  	s9 =	sor.u32 $0xD0000000, s2;
	s6 =	simm.s32 $0x108;
	_ =	swait.ge @!p0 [sflag:s8], $0x0  }
0x24: {  	s3 =	sadd.s32 $0x88, s3;
	s6 =	simm.s32 @!p1 $0x1082;
	[sflag:s4] =	ssyncset.s32 $0xFFFFF086  }
0x25: {  	[simem:s6], [sflag:s4] =	dma.local [hbm:s3], $0xF7A  }
0x26: {  	[smem:$0x3F9B] =	sst s1;
	(tag) =	ssettag s2;
	_ =	strace s9  }
0x27: {  	s1 =	sld [smem:$0x3FAB]  }
0x28: {  	s2 =	sld [smem:$0x3FAC]  }
0x29: {  	s4 =	sld [smem:$0x3FAE]  }
0x2a: {  	p0 =	seq.s32 s5, $0x0;
	s5 =	sld [smem:$0x3FAF]  }
0x2b: {  	s6 =	sld [smem:$0x3FB0]  }
0x2c: {  	s7 =	sld [smem:$0x3FB1]  }
0x2d: {  	s3 =	simm.s32 $0x108;
	s8 =	sld [smem:$0x3FB2]  }
0x2e: {  	s3 =	simm.s32 @!p0 $0x1082;
	s9 =	sld [smem:$0x3FB3]  }
0x2f: {  	lr =	sadd.s32 s0, s3;
	s0 =	sld [smem:$0x3FAA]  }
0x30: {  	s3 =	sld [smem:$0x3FAD]  }
0x31: {  	[smem:$0x3FB6] =	sst s10  }
0x32: {  	s10 =	sld [smem:$0x3FB4];
	_ =	sdelay $0x3  }
0x33: {  	p0 =	seq.s32 s10, $0x1;
	s10 =	sld [smem:$0x3FB6];
	_ =	sdelay $0x3  }
0x34: {  	[smem:$0x3FB6] =	sst s10  }
0x35: {  	s10 =	sld [smem:$0x3FB5];
	_ =	sdelay $0x3  }
0x36: {  	p1 =	seq.s32 s10, $0x1;
	s10 =	sld [smem:$0x3FB6];
	_ =	sdelay $0x3  }
0x37: {  	[smem:$0x3FB6] =	sst s10  }
0x38: {  	s10 =	sld [smem:$0x3FB7]  }
0x39: {  	_ = 	snop;
	(pc) =	sbr.ind lr, $3  }
0x3a: {  	_ = 	snop  }
0x3b: {  	_ = 	snop  }
0x3c: {  	p2 =	seq.s32 s10, $0x1;
	s10 =	sld [smem:$0x3FB6]  }
0x3d: {  	_ =	shalt  }
0x3e: {  	_ =	shalt  }
0x3f: {  	_ =	shalt  }
0x40: {  	_ =	shalt  }
0x41: {  	_ =	shalt  }
0x42: {  	_ =	shalt  }
0x43: {  	_ =	shalt  }
0x44: {  	_ =	shalt  }
0x45: {  	_ =	shalt  }
0x46: {  	_ =	shalt  }
0x47: {  	_ =	shalt  }
0x48: {  	_ =	shalt  }
0x49: {  	_ =	shalt  }
0x4a: {  	_ =	shalt  }
0x4b: {  	_ =	shalt  }
0x4c: {  	_ =	shalt  }
0x4d: {  	_ =	shalt  }
0x4e: {  	_ =	shalt  }
0x4f: {  	_ =	shalt  }
0x50: {  	_ =	shalt  }
0x51: {  	_ =	shalt  }
0x52: {  	_ =	shalt  }
0x53: {  	_ =	shalt  }
0x54: {  	_ =	shalt  }
0x55: {  	_ =	shalt  }
0x56: {  	_ =	shalt  }
0x57: {  	_ =	shalt  }
0x58: {  	_ =	shalt  }
0x59: {  	_ =	shalt  }
0x5a: {  	_ =	shalt  }
0x5b: {  	_ =	shalt  }
0x5c: {  	_ =	shalt  }
0x5d: {  	_ =	shalt  }
0x5e: {  	_ =	shalt  }
0x5f: {  	_ =	shalt  }
0x60: {  	_ =	shalt  }
0x61: {  	_ =	shalt  }
0x62: {  	_ =	shalt  }
0x63: {  	_ =	shalt  }
0x64: {  	_ =	shalt  }
0x65: {  	_ =	shalt  }
0x66: {  	_ =	shalt  }
0x67: {  	_ =	shalt  }
0x68: {  	_ =	shalt  }
0x69: {  	_ =	shalt  }
0x6a: {  	_ =	shalt  }
0x6b: {  	_ =	shalt  }
0x6c: {  	_ =	shalt  }
0x6d: {  	_ =	shalt  }
0x6e: {  	_ =	shalt  }
0x6f: {  	_ =	shalt  }
0x70: {  	_ =	shalt  }
0x71: {  	_ =	shalt  }
0x72: {  	_ =	shalt  }
0x73: {  	_ =	shalt  }
0x74: {  	_ =	shalt  }
0x75: {  	_ =	shalt  }
0x76: {  	_ =	shalt  }
0x77: {  	_ =	shalt  }
0x78: {  	_ =	shalt  }
0x79: {  	_ =	shalt  }
0x7a: {  	_ =	shalt  }
0x7b: {  	_ =	shalt  }
0x7c: {  	_ =	shalt  }
0x7d: {  	_ =	shalt  }
0x7e: {  	_ =	shalt  }
0x7f: {  	_ =	shalt  }
0x80: {  	_ =	shalt  }
0x81: {  	_ =	shalt  }
0x82: {  	_ =	shalt  }
0x83: {  	_ =	shalt  }
0x84: {  	_ =	shalt  }
0x85: {  	_ =	shalt  }
0x86: {  	_ =	shalt  }
0x87: {  	_ =	shalt  }
.Lfunc_end0:
.L_simem_size_0:
called_computation.2_lowered:
.L_overlay_start_0:
0x88: {  	s2 =	sld [smem:$0x3FD9]  }
0x89: {  	s3 =	sld [smem:$0x3FFE];
	_ =	sdelay $0x1  }
0x8a: {  	s1 =	srdreg.scid  }
0x8b: {  	s0 =	sand.u32 $0x1, s1  }
0x8c: {  	s17 =	sshll.u32 s0, $0xA;
	s2 =	sadd.s32 s3, s2  }
0x8d: {  	s2 =	sadd.s32 s2, s17  }
0x8e: {  	[smem:$0x3FC2] =	sst s2  }
0x8f: {  	_ = 	snop  }
0x90: {  	s2 =	sld [smem:$0x3FD0];
	(tm) =	ssettm $0x1  }
0x91: {  	s18 =	sld [smem:$0x3FFB];
	_ =	sdelay $0x3  }
0x92: {  	_ =	strace s18  }
0x93: {  	s3 =	sld [smem:$0x3FFC];
	_ =	sdelay $0x3  }
0x94: {  	_ =	strace s3  }
0x95: {  	s3 =	sld [smem:$0x3FFD];
	_ =	sdelay $0x3  }
0x96: {  	_ =	strace s3  }
0x97: {  	_ =	strace $0x8FFFFFFF  }
0x98: {  	s19 =	sld [smem:$0x3FDB];
	_ =	sdelay $0x1  }
0x99: {  	s4 =	simm.s32 $_scs_section_size  }
0x9a: {  	s5 =	simm.s32 $_size__tile_overlayer_lowered;
	s6 =	simm.s32 $_tile_overlayer_lowered  }
0x9b: {  	s22 =	simm.s32 $0x1BFF;
	s21 =	sshll.u32 s6, $0x1;
	s3 =	sadd.s32 s4, s19  }
0x9c: {  	s7 =	simm.s32 $0x0;
	s20 =	sshll.u32 s5, $0x1;
	s5 =	sadd.s32 s21, s3  }
0x9d: {  	[timem:s7], [sflag:s22] =	dma.local [hbm:s5], s20  }
0x9e: {  	_ =	swait.ge [sflag:s22], s20  }
0x9f: {  	s4 =	ssub.s32 $0x0, s20;
	[sflag:s22] =	ssyncset.done $0x0  }
0xa0: {  	[sflag:s22] =	ssyncadd.s32 s4;
	_ =	sdelay $0x1  }
0xa1: {  	s23 =	simm.s32 $0x1B8B  }
0xa2: {  	_ =	swait.ge [sflag:s23], $0x1  }
0xa3: {  	[sflag:s23] =	ssyncset.done $0x0  }
0xa4: {  	s25 =	simm.s32 $0x1B8E;
	s24 =	sld [smem:$0x3FFE];
	[sflag:s23] =	ssyncadd.s32 $0xFFFFFFFF  }
0xa5: {  	s26 =	simm.s32 $execute0_lowered;
	[smem:$0x3FD2] =	sst s25  }
0xa6: {  	s5 =	sshll.u32 s26, $0x1;
	_ =	strace $0x8000004C;
	[dreg:$0x1] =	wrdreg $0xFFFFFFFF  }
0xa7: {  	s28 =	simm.s32 $_size_execute0_lowered;
	s3 =	sadd.s32 s3, s5;
	[dreg:$0x0] =	wrdreg $0x0  }
0xa8: {  	s5 =	sshll.u32 s28, $0x1;
	[dreg:$0x2] =	wrdreg s3  }
0xa9: {  	[dreg:$0x3] =	wrdreg s5  }
0xaa: {  	[dreg:$0x4] =	wrdreg $0xC0  }
0xab: {  	_ =	task [dreg:s7], $0x5FFFF  }
0xac: {  	[dreg:$0x1] =	wrdreg $0xFFFFFFFF  }
0xad: {  	[dreg:$0x0] =	wrdreg $0x60  }
0xae: {  	[dreg:$0x2] =	wrdreg s2  }
0xaf: {  	[dreg:$0x3] =	wrdreg s24  }
0xb0: {  	[dreg:$0x4] =	wrdreg $0xC6200  }
0xb1: {  	[dreg:$0x5] =	wrdreg $0x9  }
0xb2: {  	_ =	task.clear_ibuf [dreg:s7], $0x6FFFF;
	_ =	strace $0x9000004C  }
0xb3: {  	s29 =	simm.s32 $0x9;
	_ =	strace $0x8000004E  }
0xb4: {  	_ =	swait.ge [sflag:s29], $0x1  }
0xb5: {  	[sflag:s29] =	ssyncadd.s32 $0xFFFFFFFF  }
0xb6: {  	_ =	strace $0x9000004E  }
0xb7: {  	_ =	sfence  }
0xb8: {  	s30 =	sld [smem:$0x0];
	_ =	sdelay $0x2  }
0xb9: {  	s31 =	sshll.u32 s1, $0xD;
	s1 =	sshrl.u32 s1, $0x2  }
0xba: {  	s3 =	sand.u32 $0x4000, s31;
	s1 =	sadd.s32 s1, s30  }
0xbb: {  	s0 =	sor.u32 s3, s0;
	s1 =	sshll.u32 s1, $0x11  }
0xbc: {  	s0 =	sor.u32 s1, s0  }
0xbd: {  	s0 =	sadd.s32 $0x8F2B, s0  }
0xbe: {  	[sflag:s0] =	ssyncadd.remote.s32 $0x1  }
0xbf: {  	_ =	sfence.sel $0xFFFF  }
0xc0: {  	[dreg:$0x0] =	wrdreg $0xFFFFFFFF;
	(pc) =	sbr.abs _section_cstart, $3  }
0xc1: {  	[dreg:$0x1] =	wrdreg $0xFFFFFFFF  }
0xc2: {  	_ =	task.clear_ibuf [dreg:s7], $0x2FFFF;
	_ =	strace $0x9FFFFFFF  }
0xc3: {  	(tm) =	ssettm $0x7FFFFFFF  }
tec
execute0_lowered:
.L_overlay_start_1:
0x0: {  	(tag) =	ssettag $0x1  }
0x1: {  	s1 =	rddreg [dreg:$0x0]  }
0x2: {  	s0 =	srdreg.scid;
	s5 =	rddreg [dreg:$0x1]  }
0x3: {  	s4 =	stileid.u32;
	s3 =	rddreg [dreg:$0x2]  }
0x4: {  	s7 =	simm.s32 $0x0;
	s17 =	simm.s32 $0x7;
	s18 =	simm.s32 $0x2710  }
0x5: {  	s19 =	simm.s32 $0x4E20;
	s20 =	simm.s32 $0x50;
	s21 =	simm.s32 $0x7620  }
0x6: {  	s22 =	simm.s32 $0x1;
	s24 =	simm.s32 $0x9E20;
	s29 =	simm.s32 $0x4  }
0x7: {  	s31 =	simm.s32 $0x3;
	s28 =	simm.s32 $0x6;
	s10 =	smul.u32 $0x13880, s4  }
0x8: {  	s23 =	simm.s32 $0x0;
	s0 =	sand.u32 $0x1, s0;
	s26 =	smul.u32 $0x4E200, s4  }
0x9: {  	[smem:$0x7FF] =	sst s7;
	s2 =	sshll.u32 s0, $0x4;
	s6 =	smul.u32 $0x138800, s0  }
0xa: {  	_ =	strace $0x8000004D;
	s0 =	ssub.s32 $0x2, s0;
	s2 =	sor.u32 s4, s2  }
0xb: {  	s8 =	sshrl.u32 s0, $0x1;
	s7 =	sshrl.u32 s26, $0x2;
	s30 =	sadd.s32 s10, s3  }
0xc: {  	s26 =	simm.s32 $0x2;
	s2 =	smul.u32 $0x4E2, s2;
	s6 =	sadd.s32 s10, s6  }
0xd: {  	s0 =	ssub.s32 s0, s8;
	s25 =	sshrl.u32 s30, $0x3;
	s6 =	sshrl.u32 s6, $0x3  }
0xe: {  	s10 =	smax.u32 s0, $0x1;
	s0 =	simm.s32 $0x5;
	s2 =	sadd.s32 s2, s5  }
0xf: {  	s9 =	sadd.s32 s6, s5;
	s5 =	sadd.s32 s7, s3;
	s6 =	sadd.s32 $0x2E00, s2  }
0x10: {  	s7 =	sadd.s32 $0xCC00, s2;
	s8 =	sadd.s32 $0x11800, s5;
	s9 =	sadd.s32 $0x64C00, s9  }
0x11: {  	s11 =	sadd.s32 $0x2800, s5;
	s12 =	sadd.s32 $0x5000, s5;
	s13 =	sadd.s32 $0x7800, s5  }
0x12: {  	v0 =	vimm.f32 $0.0e+00;
	s14 =	sadd.s32 $0xA000, s5;
	s15 =	sadd.s32 $0xC800, s5;
	s16 =	sadd.s32 $0xF000, s5  }
.LBB2_1:
0x13: {  	s2 =	simm.s32 $0x0  }
0x14: {  	[tilespmem:s2], [sflag:$0x7] =	stream.linear.gather [hbm4b:s6+s2], $0x2710, $0x38;
	[tilespmem:$0x1FEA0] =	vst v63  }
0x15: {  	_ =	swait.ge [sflag:s17], $0x2710  }
0x16: {  	[sflag:s17] =	ssyncset.done $0x0  }
0x17: {  	[sflag:s17] =	ssyncadd.s32 $0xFFFFD8F0  }
0x18: {  	[tilespmem:s18], [sflag:$0x7] =	stream.linear.gather [hbm4b:s7+s2], $0x2710, $0x38;
	[tilespmem:$0x1FEA0] =	vst v63  }
0x19: {  	_ =	swait.ge [sflag:s17], $0x2710  }
0x1a: {  	[sflag:s17] =	ssyncset.done $0x0  }
0x1b: {  	s30 =	simm.s32 $0x0;
	s2 =	simm.s32 $0x200;
	[sflag:s17] =	ssyncadd.s32 $0xFFFFD8F0  }
.LBB2_2:
0x1c: {  	p0 =	sne.s32 s2, $0x9E00;
	[tilespmem:s30+$0x4E90] =	vst v0  }
0x1d: {  	[tilespmem:s30+$0x4E20] =	vst v0  }
0x1e: {  	[tilespmem:s30+$0x4E30] =	vst v0  }
.Ltmp0:
0x1f: {  	[tilespmem:s30+$0x4E40] =	vst v0;
	(pc) =	sbr.rel @p0 .LBB2_2-.Ltmp0, $4  }
0x20: {  	[tilespmem:s30+$0x4E50] =	vst v0  }
0x21: {  	[tilespmem:s30+$0x4E60] =	vst v0  }
0x22: {  	[tilespmem:s30+$0x4E70] =	vst v0  }
0x23: {  	[tilespmem:s30+$0x4E80] =	vst v0;
	s30 =	sshra.s32 s2, $0x2;
	s2 =	sadd.s32 $0x200, s2  }
0x24: {  	[tilespmem:s30+$0x4E90] =	vst v0  }
0x25: {  	[tilespmem:s30+$0x4E20] =	vst v0  }
0x26: {  	[tilespmem:s30+$0x4E30] =	vst v0  }
0x27: {  	[tilespmem:s30+$0x4E40] =	vst v0  }
0x28: {  	[tilespmem:s30+$0x4E50] =	vst v0  }
0x29: {  	[tilespmem:s30+$0x4E60] =	vst v0  }
0x2a: {  	[tilespmem:s30+$0x4E70] =	vst v0  }
0x2b: {  	[tilespmem:s30+$0x4E80] =	vst v0  }
0x2c: {  	[spmem:s5] =	stream.linear.scatter [tilespmem:s19], [sflag:$0x7], $0x2800, $0x38;
	[tilespmem:$0x1FEA0] =	vst v63  }
0x2d: {  	_ =	swait.ge [sflag:s17], $0x2800  }
0x2e: {  	[sflag:s17] =	ssyncset.done $0x0  }
0x2f: {  	[sflag:s17] =	ssyncadd.s32 $0xFFFFD800  }
0x30: {  	[spmem:s11] =	stream.linear.scatter [tilespmem:s19], [sflag:$0x7], $0x2800, $0x38;
	[tilespmem:$0x1FEA0] =	vst v63  }
0x31: {  	_ =	swait.ge [sflag:s17], $0x2800  }
0x32: {  	[sflag:s17] =	ssyncset.done $0x0  }
0x33: {  	[sflag:s17] =	ssyncadd.s32 $0xFFFFD800  }
0x34: {  	[spmem:s12] =	stream.linear.scatter [tilespmem:s19], [sflag:$0x7], $0x2800, $0x38;
	[tilespmem:$0x1FEA0] =	vst v63  }
0x35: {  	_ =	swait.ge [sflag:s17], $0x2800  }
0x36: {  	[sflag:s17] =	ssyncset.done $0x0  }
0x37: {  	[sflag:s17] =	ssyncadd.s32 $0xFFFFD800  }
0x38: {  	[spmem:s13] =	stream.linear.scatter [tilespmem:s19], [sflag:$0x7], $0x2800, $0x38;
	[tilespmem:$0x1FEA0] =	vst v63  }
0x39: {  	_ =	swait.ge [sflag:s17], $0x2800  }
0x3a: {  	[sflag:s17] =	ssyncset.done $0x0  }
0x3b: {  	[sflag:s17] =	ssyncadd.s32 $0xFFFFD800  }
0x3c: {  	[spmem:s14] =	stream.linear.scatter [tilespmem:s19], [sflag:$0x7], $0x2800, $0x38;
	[tilespmem:$0x1FEA0] =	vst v63  }
0x3d: {  	_ =	swait.ge [sflag:s17], $0x2800  }
0x3e: {  	[sflag:s17] =	ssyncset.done $0x0  }
0x3f: {  	[sflag:s17] =	ssyncadd.s32 $0xFFFFD800  }
0x40: {  	[spmem:s15] =	stream.linear.scatter [tilespmem:s19], [sflag:$0x7], $0x2800, $0x38;
	[tilespmem:$0x1FEA0] =	vst v63  }
0x41: {  	_ =	swait.ge [sflag:s17], $0x2800  }
0x42: {  	[sflag:s17] =	ssyncset.done $0x0  }
0x43: {  	[sflag:s17] =	ssyncadd.s32 $0xFFFFD800  }
0x44: {  	[spmem:s16] =	stream.linear.scatter [tilespmem:s19], [sflag:$0x7], $0x2800, $0x38;
	[tilespmem:$0x1FEA0] =	vst v63  }
0x45: {  	_ =	swait.ge [sflag:s17], $0x2800  }
0x46: {  	[sflag:s17] =	ssyncset.done $0x0  }
0x47: {  	[sflag:s17] =	ssyncadd.s32 $0xFFFFD800  }
0x48: {  	[spmem:s8] =	stream.linear.scatter [tilespmem:s19], [sflag:$0x7], $0x2080, $0x38;
	[tilespmem:$0x1FEA0] =	vst v63  }
0x49: {  	_ =	swait.ge [sflag:s17], $0x2080  }
0x4a: {  	[sflag:s17] =	ssyncset.done $0x0  }
0x4b: {  	[sflag:s17] =	ssyncadd.s32 $0xFFFFDF80  }
0x4c: {  	s2 =	simm.s32 $0x0;
	[bflag:$0x0] =	sbarrier.arrive $0xFFFF  }
0x4d: {  	[tilespmem:s19], [sflag:$0x1] =	stream.indirect.gather [hbm4b:s1+s20], $0x80, s2, s20, $0xb8;
	[tilespmem:$0x1FEA0] =	vst v63  }
0x4e: {  	_ = 	snop  }
0x4f: {  	[tilespmem:s21], [sflag:$0x2] =	stream.indirect.gather [hbm4b:s1+s20], $0x80, s20, s20, $0xb8;
	[tilespmem:$0x1FEA0] =	vst v63  }
0x50: {  	_ =	swait.ge [sflag:s22], $0x2800  }
0x51: {  	[sflag:s22] =	ssyncset.done $0x0  }
0x52: {  	[sflag:s22] =	ssyncadd.s32 $0xFFFFD800  }
0x53: {  	[spmem:s3] =	stream.indirect.scatter.add.f32 [tilespmem:s19], [sflag:$0x4], $0x80, s18, s20, $0xb8;
	[tilespmem:$0x1FEA0] =	vst v63  }
0x54: {  	s4 =	simm.s32 $0xA0  }
0x55: {  	[tilespmem:s24], [sflag:$0x3] =	stream.indirect.gather [hbm4b:s1+s20], $0x80, s4, s20, $0xb8;
	[tilespmem:$0x1FEA0] =	vst v63  }
0x56: {  	_ =	swait.ge [sflag:s26], $0x2800  }
0x57: {  	[sflag:s26] =	ssyncset.done $0x0  }
0x58: {  	s4 =	simm.s32 $0x2760;
	[sflag:s26] =	ssyncadd.s32 $0xFFFFD800  }
0x59: {  	[spmem:s3] =	stream.indirect.scatter.add.f32 [tilespmem:s21], [sflag:$0x5], $0x80, s4, s20, $0xb8;
	[tilespmem:$0x1FEA0] =	vst v63  }
0x5a: {  	_ =	swait.ge [sflag:s29], $0x2800  }
0x5b: {  	[sflag:s29] =	ssyncset.done $0x0  }
0x5c: {  	s4 =	simm.s32 $0xF0;
	[sflag:s29] =	ssyncadd.s32 $0xFFFFD800  }
0x5d: {  	[tilespmem:s19], [sflag:$0x1] =	stream.indirect.gather [hbm4b:s1+s20], $0x80, s4, s20, $0xb8;
	[tilespmem:$0x1FEA0] =	vst v63  }
0x5e: {  	_ =	swait.ge [sflag:s31], $0x2800  }
0x5f: {  	[sflag:s31] =	ssyncset.done $0x0  }
0x60: {  	s4 =	simm.s32 $0x27B0;
	[sflag:s31] =	ssyncadd.s32 $0xFFFFD800  }
0x61: {  	[spmem:s3] =	stream.indirect.scatter.add.f32 [tilespmem:s24], [sflag:$0x6], $0x80, s4, s20, $0xb8;
	[tilespmem:$0x1FEA0] =	vst v63  }
0x62: {  	_ =	swait.ge [sflag:s0], $0x2800  }
0x63: {  	[sflag:s0] =	ssyncset.done $0x0  }
0x64: {  	s4 =	simm.s32 $0x140;
	[sflag:s0] =	ssyncadd.s32 $0xFFFFD800  }
0x65: {  	[tilespmem:s21], [sflag:$0x2] =	stream.indirect.gather [hbm4b:s1+s20], $0x80, s4, s20, $0xb8;
	[tilespmem:$0x1FEA0] =	vst v63  }
0x66: {  	_ =	swait.ge [sflag:s22], $0x2800  }
0x67: {  	[sflag:s22] =	ssyncset.done $0x0  }
0x68: {  	s4 =	simm.s32 $0x2800;
	[sflag:s22] =	ssyncadd.s32 $0xFFFFD800  }
0x69: {  	[spmem:s3] =	stream.indirect.scatter.add.f32 [tilespmem:s19], [sflag:$0x4], $0x80, s4, s20, $0xb8;
	[tilespmem:$0x1FEA0] =	vst v63  }
0x6a: {  	_ =	swait.ge [sflag:s28], $0x2800  }
0x6b: {  	[sflag:s28] =	ssyncset.done $0x0  }
0x6c: {  	s4 =	simm.s32 $0x190;
	[sflag:s28] =	ssyncadd.s32 $0xFFFFD800  }
0x6d: {  	[tilespmem:s24], [sflag:$0x3] =	stream.indirect.gather [hbm4b:s1+s20], $0x80, s4, s20, $0xb8;
	[tilespmem:$0x1FEA0] =	vst v63  }
0x6e: {  	_ =	swait.ge [sflag:s26], $0x2800  }
0x6f: {  	[sflag:s26] =	ssyncset.done $0x0  }
0x70: {  	s4 =	simm.s32 $0x2850;
	[sflag:s26] =	ssyncadd.s32 $0xFFFFD800  }
0x71: {  	[spmem:s3] =	stream.indirect.scatter.add.f32 [tilespmem:s21], [sflag:$0x5], $0x80, s4, s20, $0xb8;
	[tilespmem:$0x1FEA0] =	vst v63  }
0x72: {  	_ =	swait.ge [sflag:s29], $0x2800  }
0x73: {  	[sflag:s29] =	ssyncset.done $0x0  }
0x74: {  	s4 =	simm.s32 $0x1E0;
	[sflag:s29] =	ssyncadd.s32 $0xFFFFD800  }
0x75: {  	[tilespmem:s19], [sflag:$0x1] =	stream.indirect.gather [hbm4b:s1+s20], $0x80, s4, s20, $0xb8;
	[tilespmem:$0x1FEA0] =	vst v63  }
0x76: {  	_ =	swait.ge [sflag:s31], $0x2800  }
0x77: {  	[sflag:s31] =	ssyncset.done $0x0  }
0x78: {  	s4 =	simm.s32 $0x28A0;
	[sflag:s31] =	ssyncadd.s32 $0xFFFFD800  }
0x79: {  	[spmem:s3] =	stream.indirect.scatter.add.f32 [tilespmem:s24], [sflag:$0x6], $0x80, s4, s20, $0xb8;
	[tilespmem:$0x1FEA0] =	vst v63  }
0x7a: {  	_ =	swait.ge [sflag:s0], $0x2800  }
0x7b: {  	[sflag:s0] =	ssyncset.done $0x0  }
0x7c: {  	s30 =	simm.s32 $0x3C0;
	s2 =	simm.s32 $0x230;
	[sflag:s0] =	ssyncadd.s32 $0xFFFFD800  }
.LBB2_4:
0x7d: {  	[tilespmem:s21], [sflag:$0x2] =	stream.indirect.gather [hbm4b:s1+s20], $0x80, s2, s20, $0xb8;
	[tilespmem:$0x1FEA0] =	vst v63  }
0x7e: {  	s2 =	smov.u32 s30  }
0x7f: {  	p0 =	sne.s32 s30, $0x9240;
	s30 =	sadd.s32 $0x3C0, s30;
	_ =	swait.ge [sflag:s22], $0x2800  }
0x80: {  	s2 =	sshra.s32 s2, $0x2;
	[sflag:s22] =	ssyncset.done $0x0  }
0x81: {  	s4 =	sadd.s32 $0x2800, s2;
	[sflag:s22] =	ssyncadd.s32 $0xFFFFD800  }
0x82: {  	[spmem:s3] =	stream.indirect.scatter.add.f32 [tilespmem:s19], [sflag:$0x4], $0x80, s4, s20, $0xb8;
	[tilespmem:$0x1FEA0] =	vst v63  }
0x83: {  	_ =	swait.ge [sflag:s28], $0x2800  }
0x84: {  	[sflag:s28] =	ssyncset.done $0x0  }
0x85: {  	s4 =	sadd.s32 $0x190, s2;
	[sflag:s28] =	ssyncadd.s32 $0xFFFFD800  }
0x86: {  	[tilespmem:s24], [sflag:$0x3] =	stream.indirect.gather [hbm4b:s1+s20], $0x80, s4, s20, $0xb8;
	[tilespmem:$0x1FEA0] =	vst v63  }
0x87: {  	_ =	swait.ge [sflag:s26], $0x2800  }
0x88: {  	[sflag:s26] =	ssyncset.done $0x0  }
0x89: {  	s4 =	sadd.s32 $0x2850, s2;
	[sflag:s26] =	ssyncadd.s32 $0xFFFFD800  }
0x8a: {  	[spmem:s3] =	stream.indirect.scatter.add.f32 [tilespmem:s21], [sflag:$0x5], $0x80, s4, s20, $0xb8;
	[tilespmem:$0x1FEA0] =	vst v63  }
0x8b: {  	_ =	swait.ge [sflag:s29], $0x2800  }
0x8c: {  	[sflag:s29] =	ssyncset.done $0x0  }
0x8d: {  	s4 =	sadd.s32 $0x1E0, s2;
	[sflag:s29] =	ssyncadd.s32 $0xFFFFD800  }
0x8e: {  	[tilespmem:s19], [sflag:$0x1] =	stream.indirect.gather [hbm4b:s1+s20], $0x80, s4, s20, $0xb8;
	[tilespmem:$0x1FEA0] =	vst v63  }
0x8f: {  	_ =	swait.ge [sflag:s31], $0x2800  }
0x90: {  	[sflag:s31] =	ssyncset.done $0x0  }
.Ltmp1:
0x91: {  	s4 =	sadd.s32 $0x28A0, s2;
	[sflag:s31] =	ssyncadd.s32 $0xFFFFD800;
	(pc) =	sbr.rel @p0 .LBB2_4-.Ltmp1, $4  }
0x92: {  	[spmem:s3] =	stream.indirect.scatter.add.f32 [tilespmem:s24], [sflag:$0x6], $0x80, s4, s20, $0xb8;
	[tilespmem:$0x1FEA0] =	vst v63  }
0x93: {  	_ =	swait.ge [sflag:s0], $0x2800  }
0x94: {  	[sflag:s0] =	ssyncset.done $0x0  }
0x95: {  	s2 =	sadd.s32 $0x230, s2;
	[sflag:s0] =	ssyncadd.s32 $0xFFFFD800  }
0x96: {  	[tilespmem:s21], [sflag:$0x2] =	stream.indirect.gather [hbm4b:s1+s20], $0x80, s2, s20, $0xb8;
	[tilespmem:$0x1FEA0] =	vst v63  }
0x97: {  	_ =	swait.ge [sflag:s22], $0x2800  }
0x98: {  	[sflag:s22] =	ssyncset.done $0x0  }
0x99: {  	s30 =	simm.s32 $0x4D80;
	[sflag:s22] =	ssyncadd.s32 $0xFFFFD800  }
0x9a: {  	[spmem:s3] =	stream.indirect.scatter.add.f32 [tilespmem:s19], [sflag:$0x4], $0x80, s30, s20, $0xb8;
	[tilespmem:$0x1FEA0] =	vst v63  }
0x9b: {  	_ =	swait.ge [sflag:s26], $0x2800  }
0x9c: {  	[sflag:s26] =	ssyncset.done $0x0  }
0x9d: {  	s4 =	simm.s32 $0x4DD0;
	[sflag:s26] =	ssyncadd.s32 $0xFFFFD800  }
0x9e: {  	[spmem:s3] =	stream.indirect.scatter.add.f32 [tilespmem:s21], [sflag:$0x5], $0x80, s4, s20, $0xb8;
	[tilespmem:$0x1FEA0] =	vst v63  }
0x9f: {  	_ =	swait.ge [sflag:s28], $0x2800  }
0xa0: {  	[sflag:s28] =	ssyncset.done $0x0  }
0xa1: {  	[sflag:s28] =	ssyncadd.s32 $0xFFFFD800  }
0xa2: {  	_ =	swait.ge [sflag:s29], $0x2800  }
0xa3: {  	[sflag:s29] =	ssyncset.done $0x0  }
0xa4: {  	[sflag:s29] =	ssyncadd.s32 $0xFFFFD800  }
0xa5: {  	_ =	swait.ge [sflag:s0], $0x2800  }
0xa6: {  	s23 =	sadd.s32 $0x1, s23;
	s30 =	stileid.u32;
	[sflag:s0] =	ssyncset.done $0x0  }
0xa7: {  	p0 =	sne.s32 s23, s10;
	s2 =	sshll.u32 s30, $0x6;
	[sflag:s0] =	ssyncadd.s32 $0xFFFFD800  }
.Ltmp2:
0xa8: {  	s2 =	sor.u32 $0x1C07, s2;
	[bflag:$0x0] =	sbarrier.arrive $0xFFFF;
	(pc) =	sbr.rel @p0 .LBB2_1-.Ltmp2, $4  }
0xa9: {  	[hbm:s9], [sflag:s2] =	dma.local [spmem:s25], $0x2710  }
0xaa: {  	_ =	swait.ge [sflag:s17], $0x2710  }
0xab: {  	[sflag:s17] =	ssyncset.done $0x0  }
0xac: {  	[sflag:s17] =	ssyncadd.s32 $0xFFFFD8F0  }
0xad: {  	_ =	sfence.sel $0x180000  }
0xae: {  	[bflag:$0x0] =	sbarrier.arrive $0xFFFF  }
0xaf: {  	_ =	strace $0x9000004D  }
0xb0: {  	s0 =	stileid.u32;
	[bflag:$0x2] =	sbarrier.arrive $0xFFFF  }
0xb1: {  	p0 =	sne.s32 s0, $0x0;
	s0 =	rddreg [dreg:$0x3]  }
0xb2: {  	s0 =	sadd.s32 @!p0 $0x100000, s0  }
0xb3: {  	[sflag:s0] =	ssyncadd.tile.s32 @!p0 $0x1;
	_ =	shalt  }
.Lfunc_end2:
_tile_overlayer_lowered:
.L_overlay_start_2:
0xb4: {  	(tag) =	ssettag $0x2  }
0xb5: {  	s0 =	rddreg [dreg:$0x0];
	s2 =	stileid.u32  }
0xb6: {  	s1 =	rddreg [dreg:$0x1];
	p0 =	sne.s32 s2, $0x0  }
0xb7: {  	s3 =	rddreg [dreg:$0x2];
	[bflag:$0x3] =	sbarrier.arrive $0xFFFF;
	s2 =	simm.s32 @!p0 $0x1C07  }
0xb8: {  	[timem:s3], [sflag:s2] =	dma.local @!p0 [hbm:s0], s1  }
0xb9: {  	s0 =	simm.s32 @!p0 $0x7  }
0xba: {  	_ =	swait.ge @!p0 [sflag:s0], s1  }
0xbb: {  	s1 =	ssub.s32 @!p0 $0x0, s1;
	[sflag:s0] =	ssyncset.done @!p0 $0x0  }
0xbc: {  	[sflag:s0] =	ssyncadd.s32 @!p0 s1  }
0xbd: {  	[bflag:$0x3] =	sbarrier.arrive $0xFFFF  }
0xbe: {  	_ =	shalt  }

// kernel: kernel.8.cloned.1.call-start
scs
__scs_entry_jumppad:
0x0: {  	(pc) =	sbr.rel $0x88, $3  }
0x1: {  	(tag) =	ssettag $0x0;
	lr =	simm.s32 $0x1  }
0x2: {  	[smem:$0x3F9B] =	sst lr;
	_ =	strace $0xD0000000  }
0x3: {  	_ = 	snop  }
0x4: {  	_ = 	snop  }
0x5: {  	_ = 	snop  }
0x6: {  	_ = 	snop  }
0x7: {  	_ = 	snop  }
__scs_overlays_trampoline_lowered:
0x8: {  	[smem:$0x3FAA] =	sst s0  }
0x9: {  	[smem:$0x3FAB] =	sst s1  }
0xa: {  	[smem:$0x3FAC] =	sst s2  }
0xb: {  	[smem:$0x3FAD] =	sst s3  }
0xc: {  	[smem:$0x3FAE] =	sst s4  }
0xd: {  	[smem:$0x3FAF] =	sst s5  }
0xe: {  	[smem:$0x3FB0] =	sst s6  }
0xf: {  	[smem:$0x3FB1] =	sst s7  }
0x10: {  	[smem:$0x3FB2] =	sst s8  }
0x11: {  	[smem:$0x3FB3] =	sst s9;
	s0 =	simm.s32 @!p0 $0x0  }
0x12: {  	s1 =	sld [smem:$0x3F99];
	s0 =	simm.s32 @p0 $0x1  }
0x13: {  	[smem:$0x3FB4] =	sst s0;
	s0 =	simm.s32 @!p1 $0x0  }
0x14: {  	s2 =	sld [smem:$0x3F98];
	s0 =	simm.s32 @p1 $0x1  }
0x15: {  	[smem:$0x3FB5] =	sst s0;
	s0 =	simm.s32 @!p2 $0x0  }
0x16: {  	s3 =	sld [smem:$0x3FDB];
	s0 =	simm.s32 @p2 $0x1  }
0x17: {  	s4 =	simm.s32 $0x1BF5;
	[smem:$0x3FB7] =	sst s0  }
0x18: {  	s0 =	sld [smem:$0x3F9A];
	_ =	swait.ge [sflag:s4], $0x0  }
0x19: {  	s7 =	sld [smem:$0x3F9B]  }
0x1a: {  	s8 =	sadd.s32 $0xFFFFE003, lr  }
0x1b: {  	s9 =	sadd.s32 $0xFFFFFEF7, lr;
	s5 =	simm.s32 $0xFFFFFFFF;
	p2 =	slt.u32 s8, $0xFFFFF086  }
0x1c: {  	p1 =	slt.u32 s9, $0xF7A;
	s5 =	simm.s32 @!p2 $0x0  }
0x1d: {  	s5 =	simm.s32 @p1 $0x1;
	p0 =	seq.s32 s7, s2  }
0x1e: {  	s7 =	smul.u32 @!p0 $0xF7A, s2;
	p2 =	seq.s32 @!p0 s5, $0x0  }
0x1f: {  	s9 =	smul.u32 $0xF7A, s1;
	s8 =	simm.s32 @!p0 $0x1BF5;
	p2 =	por !p2, p0  }
0x20: {  	[sflag:s8] =	ssyncset.s32 @!p0 $0xFFFFF086;
	s6 =	sadd.s32 @!p0 s3, s7;
	s7 =	simm.s32 @!p0 $0x108  }
0x21: {  	s3 =	sadd.s32 s3, s9;
	s6 =	sadd.s32 @!p0 $0x88, s6;
	s7 =	simm.s32 @p2 $0x1082  }
0x22: {  	[simem:s7], [sflag:s8] =	dma.local @!p0 [hbm:s6], $0xF7A  }
0x23: {  	s9 =	sor.u32 $0xD0000000, s2;
	s6 =	simm.s32 $0x108;
	_ =	swait.ge @!p0 [sflag:s8], $0x0  }
0x24: {  	s3 =	sadd.s32 $0x88, s3;
	s6 =	simm.s32 @!p1 $0x1082;
	[sflag:s4] =	ssyncset.s32 $0xFFFFF086  }
0x25: {  	[simem:s6], [sflag:s4] =	dma.local [hbm:s3], $0xF7A  }
0x26: {  	[smem:$0x3F9B] =	sst s1;
	(tag) =	ssettag s2;
	_ =	strace s9  }
0x27: {  	s1 =	sld [smem:$0x3FAB]  }
0x28: {  	s2 =	sld [smem:$0x3FAC]  }
0x29: {  	s4 =	sld [smem:$0x3FAE]  }
0x2a: {  	p0 =	seq.s32 s5, $0x0;
	s5 =	sld [smem:$0x3FAF]  }
0x2b: {  	s6 =	sld [smem:$0x3FB0]  }
0x2c: {  	s7 =	sld [smem:$0x3FB1]  }
0x2d: {  	s3 =	simm.s32 $0x108;
	s8 =	sld [smem:$0x3FB2]  }
0x2e: {  	s3 =	simm.s32 @!p0 $0x1082;
	s9 =	sld [smem:$0x3FB3]  }
0x2f: {  	lr =	sadd.s32 s0, s3;
	s0 =	sld [smem:$0x3FAA]  }
0x30: {  	s3 =	sld [smem:$0x3FAD]  }
0x31: {  	[smem:$0x3FB6] =	sst s10  }
0x32: {  	s10 =	sld [smem:$0x3FB4];
	_ =	sdelay $0x3  }
0x33: {  	p0 =	seq.s32 s10, $0x1;
	s10 =	sld [smem:$0x3FB6];
	_ =	sdelay $0x3  }
0x34: {  	[smem:$0x3FB6] =	sst s10  }
0x35: {  	s10 =	sld [smem:$0x3FB5];
	_ =	sdelay $0x3  }
0x36: {  	p1 =	seq.s32 s10, $0x1;
	s10 =	sld [smem:$0x3FB6];
	_ =	sdelay $0x3  }
0x37: {  	[smem:$0x3FB6] =	sst s10  }
0x38: {  	s10 =	sld [smem:$0x3FB7]  }
0x39: {  	_ = 	snop;
	(pc) =	sbr.ind lr, $3  }
0x3a: {  	_ = 	snop  }
0x3b: {  	_ = 	snop  }
0x3c: {  	p2 =	seq.s32 s10, $0x1;
	s10 =	sld [smem:$0x3FB6]  }
0x3d: {  	_ =	shalt  }
0x3e: {  	_ =	shalt  }
0x3f: {  	_ =	shalt  }
0x40: {  	_ =	shalt  }
0x41: {  	_ =	shalt  }
0x42: {  	_ =	shalt  }
0x43: {  	_ =	shalt  }
0x44: {  	_ =	shalt  }
0x45: {  	_ =	shalt  }
0x46: {  	_ =	shalt  }
0x47: {  	_ =	shalt  }
0x48: {  	_ =	shalt  }
0x49: {  	_ =	shalt  }
0x4a: {  	_ =	shalt  }
0x4b: {  	_ =	shalt  }
0x4c: {  	_ =	shalt  }
0x4d: {  	_ =	shalt  }
0x4e: {  	_ =	shalt  }
0x4f: {  	_ =	shalt  }
0x50: {  	_ =	shalt  }
0x51: {  	_ =	shalt  }
0x52: {  	_ =	shalt  }
0x53: {  	_ =	shalt  }
0x54: {  	_ =	shalt  }
0x55: {  	_ =	shalt  }
0x56: {  	_ =	shalt  }
0x57: {  	_ =	shalt  }
0x58: {  	_ =	shalt  }
0x59: {  	_ =	shalt  }
0x5a: {  	_ =	shalt  }
0x5b: {  	_ =	shalt  }
0x5c: {  	_ =	shalt  }
0x5d: {  	_ =	shalt  }
0x5e: {  	_ =	shalt  }
0x5f: {  	_ =	shalt  }
0x60: {  	_ =	shalt  }
0x61: {  	_ =	shalt  }
0x62: {  	_ =	shalt  }
0x63: {  	_ =	shalt  }
0x64: {  	_ =	shalt  }
0x65: {  	_ =	shalt  }
0x66: {  	_ =	shalt  }
0x67: {  	_ =	shalt  }
0x68: {  	_ =	shalt  }
0x69: {  	_ =	shalt  }
0x6a: {  	_ =	shalt  }
0x6b: {  	_ =	shalt  }
0x6c: {  	_ =	shalt  }
0x6d: {  	_ =	shalt  }
0x6e: {  	_ =	shalt  }
0x6f: {  	_ =	shalt  }
0x70: {  	_ =	shalt  }
0x71: {  	_ =	shalt  }
0x72: {  	_ =	shalt  }
0x73: {  	_ =	shalt  }
0x74: {  	_ =	shalt  }
0x75: {  	_ =	shalt  }
0x76: {  	_ =	shalt  }
0x77: {  	_ =	shalt  }
0x78: {  	_ =	shalt  }
0x79: {  	_ =	shalt  }
0x7a: {  	_ =	shalt  }
0x7b: {  	_ =	shalt  }
0x7c: {  	_ =	shalt  }
0x7d: {  	_ =	shalt  }
0x7e: {  	_ =	shalt  }
0x7f: {  	_ =	shalt  }
0x80: {  	_ =	shalt  }
0x81: {  	_ =	shalt  }
0x82: {  	_ =	shalt  }
0x83: {  	_ =	shalt  }
0x84: {  	_ =	shalt  }
0x85: {  	_ =	shalt  }
0x86: {  	_ =	shalt  }
0x87: {  	_ =	shalt  }
.Lfunc_end0:
.L_simem_size_0:
called_computation_lowered:
.L_overlay_start_0:
0x88: {  	s2 =	sld [smem:$0x3FD9]  }
0x89: {  	s3 =	sld [smem:$0x3FFE];
	_ =	sdelay $0x1  }
0x8a: {  	s1 =	srdreg.scid  }
0x8b: {  	s0 =	sand.u32 $0x1, s1  }
0x8c: {  	s17 =	sshll.u32 s0, $0xA;
	s2 =	sadd.s32 s3, s2  }
0x8d: {  	s2 =	sadd.s32 s2, s17  }
0x8e: {  	[smem:$0x3FC2] =	sst s2  }
0x8f: {  	_ = 	snop  }
0x90: {  	s2 =	sld [smem:$0x3FD0];
	(tm) =	ssettm $0x1  }
0x91: {  	s18 =	sld [smem:$0x3FFB];
	_ =	sdelay $0x3  }
0x92: {  	_ =	strace s18  }
0x93: {  	s3 =	sld [smem:$0x3FFC];
	_ =	sdelay $0x3  }
0x94: {  	_ =	strace s3  }
0x95: {  	s3 =	sld [smem:$0x3FFD];
	_ =	sdelay $0x3  }
0x96: {  	_ =	strace s3  }
0x97: {  	_ =	strace $0x8FFFFFFF  }
0x98: {  	s19 =	sld [smem:$0x3FDB];
	_ =	sdelay $0x1  }
0x99: {  	s4 =	simm.s32 $_scs_section_size  }
0x9a: {  	s5 =	simm.s32 $_size__tile_overlayer_lowered;
	s6 =	simm.s32 $_tile_overlayer_lowered  }
0x9b: {  	s22 =	simm.s32 $0x1BFF;
	s21 =	sshll.u32 s6, $0x1;
	s3 =	sadd.s32 s4, s19  }
0x9c: {  	s7 =	simm.s32 $0x0;
	s20 =	sshll.u32 s5, $0x1;
	s5 =	sadd.s32 s21, s3  }
0x9d: {  	[timem:s7], [sflag:s22] =	dma.local [hbm:s5], s20  }
0x9e: {  	_ =	swait.ge [sflag:s22], s20  }
0x9f: {  	s4 =	ssub.s32 $0x0, s20;
	[sflag:s22] =	ssyncset.done $0x0  }
0xa0: {  	[sflag:s22] =	ssyncadd.s32 s4;
	_ =	sdelay $0x1  }
0xa1: {  	s23 =	simm.s32 $0x1B8B  }
0xa2: {  	_ =	swait.ge [sflag:s23], $0x1  }
0xa3: {  	[sflag:s23] =	ssyncset.done $0x0  }
0xa4: {  	s25 =	simm.s32 $0x1B8E;
	s24 =	sld [smem:$0x3FFE];
	[sflag:s23] =	ssyncadd.s32 $0xFFFFFFFF  }
0xa5: {  	s26 =	simm.s32 $execute0_lowered;
	[smem:$0x3FD2] =	sst s25  }
0xa6: {  	s5 =	sshll.u32 s26, $0x1;
	_ =	strace $0x80000046;
	[dreg:$0x1] =	wrdreg $0xFFFFFFFF  }
0xa7: {  	s28 =	simm.s32 $_size_execute0_lowered;
	s3 =	sadd.s32 s3, s5;
	[dreg:$0x0] =	wrdreg $0x0  }
0xa8: {  	s5 =	sshll.u32 s28, $0x1;
	[dreg:$0x2] =	wrdreg s3  }
0xa9: {  	[dreg:$0x3] =	wrdreg s5  }
0xaa: {  	[dreg:$0x4] =	wrdreg $0xC0  }
0xab: {  	_ =	task [dreg:s7], $0x5FFFF  }
0xac: {  	[dreg:$0x1] =	wrdreg $0xFFFFFFFF  }
0xad: {  	[dreg:$0x0] =	wrdreg $0x60  }
0xae: {  	[dreg:$0x2] =	wrdreg s24  }
0xaf: {  	[dreg:$0x3] =	wrdreg s2  }
0xb0: {  	[dreg:$0x4] =	wrdreg $0x33E00  }
0xb1: {  	[dreg:$0x5] =	wrdreg $0x9  }
0xb2: {  	_ =	task.clear_ibuf [dreg:s7], $0x6FFFF;
	_ =	strace $0x90000046  }
0xb3: {  	s29 =	simm.s32 $0x9;
	_ =	strace $0x80000048  }
0xb4: {  	_ =	swait.ge [sflag:s29], $0x1  }
0xb5: {  	[sflag:s29] =	ssyncadd.s32 $0xFFFFFFFF  }
0xb6: {  	_ =	strace $0x90000048  }
0xb7: {  	_ =	sfence  }
0xb8: {  	s30 =	sld [smem:$0x0];
	_ =	sdelay $0x2  }
0xb9: {  	s31 =	sshll.u32 s1, $0xD;
	s1 =	sshrl.u32 s1, $0x2  }
0xba: {  	s3 =	sand.u32 $0x4000, s31;
	s1 =	sadd.s32 s1, s30  }
0xbb: {  	s0 =	sor.u32 s3, s0;
	s1 =	sshll.u32 s1, $0x11  }
0xbc: {  	s0 =	sor.u32 s1, s0  }
0xbd: {  	s0 =	sadd.s32 $0x8F2B, s0  }
0xbe: {  	[sflag:s0] =	ssyncadd.remote.s32 $0x1  }
0xbf: {  	_ =	sfence.sel $0xFFFF  }
0xc0: {  	[dreg:$0x0] =	wrdreg $0xFFFFFFFF;
	(pc) =	sbr.abs _section_cstart, $3  }
0xc1: {  	[dreg:$0x1] =	wrdreg $0xFFFFFFFF  }
0xc2: {  	_ =	task.clear_ibuf [dreg:s7], $0x2FFFF;
	_ =	strace $0x9FFFFFFF  }
0xc3: {  	(tm) =	ssettm $0x7FFFFFFF  }
tec
execute0_lowered:
.L_overlay_start_1:
0x0: {  	(tag) =	ssettag $0x1  }
0x1: {  	s4 =	rddreg [dreg:$0x0]  }
0x2: {  	s5 =	rddreg [dreg:$0x1]  }
0x3: {  	s1 =	rddreg [dreg:$0x2];
	s2 =	srdreg.scid  }
0x4: {  	s0 =	rddreg [dreg:$0x3];
	s3 =	simm.s32 $0x0;
	s12 =	simm.s32 $0x2  }
0x5: {  	s13 =	simm.s32 $0x2C10;
	s14 =	simm.s32 $0x50;
	s15 =	simm.s32 $0x2710  }
0x6: {  	s16 =	simm.s32 $0x1;
	s6 =	sand.u32 $0x1, s2;
	s2 =	stileid.u32  }
0x7: {  	[smem:$0x7FF] =	sst s3;
	s7 =	sshll.u32 s6, $0x4;
	s8 =	smul.u32 $0x27100, s6  }
0x8: {  	s9 =	smul.u32 $0x2710, s2;
	_ =	strace $0x80000047;
	s6 =	ssub.s32 $0x2, s6  }
0x9: {  	s11 =	smul.u32 $0x9C40, s2;
	s17 =	sshll.u32 s2, $0x6;
	s7 =	sor.u32 s2, s7  }
0xa: {  	s10 =	sshrl.u32 s6, $0x1;
	s17 =	sor.u32 $0x1C02, s17;
	s7 =	smul.u32 $0x4E2, s7  }
0xb: {  	s8 =	sadd.s32 s9, s8;
	s6 =	ssub.s32 s6, s10;
	s31 =	sshrl.u32 s11, $0x2  }
0xc: {  	s18 =	sadd.s32 s9, s1;
	s30 =	sshrl.u32 s8, $0x3;
	s6 =	smax.u32 s6, $0x1  }
0xd: {  	s18 =	sshrl.u32 s18, $0x3;
	s4 =	sadd.s32 s7, s4;
	s7 =	sadd.s32 s31, s1  }
0xe: {  	s5 =	sadd.s32 s5, s30;
	s4 =	sadd.s32 $0xCC00, s4;
	s8 =	sadd.s32 $0x7D0, s7  }
0xf: {  	v0 =	vimm.f32 $1.000000000e+00;
	v1 =	vimm.f32 $0.0e+00;
	s9 =	sadd.s32 $0xFA0, s7;
	s10 =	sadd.s32 $0x1770, s7;
	s11 =	sadd.s32 $0x1F40, s7  }
.LBB2_1:
0x10: {  	s19 =	simm.s32 $0x0  }
.LBB2_2:
0x11: {  	p0 =	sne.s32 s19, $0x13C0  }
.Ltmp0:
0x12: {  	_ = 	snop;
	(pc) =	sbr.rel @p0 .LBB2_2-.Ltmp0, $3  }
0x13: {  	_ =	sdelay $0x1  }
0x14: {  	s20 =	sshra.s32 s19, $0x2  }
0x15: {  	s19 =	sadd.s32 $0x40, s19;
	[tilespmem:s20+$0x2710] =	vst v0  }
0x16: {  	s19 =	simm.s32 $0x40;
	s20 =	simm.s32 $0x0  }
.LBB2_4:
0x17: {  	p0 =	sne.s32 s19, $0x1F00;
	[tilespmem:s20+$0x2C10] =	vst v1;
	s20 =	smov.u32 s19;
	s19 =	sadd.s32 $0x40, s19  }
.Ltmp1:
0x18: {  	(pc) =	sbr.rel @p0 .LBB2_4-.Ltmp1, $2  }
0x19: {  	_ =	sdelay $0x2  }
0x1a: {  	s20 =	sshra.s32 s20, $0x2  }
0x1b: {  	[tilespmem:s20+$0x2C10] =	vst v1;
	s19 =	simm.s32 $0x0  }
0x1c: {  	[tilespmem:s19], [sflag:$0x2] =	stream.linear.gather [hbm4b:s4+s19], $0x2710, $0x38;
	[tilespmem:$0x5AF0] =	vst v63  }
0x1d: {  	_ =	swait.ge [sflag:s12], $0x2710  }
0x1e: {  	[sflag:s12] =	ssyncset.done $0x0  }
0x1f: {  	[sflag:s12] =	ssyncadd.s32 $0xFFFFD8F0  }
0x20: {  	[spmem:s7] =	stream.linear.scatter [tilespmem:s13], [sflag:$0x2], $0x7D0, $0x38;
	[tilespmem:$0x5AF0] =	vst v63  }
0x21: {  	_ =	swait.ge [sflag:s12], $0x7D0  }
0x22: {  	[sflag:s12] =	ssyncset.done $0x0  }
0x23: {  	[sflag:s12] =	ssyncadd.s32 $0xFFFFF830  }
0x24: {  	[spmem:s8] =	stream.linear.scatter [tilespmem:s13], [sflag:$0x2], $0x7D0, $0x38;
	[tilespmem:$0x5AF0] =	vst v63  }
0x25: {  	_ =	swait.ge [sflag:s12], $0x7D0  }
0x26: {  	[sflag:s12] =	ssyncset.done $0x0  }
0x27: {  	[sflag:s12] =	ssyncadd.s32 $0xFFFFF830  }
0x28: {  	[spmem:s9] =	stream.linear.scatter [tilespmem:s13], [sflag:$0x2], $0x7D0, $0x38;
	[tilespmem:$0x5AF0] =	vst v63  }
0x29: {  	_ =	swait.ge [sflag:s12], $0x7D0  }
0x2a: {  	[sflag:s12] =	ssyncset.done $0x0  }
0x2b: {  	[sflag:s12] =	ssyncadd.s32 $0xFFFFF830  }
0x2c: {  	[spmem:s10] =	stream.linear.scatter [tilespmem:s13], [sflag:$0x2], $0x7D0, $0x38;
	[tilespmem:$0x5AF0] =	vst v63  }
0x2d: {  	_ =	swait.ge [sflag:s12], $0x7D0  }
0x2e: {  	[sflag:s12] =	ssyncset.done $0x0  }
0x2f: {  	[sflag:s12] =	ssyncadd.s32 $0xFFFFF830  }
0x30: {  	[spmem:s11] =	stream.linear.scatter [tilespmem:s13], [sflag:$0x2], $0x7D0, $0x38;
	[tilespmem:$0x5AF0] =	vst v63  }
0x31: {  	_ =	swait.ge [sflag:s12], $0x7D0  }
0x32: {  	[sflag:s12] =	ssyncset.done $0x0  }
0x33: {  	[sflag:s12] =	ssyncadd.s32 $0xFFFFF830  }
0x34: {  	s29 =	simm.s32 $0x0;
	[bflag:$0x0] =	sbarrier.arrive $0xFFFF  }
0x35: {  	[spmem:s1] =	stream.indirect.scatter.add.f32 [tilespmem:s15], [sflag:$0x1], $0x10, s29, s14, $0xb8;
	[tilespmem:$0x5AF0] =	vst v63  }
0x36: {  	s30 =	simm.s32 $0x50  }
0x37: {  	[spmem:s1] =	stream.indirect.scatter.add.f32 [tilespmem:s15], [sflag:$0x1], $0x10, s30, s14, $0xb8;
	[tilespmem:$0x5AF0] =	vst v63  }
0x38: {  	s31 =	simm.s32 $0xA0  }
0x39: {  	[spmem:s1] =	stream.indirect.scatter.add.f32 [tilespmem:s15], [sflag:$0x1], $0x10, s31, s14, $0xb8;
	[tilespmem:$0x5AF0] =	vst v63  }
0x3a: {  	s20 =	simm.s32 $0xF0  }
0x3b: {  	[spmem:s1] =	stream.indirect.scatter.add.f32 [tilespmem:s15], [sflag:$0x1], $0x10, s20, s14, $0xb8;
	[tilespmem:$0x5AF0] =	vst v63  }
0x3c: {  	s21 =	simm.s32 $0x140  }
0x3d: {  	[spmem:s1] =	stream.indirect.scatter.add.f32 [tilespmem:s15], [sflag:$0x1], $0x10, s21, s14, $0xb8;
	[tilespmem:$0x5AF0] =	vst v63  }
0x3e: {  	s22 =	simm.s32 $0x190  }
0x3f: {  	[spmem:s1] =	stream.indirect.scatter.add.f32 [tilespmem:s15], [sflag:$0x1], $0x10, s22, s14, $0xb8;
	[tilespmem:$0x5AF0] =	vst v63  }
0x40: {  	s23 =	simm.s32 $0x1E0  }
0x41: {  	[spmem:s1] =	stream.indirect.scatter.add.f32 [tilespmem:s15], [sflag:$0x1], $0x10, s23, s14, $0xb8;
	[tilespmem:$0x5AF0] =	vst v63  }
0x42: {  	s24 =	simm.s32 $0x230  }
0x43: {  	[spmem:s1] =	stream.indirect.scatter.add.f32 [tilespmem:s15], [sflag:$0x1], $0x10, s24, s14, $0xb8;
	[tilespmem:$0x5AF0] =	vst v63  }
0x44: {  	s25 =	simm.s32 $0x280  }
0x45: {  	[spmem:s1] =	stream.indirect.scatter.add.f32 [tilespmem:s15], [sflag:$0x1], $0x10, s25, s14, $0xb8;
	[tilespmem:$0x5AF0] =	vst v63  }
0x46: {  	s26 =	simm.s32 $0x2D0  }
0x47: {  	[spmem:s1] =	stream.indirect.scatter.add.f32 [tilespmem:s15], [sflag:$0x1], $0x10, s26, s14, $0xb8;
	[tilespmem:$0x5AF0] =	vst v63  }
0x48: {  	s28 =	simm.s32 $0x320  }
0x49: {  	[spmem:s1] =	stream.indirect.scatter.add.f32 [tilespmem:s15], [sflag:$0x1], $0x10, s28, s14, $0xb8;
	[tilespmem:$0x5AF0] =	vst v63  }
0x4a: {  	s29 =	simm.s32 $0x370  }
0x4b: {  	[spmem:s1] =	stream.indirect.scatter.add.f32 [tilespmem:s15], [sflag:$0x1], $0x10, s29, s14, $0xb8;
	[tilespmem:$0x5AF0] =	vst v63  }
0x4c: {  	s30 =	simm.s32 $0x3C0  }
0x4d: {  	[spmem:s1] =	stream.indirect.scatter.add.f32 [tilespmem:s15], [sflag:$0x1], $0x10, s30, s14, $0xb8;
	[tilespmem:$0x5AF0] =	vst v63  }
0x4e: {  	s31 =	simm.s32 $0x410  }
0x4f: {  	[spmem:s1] =	stream.indirect.scatter.add.f32 [tilespmem:s15], [sflag:$0x1], $0x10, s31, s14, $0xb8;
	[tilespmem:$0x5AF0] =	vst v63  }
0x50: {  	s20 =	simm.s32 $0x460  }
0x51: {  	[spmem:s1] =	stream.indirect.scatter.add.f32 [tilespmem:s15], [sflag:$0x1], $0x10, s20, s14, $0xb8;
	[tilespmem:$0x5AF0] =	vst v63  }
0x52: {  	s21 =	simm.s32 $0x4B0  }
0x53: {  	[spmem:s1] =	stream.indirect.scatter.add.f32 [tilespmem:s15], [sflag:$0x1], $0x10, s21, s14, $0xb8;
	[tilespmem:$0x5AF0] =	vst v63  }
0x54: {  	s22 =	simm.s32 $0x500  }
0x55: {  	[spmem:s1] =	stream.indirect.scatter.add.f32 [tilespmem:s15], [sflag:$0x1], $0x10, s22, s14, $0xb8;
	[tilespmem:$0x5AF0] =	vst v63  }
0x56: {  	s23 =	simm.s32 $0x550  }
0x57: {  	[spmem:s1] =	stream.indirect.scatter.add.f32 [tilespmem:s15], [sflag:$0x1], $0x10, s23, s14, $0xb8;
	[tilespmem:$0x5AF0] =	vst v63  }
0x58: {  	s24 =	simm.s32 $0x5A0  }
0x59: {  	[spmem:s1] =	stream.indirect.scatter.add.f32 [tilespmem:s15], [sflag:$0x1], $0x10, s24, s14, $0xb8;
	[tilespmem:$0x5AF0] =	vst v63  }
0x5a: {  	s25 =	simm.s32 $0x5F0  }
0x5b: {  	[spmem:s1] =	stream.indirect.scatter.add.f32 [tilespmem:s15], [sflag:$0x1], $0x10, s25, s14, $0xb8;
	[tilespmem:$0x5AF0] =	vst v63  }
0x5c: {  	s26 =	simm.s32 $0x640  }
0x5d: {  	[spmem:s1] =	stream.indirect.scatter.add.f32 [tilespmem:s15], [sflag:$0x1], $0x10, s26, s14, $0xb8;
	[tilespmem:$0x5AF0] =	vst v63  }
0x5e: {  	s28 =	simm.s32 $0x690  }
0x5f: {  	[spmem:s1] =	stream.indirect.scatter.add.f32 [tilespmem:s15], [sflag:$0x1], $0x10, s28, s14, $0xb8;
	[tilespmem:$0x5AF0] =	vst v63  }
0x60: {  	s29 =	simm.s32 $0x6E0  }
0x61: {  	[spmem:s1] =	stream.indirect.scatter.add.f32 [tilespmem:s15], [sflag:$0x1], $0x10, s29, s14, $0xb8;
	[tilespmem:$0x5AF0] =	vst v63  }
0x62: {  	s30 =	simm.s32 $0x730  }
0x63: {  	[spmem:s1] =	stream.indirect.scatter.add.f32 [tilespmem:s15], [sflag:$0x1], $0x10, s30, s14, $0xb8;
	[tilespmem:$0x5AF0] =	vst v63  }
0x64: {  	s31 =	simm.s32 $0x780  }
0x65: {  	[spmem:s1] =	stream.indirect.scatter.add.f32 [tilespmem:s15], [sflag:$0x1], $0x10, s31, s14, $0xb8;
	[tilespmem:$0x5AF0] =	vst v63  }
0x66: {  	_ =	swait.ge [sflag:s16], $0x500  }
0x67: {  	[sflag:s16] =	ssyncset.done $0x0  }
0x68: {  	[sflag:s16] =	ssyncadd.s32 $0xFFFFFB00  }
0x69: {  	_ =	swait.ge [sflag:s16], $0x500  }
0x6a: {  	[sflag:s16] =	ssyncset.done $0x0  }
0x6b: {  	[sflag:s16] =	ssyncadd.s32 $0xFFFFFB00  }
0x6c: {  	_ =	swait.ge [sflag:s16], $0x500  }
0x6d: {  	[sflag:s16] =	ssyncset.done $0x0  }
0x6e: {  	[sflag:s16] =	ssyncadd.s32 $0xFFFFFB00  }
0x6f: {  	_ =	swait.ge [sflag:s16], $0x500  }
0x70: {  	[sflag:s16] =	ssyncset.done $0x0  }
0x71: {  	[sflag:s16] =	ssyncadd.s32 $0xFFFFFB00  }
0x72: {  	_ =	swait.ge [sflag:s16], $0x500  }
0x73: {  	[sflag:s16] =	ssyncset.done $0x0  }
0x74: {  	[sflag:s16] =	ssyncadd.s32 $0xFFFFFB00  }
0x75: {  	_ =	swait.ge [sflag:s16], $0x500  }
0x76: {  	[sflag:s16] =	ssyncset.done $0x0  }
0x77: {  	[sflag:s16] =	ssyncadd.s32 $0xFFFFFB00  }
0x78: {  	_ =	swait.ge [sflag:s16], $0x500  }
0x79: {  	[sflag:s16] =	ssyncset.done $0x0  }
0x7a: {  	[sflag:s16] =	ssyncadd.s32 $0xFFFFFB00  }
0x7b: {  	_ =	swait.ge [sflag:s16], $0x500  }
0x7c: {  	[sflag:s16] =	ssyncset.done $0x0  }
0x7d: {  	[sflag:s16] =	ssyncadd.s32 $0xFFFFFB00  }
0x7e: {  	_ =	swait.ge [sflag:s16], $0x500  }
0x7f: {  	[sflag:s16] =	ssyncset.done $0x0  }
0x80: {  	[sflag:s16] =	ssyncadd.s32 $0xFFFFFB00  }
0x81: {  	_ =	swait.ge [sflag:s16], $0x500  }
0x82: {  	[sflag:s16] =	ssyncset.done $0x0  }
0x83: {  	[sflag:s16] =	ssyncadd.s32 $0xFFFFFB00  }
0x84: {  	_ =	swait.ge [sflag:s16], $0x500  }
0x85: {  	[sflag:s16] =	ssyncset.done $0x0  }
0x86: {  	[sflag:s16] =	ssyncadd.s32 $0xFFFFFB00  }
0x87: {  	_ =	swait.ge [sflag:s16], $0x500  }
0x88: {  	[sflag:s16] =	ssyncset.done $0x0  }
0x89: {  	[sflag:s16] =	ssyncadd.s32 $0xFFFFFB00  }
0x8a: {  	_ =	swait.ge [sflag:s16], $0x500  }
0x8b: {  	[sflag:s16] =	ssyncset.done $0x0  }
0x8c: {  	[sflag:s16] =	ssyncadd.s32 $0xFFFFFB00  }
0x8d: {  	_ =	swait.ge [sflag:s16], $0x500  }
0x8e: {  	[sflag:s16] =	ssyncset.done $0x0  }
0x8f: {  	[sflag:s16] =	ssyncadd.s32 $0xFFFFFB00  }
0x90: {  	_ =	swait.ge [sflag:s16], $0x500  }
0x91: {  	[sflag:s16] =	ssyncset.done $0x0  }
0x92: {  	[sflag:s16] =	ssyncadd.s32 $0xFFFFFB00  }
0x93: {  	_ =	swait.ge [sflag:s16], $0x500  }
0x94: {  	[sflag:s16] =	ssyncset.done $0x0  }
0x95: {  	[sflag:s16] =	ssyncadd.s32 $0xFFFFFB00  }
0x96: {  	_ =	swait.ge [sflag:s16], $0x500  }
0x97: {  	[sflag:s16] =	ssyncset.done $0x0  }
0x98: {  	[sflag:s16] =	ssyncadd.s32 $0xFFFFFB00  }
0x99: {  	_ =	swait.ge [sflag:s16], $0x500  }
0x9a: {  	[sflag:s16] =	ssyncset.done $0x0  }
0x9b: {  	[sflag:s16] =	ssyncadd.s32 $0xFFFFFB00  }
0x9c: {  	_ =	swait.ge [sflag:s16], $0x500  }
0x9d: {  	[sflag:s16] =	ssyncset.done $0x0  }
0x9e: {  	[sflag:s16] =	ssyncadd.s32 $0xFFFFFB00  }
0x9f: {  	_ =	swait.ge [sflag:s16], $0x500  }
0xa0: {  	[sflag:s16] =	ssyncset.done $0x0  }
0xa1: {  	[sflag:s16] =	ssyncadd.s32 $0xFFFFFB00  }
0xa2: {  	_ =	swait.ge [sflag:s16], $0x500  }
0xa3: {  	[sflag:s16] =	ssyncset.done $0x0  }
0xa4: {  	[sflag:s16] =	ssyncadd.s32 $0xFFFFFB00  }
0xa5: {  	_ =	swait.ge [sflag:s16], $0x500  }
0xa6: {  	[sflag:s16] =	ssyncset.done $0x0  }
0xa7: {  	[sflag:s16] =	ssyncadd.s32 $0xFFFFFB00  }
0xa8: {  	_ =	swait.ge [sflag:s16], $0x500  }
0xa9: {  	[sflag:s16] =	ssyncset.done $0x0  }
0xaa: {  	[sflag:s16] =	ssyncadd.s32 $0xFFFFFB00  }
0xab: {  	_ =	swait.ge [sflag:s16], $0x500  }
0xac: {  	[sflag:s16] =	ssyncset.done $0x0  }
0xad: {  	[sflag:s16] =	ssyncadd.s32 $0xFFFFFB00  }
0xae: {  	_ =	swait.ge [sflag:s16], $0x500  }
0xaf: {  	s19 =	simm.s32 $0x1F40;
	s22 =	simm.s32 $0x3E80;
	[sflag:s16] =	ssyncset.done $0x0  }
.LBB2_6:
0xb0: {  	s21 =	sshra.s32 s19, $0x2  }
0xb1: {  	[sflag:s16] =	ssyncadd.s32 $0xFFFFFB00;
	s19 =	smov.u32 s22;
	s20 =	sadd.s32 $0x1F40, s22  }
0xb2: {  	[spmem:s1] =	stream.indirect.scatter.add.f32 [tilespmem:s15], [sflag:$0x1], $0x10, s21, s14, $0xb8;
	[tilespmem:$0x5AF0] =	vst v63  }
0xb3: {  	p0 =	sne.s32 s22, $0x7D00;
	s22 =	sadd.s32 $0x50, s21  }
0xb4: {  	[spmem:s1] =	stream.indirect.scatter.add.f32 [tilespmem:s15], [sflag:$0x1], $0x10, s22, s14, $0xb8;
	[tilespmem:$0x5AF0] =	vst v63  }
0xb5: {  	s22 =	sadd.s32 $0xA0, s21  }
0xb6: {  	[spmem:s1] =	stream.indirect.scatter.add.f32 [tilespmem:s15], [sflag:$0x1], $0x10, s22, s14, $0xb8;
	[tilespmem:$0x5AF0] =	vst v63  }
0xb7: {  	s22 =	sadd.s32 $0xF0, s21  }
0xb8: {  	[spmem:s1] =	stream.indirect.scatter.add.f32 [tilespmem:s15], [sflag:$0x1], $0x10, s22, s14, $0xb8;
	[tilespmem:$0x5AF0] =	vst v63  }
0xb9: {  	s22 =	sadd.s32 $0x140, s21  }
0xba: {  	[spmem:s1] =	stream.indirect.scatter.add.f32 [tilespmem:s15], [sflag:$0x1], $0x10, s22, s14, $0xb8;
	[tilespmem:$0x5AF0] =	vst v63  }
0xbb: {  	s22 =	sadd.s32 $0x190, s21  }
0xbc: {  	[spmem:s1] =	stream.indirect.scatter.add.f32 [tilespmem:s15], [sflag:$0x1], $0x10, s22, s14, $0xb8;
	[tilespmem:$0x5AF0] =	vst v63  }
0xbd: {  	s22 =	sadd.s32 $0x1E0, s21  }
0xbe: {  	[spmem:s1] =	stream.indirect.scatter.add.f32 [tilespmem:s15], [sflag:$0x1], $0x10, s22, s14, $0xb8;
	[tilespmem:$0x5AF0] =	vst v63  }
0xbf: {  	s22 =	sadd.s32 $0x230, s21  }
0xc0: {  	[spmem:s1] =	stream.indirect.scatter.add.f32 [tilespmem:s15], [sflag:$0x1], $0x10, s22, s14, $0xb8;
	[tilespmem:$0x5AF0] =	vst v63  }
0xc1: {  	s22 =	sadd.s32 $0x280, s21  }
0xc2: {  	[spmem:s1] =	stream.indirect.scatter.add.f32 [tilespmem:s15], [sflag:$0x1], $0x10, s22, s14, $0xb8;
	[tilespmem:$0x5AF0] =	vst v63  }
0xc3: {  	s22 =	sadd.s32 $0x2D0, s21  }
0xc4: {  	[spmem:s1] =	stream.indirect.scatter.add.f32 [tilespmem:s15], [sflag:$0x1], $0x10, s22, s14, $0xb8;
	[tilespmem:$0x5AF0] =	vst v63  }
0xc5: {  	s22 =	sadd.s32 $0x320, s21  }
0xc6: {  	[spmem:s1] =	stream.indirect.scatter.add.f32 [tilespmem:s15], [sflag:$0x1], $0x10, s22, s14, $0xb8;
	[tilespmem:$0x5AF0] =	vst v63  }
0xc7: {  	s22 =	sadd.s32 $0x370, s21  }
0xc8: {  	[spmem:s1] =	stream.indirect.scatter.add.f32 [tilespmem:s15], [sflag:$0x1], $0x10, s22, s14, $0xb8;
	[tilespmem:$0x5AF0] =	vst v63  }
0xc9: {  	s22 =	sadd.s32 $0x3C0, s21  }
0xca: {  	[spmem:s1] =	stream.indirect.scatter.add.f32 [tilespmem:s15], [sflag:$0x1], $0x10, s22, s14, $0xb8;
	[tilespmem:$0x5AF0] =	vst v63  }
0xcb: {  	s22 =	sadd.s32 $0x410, s21  }
0xcc: {  	[spmem:s1] =	stream.indirect.scatter.add.f32 [tilespmem:s15], [sflag:$0x1], $0x10, s22, s14, $0xb8;
	[tilespmem:$0x5AF0] =	vst v63  }
0xcd: {  	s22 =	sadd.s32 $0x460, s21  }
0xce: {  	[spmem:s1] =	stream.indirect.scatter.add.f32 [tilespmem:s15], [sflag:$0x1], $0x10, s22, s14, $0xb8;
	[tilespmem:$0x5AF0] =	vst v63  }
0xcf: {  	s22 =	sadd.s32 $0x4B0, s21  }
0xd0: {  	[spmem:s1] =	stream.indirect.scatter.add.f32 [tilespmem:s15], [sflag:$0x1], $0x10, s22, s14, $0xb8;
	[tilespmem:$0x5AF0] =	vst v63  }
0xd1: {  	s22 =	sadd.s32 $0x500, s21  }
0xd2: {  	[spmem:s1] =	stream.indirect.scatter.add.f32 [tilespmem:s15], [sflag:$0x1], $0x10, s22, s14, $0xb8;
	[tilespmem:$0x5AF0] =	vst v63  }
0xd3: {  	s22 =	sadd.s32 $0x550, s21  }
0xd4: {  	[spmem:s1] =	stream.indirect.scatter.add.f32 [tilespmem:s15], [sflag:$0x1], $0x10, s22, s14, $0xb8;
	[tilespmem:$0x5AF0] =	vst v63  }
0xd5: {  	s22 =	sadd.s32 $0x5A0, s21  }
0xd6: {  	[spmem:s1] =	stream.indirect.scatter.add.f32 [tilespmem:s15], [sflag:$0x1], $0x10, s22, s14, $0xb8;
	[tilespmem:$0x5AF0] =	vst v63  }
0xd7: {  	s22 =	sadd.s32 $0x5F0, s21  }
0xd8: {  	[spmem:s1] =	stream.indirect.scatter.add.f32 [tilespmem:s15], [sflag:$0x1], $0x10, s22, s14, $0xb8;
	[tilespmem:$0x5AF0] =	vst v63  }
0xd9: {  	s22 =	sadd.s32 $0x640, s21  }
0xda: {  	[spmem:s1] =	stream.indirect.scatter.add.f32 [tilespmem:s15], [sflag:$0x1], $0x10, s22, s14, $0xb8;
	[tilespmem:$0x5AF0] =	vst v63  }
0xdb: {  	s22 =	sadd.s32 $0x690, s21  }
0xdc: {  	[spmem:s1] =	stream.indirect.scatter.add.f32 [tilespmem:s15], [sflag:$0x1], $0x10, s22, s14, $0xb8;
	[tilespmem:$0x5AF0] =	vst v63  }
0xdd: {  	s22 =	sadd.s32 $0x6E0, s21  }
0xde: {  	[spmem:s1] =	stream.indirect.scatter.add.f32 [tilespmem:s15], [sflag:$0x1], $0x10, s22, s14, $0xb8;
	[tilespmem:$0x5AF0] =	vst v63  }
0xdf: {  	s22 =	sadd.s32 $0x730, s21  }
0xe0: {  	[spmem:s1] =	stream.indirect.scatter.add.f32 [tilespmem:s15], [sflag:$0x1], $0x10, s22, s14, $0xb8;
	[tilespmem:$0x5AF0] =	vst v63  }
0xe1: {  	s21 =	sadd.s32 $0x780, s21  }
0xe2: {  	[spmem:s1] =	stream.indirect.scatter.add.f32 [tilespmem:s15], [sflag:$0x1], $0x10, s21, s14, $0xb8;
	[tilespmem:$0x5AF0] =	vst v63  }
0xe3: {  	_ =	swait.ge [sflag:s16], $0x500  }
0xe4: {  	[sflag:s16] =	ssyncset.done $0x0  }
0xe5: {  	[sflag:s16] =	ssyncadd.s32 $0xFFFFFB00  }
0xe6: {  	_ =	swait.ge [sflag:s16], $0x500  }
0xe7: {  	[sflag:s16] =	ssyncset.done $0x0  }
0xe8: {  	[sflag:s16] =	ssyncadd.s32 $0xFFFFFB00  }
0xe9: {  	_ =	swait.ge [sflag:s16], $0x500  }
0xea: {  	[sflag:s16] =	ssyncset.done $0x0  }
0xeb: {  	[sflag:s16] =	ssyncadd.s32 $0xFFFFFB00  }
0xec: {  	_ =	swait.ge [sflag:s16], $0x500  }
0xed: {  	[sflag:s16] =	ssyncset.done $0x0  }
0xee: {  	[sflag:s16] =	ssyncadd.s32 $0xFFFFFB00  }
0xef: {  	_ =	swait.ge [sflag:s16], $0x500  }
0xf0: {  	[sflag:s16] =	ssyncset.done $0x0  }
0xf1: {  	[sflag:s16] =	ssyncadd.s32 $0xFFFFFB00  }
0xf2: {  	_ =	swait.ge [sflag:s16], $0x500  }
0xf3: {  	[sflag:s16] =	ssyncset.done $0x0  }
0xf4: {  	[sflag:s16] =	ssyncadd.s32 $0xFFFFFB00  }
0xf5: {  	_ =	swait.ge [sflag:s16], $0x500  }
0xf6: {  	[sflag:s16] =	ssyncset.done $0x0  }
0xf7: {  	[sflag:s16] =	ssyncadd.s32 $0xFFFFFB00  }
0xf8: {  	_ =	swait.ge [sflag:s16], $0x500  }
0xf9: {  	[sflag:s16] =	ssyncset.done $0x0  }
0xfa: {  	[sflag:s16] =	ssyncadd.s32 $0xFFFFFB00  }
0xfb: {  	_ =	swait.ge [sflag:s16], $0x500  }
0xfc: {  	[sflag:s16] =	ssyncset.done $0x0  }
0xfd: {  	[sflag:s16] =	ssyncadd.s32 $0xFFFFFB00  }
0xfe: {  	_ =	swait.ge [sflag:s16], $0x500  }
0xff: {  	[sflag:s16] =	ssyncset.done $0x0  }
0x100: {  	[sflag:s16] =	ssyncadd.s32 $0xFFFFFB00  }
0x101: {  	_ =	swait.ge [sflag:s16], $0x500  }
0x102: {  	[sflag:s16] =	ssyncset.done $0x0  }
0x103: {  	[sflag:s16] =	ssyncadd.s32 $0xFFFFFB00  }
0x104: {  	_ =	swait.ge [sflag:s16], $0x500  }
0x105: {  	[sflag:s16] =	ssyncset.done $0x0  }
0x106: {  	[sflag:s16] =	ssyncadd.s32 $0xFFFFFB00  }
0x107: {  	_ =	swait.ge [sflag:s16], $0x500  }
0x108: {  	[sflag:s16] =	ssyncset.done $0x0  }
0x109: {  	[sflag:s16] =	ssyncadd.s32 $0xFFFFFB00  }
0x10a: {  	_ =	swait.ge [sflag:s16], $0x500  }
0x10b: {  	[sflag:s16] =	ssyncset.done $0x0  }
0x10c: {  	[sflag:s16] =	ssyncadd.s32 $0xFFFFFB00  }
0x10d: {  	_ =	swait.ge [sflag:s16], $0x500  }
0x10e: {  	[sflag:s16] =	ssyncset.done $0x0  }
0x10f: {  	[sflag:s16] =	ssyncadd.s32 $0xFFFFFB00  }
0x110: {  	_ =	swait.ge [sflag:s16], $0x500  }
0x111: {  	[sflag:s16] =	ssyncset.done $0x0  }
0x112: {  	[sflag:s16] =	ssyncadd.s32 $0xFFFFFB00  }
0x113: {  	_ =	swait.ge [sflag:s16], $0x500  }
0x114: {  	[sflag:s16] =	ssyncset.done $0x0  }
0x115: {  	[sflag:s16] =	ssyncadd.s32 $0xFFFFFB00  }
0x116: {  	_ =	swait.ge [sflag:s16], $0x500  }
0x117: {  	[sflag:s16] =	ssyncset.done $0x0  }
0x118: {  	[sflag:s16] =	ssyncadd.s32 $0xFFFFFB00  }
0x119: {  	_ =	swait.ge [sflag:s16], $0x500  }
0x11a: {  	[sflag:s16] =	ssyncset.done $0x0  }
0x11b: {  	[sflag:s16] =	ssyncadd.s32 $0xFFFFFB00  }
0x11c: {  	_ =	swait.ge [sflag:s16], $0x500  }
0x11d: {  	[sflag:s16] =	ssyncset.done $0x0  }
0x11e: {  	[sflag:s16] =	ssyncadd.s32 $0xFFFFFB00  }
0x11f: {  	_ =	swait.ge [sflag:s16], $0x500  }
0x120: {  	[sflag:s16] =	ssyncset.done $0x0  }
0x121: {  	[sflag:s16] =	ssyncadd.s32 $0xFFFFFB00  }
0x122: {  	_ =	swait.ge [sflag:s16], $0x500  }
0x123: {  	[sflag:s16] =	ssyncset.done $0x0  }
0x124: {  	[sflag:s16] =	ssyncadd.s32 $0xFFFFFB00  }
0x125: {  	_ =	swait.ge [sflag:s16], $0x500  }
0x126: {  	[sflag:s16] =	ssyncset.done $0x0  }
0x127: {  	[sflag:s16] =	ssyncadd.s32 $0xFFFFFB00  }
.Ltmp2:
0x128: {  	_ =	swait.ge [sflag:s16], $0x500;
	(pc) =	sbr.rel @p0 .LBB2_6-.Ltmp2, $4  }
0x129: {  	[sflag:s16] =	ssyncset.done $0x0  }
0x12a: {  	[sflag:s16] =	ssyncadd.s32 $0xFFFFFB00  }
0x12b: {  	_ =	swait.ge [sflag:s16], $0x500  }
0x12c: {  	s22 =	smov.u32 s20;
	[sflag:s16] =	ssyncset.done $0x0  }
0x12d: {  	s19 =	sshra.s32 s19, $0x2;
	[sflag:s16] =	ssyncadd.s32 $0xFFFFFB00  }
0x12e: {  	[spmem:s1] =	stream.indirect.scatter.add.f32 [tilespmem:s15], [sflag:$0x1], $0x10, s19, s14, $0xb8;
	[tilespmem:$0x5AF0] =	vst v63  }
0x12f: {  	s20 =	sadd.s32 $0x50, s19  }
0x130: {  	[spmem:s1] =	stream.indirect.scatter.add.f32 [tilespmem:s15], [sflag:$0x1], $0x10, s20, s14, $0xb8;
	[tilespmem:$0x5AF0] =	vst v63  }
0x131: {  	s30 =	sadd.s32 $0xA0, s19  }
0x132: {  	[spmem:s1] =	stream.indirect.scatter.add.f32 [tilespmem:s15], [sflag:$0x1], $0x10, s30, s14, $0xb8;
	[tilespmem:$0x5AF0] =	vst v63  }
0x133: {  	s31 =	sadd.s32 $0xF0, s19  }
0x134: {  	[spmem:s1] =	stream.indirect.scatter.add.f32 [tilespmem:s15], [sflag:$0x1], $0x10, s31, s14, $0xb8;
	[tilespmem:$0x5AF0] =	vst v63  }
0x135: {  	s21 =	sadd.s32 $0x140, s19  }
0x136: {  	[spmem:s1] =	stream.indirect.scatter.add.f32 [tilespmem:s15], [sflag:$0x1], $0x10, s21, s14, $0xb8;
	[tilespmem:$0x5AF0] =	vst v63  }
0x137: {  	s22 =	sadd.s32 $0x190, s19  }
0x138: {  	[spmem:s1] =	stream.indirect.scatter.add.f32 [tilespmem:s15], [sflag:$0x1], $0x10, s22, s14, $0xb8;
	[tilespmem:$0x5AF0] =	vst v63  }
0x139: {  	s23 =	sadd.s32 $0x1E0, s19  }
0x13a: {  	[spmem:s1] =	stream.indirect.scatter.add.f32 [tilespmem:s15], [sflag:$0x1], $0x10, s23, s14, $0xb8;
	[tilespmem:$0x5AF0] =	vst v63  }
0x13b: {  	s24 =	sadd.s32 $0x230, s19  }
0x13c: {  	[spmem:s1] =	stream.indirect.scatter.add.f32 [tilespmem:s15], [sflag:$0x1], $0x10, s24, s14, $0xb8;
	[tilespmem:$0x5AF0] =	vst v63  }
0x13d: {  	s25 =	sadd.s32 $0x280, s19  }
0x13e: {  	[spmem:s1] =	stream.indirect.scatter.add.f32 [tilespmem:s15], [sflag:$0x1], $0x10, s25, s14, $0xb8;
	[tilespmem:$0x5AF0] =	vst v63  }
0x13f: {  	s26 =	sadd.s32 $0x2D0, s19  }
0x140: {  	[spmem:s1] =	stream.indirect.scatter.add.f32 [tilespmem:s15], [sflag:$0x1], $0x10, s26, s14, $0xb8;
	[tilespmem:$0x5AF0] =	vst v63  }
0x141: {  	s28 =	sadd.s32 $0x320, s19  }
0x142: {  	[spmem:s1] =	stream.indirect.scatter.add.f32 [tilespmem:s15], [sflag:$0x1], $0x10, s28, s14, $0xb8;
	[tilespmem:$0x5AF0] =	vst v63  }
0x143: {  	s29 =	sadd.s32 $0x370, s19  }
0x144: {  	[spmem:s1] =	stream.indirect.scatter.add.f32 [tilespmem:s15], [sflag:$0x1], $0x10, s29, s14, $0xb8;
	[tilespmem:$0x5AF0] =	vst v63  }
0x145: {  	s30 =	sadd.s32 $0x3C0, s19  }
0x146: {  	[spmem:s1] =	stream.indirect.scatter.add.f32 [tilespmem:s15], [sflag:$0x1], $0x10, s30, s14, $0xb8;
	[tilespmem:$0x5AF0] =	vst v63  }
0x147: {  	s31 =	sadd.s32 $0x410, s19  }
0x148: {  	[spmem:s1] =	stream.indirect.scatter.add.f32 [tilespmem:s15], [sflag:$0x1], $0x10, s31, s14, $0xb8;
	[tilespmem:$0x5AF0] =	vst v63  }
0x149: {  	s21 =	sadd.s32 $0x460, s19  }
0x14a: {  	[spmem:s1] =	stream.indirect.scatter.add.f32 [tilespmem:s15], [sflag:$0x1], $0x10, s21, s14, $0xb8;
	[tilespmem:$0x5AF0] =	vst v63  }
0x14b: {  	s22 =	sadd.s32 $0x4B0, s19  }
0x14c: {  	[spmem:s1] =	stream.indirect.scatter.add.f32 [tilespmem:s15], [sflag:$0x1], $0x10, s22, s14, $0xb8;
	[tilespmem:$0x5AF0] =	vst v63  }
0x14d: {  	s23 =	sadd.s32 $0x500, s19  }
0x14e: {  	[spmem:s1] =	stream.indirect.scatter.add.f32 [tilespmem:s15], [sflag:$0x1], $0x10, s23, s14, $0xb8;
	[tilespmem:$0x5AF0] =	vst v63  }
0x14f: {  	s24 =	sadd.s32 $0x550, s19  }
0x150: {  	[spmem:s1] =	stream.indirect.scatter.add.f32 [tilespmem:s15], [sflag:$0x1], $0x10, s24, s14, $0xb8;
	[tilespmem:$0x5AF0] =	vst v63  }
0x151: {  	s25 =	sadd.s32 $0x5A0, s19  }
0x152: {  	[spmem:s1] =	stream.indirect.scatter.add.f32 [tilespmem:s15], [sflag:$0x1], $0x10, s25, s14, $0xb8;
	[tilespmem:$0x5AF0] =	vst v63  }
0x153: {  	s26 =	sadd.s32 $0x5F0, s19  }
0x154: {  	[spmem:s1] =	stream.indirect.scatter.add.f32 [tilespmem:s15], [sflag:$0x1], $0x10, s26, s14, $0xb8;
	[tilespmem:$0x5AF0] =	vst v63  }
0x155: {  	s28 =	sadd.s32 $0x640, s19  }
0x156: {  	[spmem:s1] =	stream.indirect.scatter.add.f32 [tilespmem:s15], [sflag:$0x1], $0x10, s28, s14, $0xb8;
	[tilespmem:$0x5AF0] =	vst v63  }
0x157: {  	s29 =	sadd.s32 $0x690, s19  }
0x158: {  	[spmem:s1] =	stream.indirect.scatter.add.f32 [tilespmem:s15], [sflag:$0x1], $0x10, s29, s14, $0xb8;
	[tilespmem:$0x5AF0] =	vst v63  }
0x159: {  	s30 =	sadd.s32 $0x6E0, s19  }
0x15a: {  	[spmem:s1] =	stream.indirect.scatter.add.f32 [tilespmem:s15], [sflag:$0x1], $0x10, s30, s14, $0xb8;
	[tilespmem:$0x5AF0] =	vst v63  }
0x15b: {  	s31 =	sadd.s32 $0x730, s19  }
0x15c: {  	[spmem:s1] =	stream.indirect.scatter.add.f32 [tilespmem:s15], [sflag:$0x1], $0x10, s31, s14, $0xb8;
	[tilespmem:$0x5AF0] =	vst v63  }
0x15d: {  	s19 =	sadd.s32 $0x780, s19  }
0x15e: {  	[spmem:s1] =	stream.indirect.scatter.add.f32 [tilespmem:s15], [sflag:$0x1], $0x10, s19, s14, $0xb8;
	[tilespmem:$0x5AF0] =	vst v63  }
0x15f: {  	_ =	swait.ge [sflag:s16], $0x500  }
0x160: {  	[sflag:s16] =	ssyncset.done $0x0  }
0x161: {  	[sflag:s16] =	ssyncadd.s32 $0xFFFFFB00  }
0x162: {  	_ =	swait.ge [sflag:s16], $0x500  }
0x163: {  	[sflag:s16] =	ssyncset.done $0x0  }
0x164: {  	[sflag:s16] =	ssyncadd.s32 $0xFFFFFB00  }
0x165: {  	_ =	swait.ge [sflag:s16], $0x500  }
0x166: {  	[sflag:s16] =	ssyncset.done $0x0  }
0x167: {  	[sflag:s16] =	ssyncadd.s32 $0xFFFFFB00  }
0x168: {  	_ =	swait.ge [sflag:s16], $0x500  }
0x169: {  	[sflag:s16] =	ssyncset.done $0x0  }
0x16a: {  	[sflag:s16] =	ssyncadd.s32 $0xFFFFFB00  }
0x16b: {  	_ =	swait.ge [sflag:s16], $0x500  }
0x16c: {  	[sflag:s16] =	ssyncset.done $0x0  }
0x16d: {  	[sflag:s16] =	ssyncadd.s32 $0xFFFFFB00  }
0x16e: {  	_ =	swait.ge [sflag:s16], $0x500  }
0x16f: {  	[sflag:s16] =	ssyncset.done $0x0  }
0x170: {  	[sflag:s16] =	ssyncadd.s32 $0xFFFFFB00  }
0x171: {  	_ =	swait.ge [sflag:s16], $0x500  }
0x172: {  	[sflag:s16] =	ssyncset.done $0x0  }
0x173: {  	[sflag:s16] =	ssyncadd.s32 $0xFFFFFB00  }
0x174: {  	_ =	swait.ge [sflag:s16], $0x500  }
0x175: {  	[sflag:s16] =	ssyncset.done $0x0  }
0x176: {  	[sflag:s16] =	ssyncadd.s32 $0xFFFFFB00  }
0x177: {  	_ =	swait.ge [sflag:s16], $0x500  }
0x178: {  	[sflag:s16] =	ssyncset.done $0x0  }
0x179: {  	[sflag:s16] =	ssyncadd.s32 $0xFFFFFB00  }
0x17a: {  	_ =	swait.ge [sflag:s16], $0x500  }
0x17b: {  	[sflag:s16] =	ssyncset.done $0x0  }
0x17c: {  	[sflag:s16] =	ssyncadd.s32 $0xFFFFFB00  }
0x17d: {  	_ =	swait.ge [sflag:s16], $0x500  }
0x17e: {  	[sflag:s16] =	ssyncset.done $0x0  }
0x17f: {  	[sflag:s16] =	ssyncadd.s32 $0xFFFFFB00  }
0x180: {  	_ =	swait.ge [sflag:s16], $0x500  }
0x181: {  	[sflag:s16] =	ssyncset.done $0x0  }
0x182: {  	[sflag:s16] =	ssyncadd.s32 $0xFFFFFB00  }
0x183: {  	_ =	swait.ge [sflag:s16], $0x500  }
0x184: {  	[sflag:s16] =	ssyncset.done $0x0  }
0x185: {  	[sflag:s16] =	ssyncadd.s32 $0xFFFFFB00  }
0x186: {  	_ =	swait.ge [sflag:s16], $0x500  }
0x187: {  	[sflag:s16] =	ssyncset.done $0x0  }
0x188: {  	[sflag:s16] =	ssyncadd.s32 $0xFFFFFB00  }
0x189: {  	_ =	swait.ge [sflag:s16], $0x500  }
0x18a: {  	[sflag:s16] =	ssyncset.done $0x0  }
0x18b: {  	[sflag:s16] =	ssyncadd.s32 $0xFFFFFB00  }
0x18c: {  	_ =	swait.ge [sflag:s16], $0x500  }
0x18d: {  	[sflag:s16] =	ssyncset.done $0x0  }
0x18e: {  	[sflag:s16] =	ssyncadd.s32 $0xFFFFFB00  }
0x18f: {  	_ =	swait.ge [sflag:s16], $0x500  }
0x190: {  	[sflag:s16] =	ssyncset.done $0x0  }
0x191: {  	[sflag:s16] =	ssyncadd.s32 $0xFFFFFB00  }
0x192: {  	_ =	swait.ge [sflag:s16], $0x500  }
0x193: {  	[sflag:s16] =	ssyncset.done $0x0  }
0x194: {  	[sflag:s16] =	ssyncadd.s32 $0xFFFFFB00  }
0x195: {  	_ =	swait.ge [sflag:s16], $0x500  }
0x196: {  	[sflag:s16] =	ssyncset.done $0x0  }
0x197: {  	[sflag:s16] =	ssyncadd.s32 $0xFFFFFB00  }
0x198: {  	_ =	swait.ge [sflag:s16], $0x500  }
0x199: {  	[sflag:s16] =	ssyncset.done $0x0  }
0x19a: {  	[sflag:s16] =	ssyncadd.s32 $0xFFFFFB00  }
0x19b: {  	_ =	swait.ge [sflag:s16], $0x500  }
0x19c: {  	[sflag:s16] =	ssyncset.done $0x0  }
0x19d: {  	[sflag:s16] =	ssyncadd.s32 $0xFFFFFB00  }
0x19e: {  	_ =	swait.ge [sflag:s16], $0x500  }
0x19f: {  	[sflag:s16] =	ssyncset.done $0x0  }
0x1a0: {  	[sflag:s16] =	ssyncadd.s32 $0xFFFFFB00  }
0x1a1: {  	_ =	swait.ge [sflag:s16], $0x500  }
0x1a2: {  	[sflag:s16] =	ssyncset.done $0x0  }
0x1a3: {  	[sflag:s16] =	ssyncadd.s32 $0xFFFFFB00  }
0x1a4: {  	_ =	swait.ge [sflag:s16], $0x500  }
0x1a5: {  	[sflag:s16] =	ssyncset.done $0x0  }
0x1a6: {  	[sflag:s16] =	ssyncadd.s32 $0xFFFFFB00  }
0x1a7: {  	_ =	swait.ge [sflag:s16], $0x500  }
0x1a8: {  	s3 =	sadd.s32 $0x1, s3;
	[sflag:s16] =	ssyncset.done $0x0  }
0x1a9: {  	p0 =	sne.s32 s3, s6;
	[sflag:s16] =	ssyncadd.s32 $0xFFFFFB00  }
.Ltmp3:
0x1aa: {  	[bflag:$0x0] =	sbarrier.arrive $0xFFFF;
	(pc) =	sbr.rel @p0 .LBB2_1-.Ltmp3, $4  }
0x1ab: {  	[hbm:s5], [sflag:s17] =	dma.local [spmem:s18], $0x4E2  }
0x1ac: {  	_ =	swait.ge [sflag:s12], $0x4E2  }
0x1ad: {  	[sflag:s12] =	ssyncset.done $0x0  }
0x1ae: {  	[sflag:s12] =	ssyncadd.s32 $0xFFFFFB1E  }
0x1af: {  	_ =	sfence.sel $0x180000  }
0x1b0: {  	[bflag:$0x0] =	sbarrier.arrive $0xFFFF  }
0x1b1: {  	p0 =	sne.s32 s2, $0x0;
	_ =	strace $0x90000047  }
0x1b2: {  	s0 =	sadd.s32 @!p0 $0x100000, s0;
	[bflag:$0x2] =	sbarrier.arrive $0xFFFF  }
0x1b3: {  	[sflag:s0] =	ssyncadd.tile.s32 @!p0 $0x1;
	_ =	shalt  }
.Lfunc_end2:
_tile_overlayer_lowered:
.L_overlay_start_2:
0x1b4: {  	(tag) =	ssettag $0x2  }
0x1b5: {  	s0 =	rddreg [dreg:$0x0];
	s2 =	stileid.u32  }
0x1b6: {  	s1 =	rddreg [dreg:$0x1];
	p0 =	sne.s32 s2, $0x0  }
0x1b7: {  	s3 =	rddreg [dreg:$0x2];
	[bflag:$0x3] =	sbarrier.arrive $0xFFFF;
	s2 =	simm.s32 @!p0 $0x1C02  }
0x1b8: {  	[timem:s3], [sflag:s2] =	dma.local @!p0 [hbm:s0], s1  }
0x1b9: {  	s0 =	simm.s32 @!p0 $0x2  }
0x1ba: {  	_ =	swait.ge @!p0 [sflag:s0], s1  }
0x1bb: {  	s1 =	ssub.s32 @!p0 $0x0, s1;
	[sflag:s0] =	ssyncset.done @!p0 $0x0  }
0x1bc: {  	[sflag:s0] =	ssyncadd.s32 @!p0 s1  }
0x1bd: {  	[bflag:$0x3] =	sbarrier.arrive $0xFFFF  }
0x1be: {  	_ =	shalt  }

</sc_bundles>
